<compile_context>
chip_gen: v7x
topology: tpu7x:2x2x1
jax: 0.10.2.dev20260603
libtpu: 0.0.44.dev20260713+nightly
codegen_flags: <defaults>
</compile_context>

<pallas_src>
import functools

import jax
import jax.numpy as jnp
from jax import lax
from jax.experimental import pallas as pl
from jax.experimental.pallas import tpu as pltpu
from jax.experimental.pallas import tpu_sc as plsc

NC = 2
NS = 16
K = 128
G = 8


def _sc_degree(dst_p, ndeg):
    C = dst_p.shape[2]
    per = ndeg // NS
    mesh = plsc.VectorSubcoreMesh(core_axis_name="c", subcore_axis_name="s")

    @functools.partial(
        pl.kernel,
        out_type=jax.ShapeDtypeStruct((NC, 1, ndeg), jnp.float32),
        mesh=mesh,
        scratch_types=[
            pltpu.VMEM((G, K), jnp.int32),
            pltpu.VMEM((K,), jnp.float32),
            pltpu.VMEM((per,), jnp.float32),
            pltpu.VMEM_SHARED((ndeg,), jnp.float32),
        ],
    )
    def deg_kernel(dst_hbm, out_hbm, idx_v, ones_v, zbuf_v, acc_sh):
        cid = lax.axis_index("c")
        sid = lax.axis_index("s")

        def fill_ones(i, c):
            ones_v[pl.ds(i * 16, 16)] = jnp.full((16,), 1.0, jnp.float32)
            return c

        lax.fori_loop(0, K // 16, fill_ones, 0)

        def fill_zero(i, c):
            zbuf_v[pl.ds(i * 16, 16)] = jnp.zeros((16,), jnp.float32)
            return c

        lax.fori_loop(0, per // 16, fill_zero, 0)
        pltpu.sync_copy(zbuf_v, acc_sh.at[pl.ds(sid * per, per)])
        plsc.subcore_barrier()

        def body(j, c):
            g = j // G
            r = j % G

            @pl.when(r == 0)
            def _():
                pltpu.sync_copy(dst_hbm.at[cid, sid, pl.ds(g * G, G)], idx_v)

            pltpu.sync_copy(ones_v, acc_sh.at[idx_v.at[r]], add=True)
            return c

        lax.fori_loop(0, C, body, 0)
        plsc.subcore_barrier()
        pltpu.sync_copy(acc_sh.at[pl.ds(sid * per, per)],
                        out_hbm.at[cid, 0, pl.ds(sid * per, per)])

    return deg_kernel(dst_p)


@functools.lru_cache(maxsize=None)
def _sc_scatter_build(n, d, C, nacc):
    zper = nacc // NS
    mesh = plsc.VectorSubcoreMesh(core_axis_name="c", subcore_axis_name="s")

    @functools.partial(
        pl.kernel,
        out_type=jax.ShapeDtypeStruct((NC, nacc, d), jnp.float32),
        mesh=mesh,
        scratch_types=[
            pltpu.VMEM((2, G, K), jnp.int32),
            pltpu.VMEM((2, G, K), jnp.int32),
            pltpu.VMEM((2, K, d), jnp.float32),
            pltpu.VMEM_SHARED((nacc, d), jnp.float32),
            pltpu.SemaphoreType.DMA((2,)),
            pltpu.SemaphoreType.DMA((2,)),
        ],
    )
    def scat_kernel(hs_hbm, src_hbm, dst_hbm, out_hbm,
                    sidx_v, didx_v, rows_v, acc_sh, gsem, ssem):
        cid = lax.axis_index("c")
        sid = lax.axis_index("s")

        def fill_zero(t, c):
            rows_v[0, t // (d // 16), pl.ds((t % (d // 16)) * 16, 16)] = (
                jnp.zeros((16,), jnp.float32))
            return c

        lax.fori_loop(0, K * d // 16, fill_zero, 0)

        def zero_acc_start(t, c):
            pltpu.async_copy(rows_v.at[0],
                             acc_sh.at[pl.ds(sid * zper + t * K, K)],
                             gsem.at[0])
            return c

        lax.fori_loop(0, zper // K, zero_acc_start, 0)

        def zero_acc_wait(t, c):
            pltpu.make_async_copy(
                rows_v.at[0], acc_sh.at[pl.ds(sid * zper + t * K, K)],
                gsem.at[0]).wait()
            return c

        lax.fori_loop(0, zper // K, zero_acc_wait, 0)
        plsc.subcore_barrier()

        def gather_start(j):
            pltpu.async_copy(
                hs_hbm.at[sidx_v.at[(j // G) % 2, j % G]],
                rows_v.at[j % 2], gsem.at[j % 2])

        def scat_descr(j):
            return pltpu.make_async_copy(
                rows_v.at[j % 2],
                acc_sh.at[didx_v.at[(j // G) % 2, j % G]],
                ssem.at[j % 2])

        pltpu.sync_copy(src_hbm.at[cid, sid, pl.ds(0, G)], sidx_v.at[0])
        pltpu.sync_copy(dst_hbm.at[cid, sid, pl.ds(0, G)], didx_v.at[0])
        gather_start(0)

        def body(j, c):
            g = j // G
            r = j % G

            @pl.when(jnp.logical_and(r == 0, g + 1 < C // G))
            def _():
                pltpu.sync_copy(src_hbm.at[cid, sid, pl.ds((g + 1) * G, G)],
                                sidx_v.at[(g + 1) % 2])
                pltpu.sync_copy(dst_hbm.at[cid, sid, pl.ds((g + 1) * G, G)],
                                didx_v.at[(g + 1) % 2])

            @pl.when(j >= 1)
            def _():
                scat_descr(j - 1).wait()

            @pl.when(j + 1 < C)
            def _():
                gather_start(j + 1)

            pltpu.make_async_copy(
                hs_hbm.at[sidx_v.at[g % 2, r]], rows_v.at[j % 2],
                gsem.at[j % 2]).wait()
            scat_descr(j).start(add=True)
            return c

        lax.fori_loop(0, C, body, 0)
        scat_descr(C - 1).wait()
        plsc.subcore_barrier()

        def writeout_start(t, c):
            base = sid * zper + t * K
            pltpu.async_copy(acc_sh.at[pl.ds(base, K)],
                             out_hbm.at[cid, pl.ds(base, K)], gsem.at[0])
            return c

        lax.fori_loop(0, zper // K, writeout_start, 0)

        def writeout_wait(t, c):
            base = sid * zper + t * K
            pltpu.make_async_copy(acc_sh.at[pl.ds(base, K)],
                                  out_hbm.at[cid, pl.ds(base, K)],
                                  gsem.at[0]).wait()
            return c

        lax.fori_loop(0, zper // K, writeout_wait, 0)

    return scat_kernel


def _sc_scatter(hs, src_p, dst_p, nacc):
    return _sc_scatter_build(hs.shape[0], hs.shape[1], src_p.shape[2], nacc)(
        hs, src_p, dst_p)


def _tc_matmul(x, w):
    n, d = x.shape
    h = w.shape[1]
    br = 1000

    def body(x_ref, w_ref, o_ref):
        o_ref[...] = jnp.dot(x_ref[...], w_ref[...],
                             preferred_element_type=jnp.float32)

    return pl.pallas_call(
        body,
        grid=(n // br,),
        in_specs=[
            pl.BlockSpec((br, d), lambda i: (i, 0)),
            pl.BlockSpec((d, h), lambda i: (0, 0)),
        ],
        out_specs=pl.BlockSpec((br, h), lambda i: (i, 0)),
        out_shape=jax.ShapeDtypeStruct((n, h), jnp.float32),
    )(x, w)


def _tc_scale(h1, deg_p):
    n, h = h1.shape
    ndeg = deg_p.shape[1]

    def body(p_ref, h_ref, o_ref, d_ref):
        dr = lax.rsqrt(1.0 + jnp.sum(p_ref[...], axis=0, keepdims=True))
        dcol = jnp.transpose(dr)[:n]
        d_ref[...] = dcol
        o_ref[...] = h_ref[...] * dcol

    return pl.pallas_call(
        body,
        out_shape=[
            jax.ShapeDtypeStruct((n, h), jnp.float32),
            jax.ShapeDtypeStruct((n, 1), jnp.float32),
        ],
    )(deg_p, h1)


def _tc_mid(parts, hs, dinv, b, w):
    n, d = hs.shape
    h = w.shape[1]
    br = 1000

    def body(p_ref, hs_ref, d_ref, b_ref, w_ref, o_ref):
        s = p_ref[0] + p_ref[1] + hs_ref[...]
        z = jnp.maximum(s * d_ref[...] + b_ref[...], 0.0)
        o_ref[...] = jnp.dot(z, w_ref[...],
                             preferred_element_type=jnp.float32) * d_ref[...]

    return pl.pallas_call(
        body,
        grid=(n // br,),
        in_specs=[
            pl.BlockSpec((NC, br, d), lambda i: (0, i, 0)),
            pl.BlockSpec((br, d), lambda i: (i, 0)),
            pl.BlockSpec((br, 1), lambda i: (i, 0)),
            pl.BlockSpec((1, d), lambda i: (0, 0)),
            pl.BlockSpec((d, h), lambda i: (0, 0)),
        ],
        out_specs=pl.BlockSpec((br, h), lambda i: (i, 0)),
        out_shape=jax.ShapeDtypeStruct((n, h), jnp.float32),
    )(parts, hs, dinv, b, w)


def _tc_final(parts, hs, dinv, b, wl, bl):
    n, d = hs.shape
    out = wl.shape[1]
    br = 1000
    g = n // br

    def body(p_ref, hs_ref, d_ref, b_ref, wl_ref, bl_ref, o_ref, acc_ref):
        i = pl.program_id(0)

        @pl.when(i == 0)
        def _():
            acc_ref[...] = jnp.zeros_like(acc_ref)

        s = p_ref[0] + p_ref[1] + hs_ref[...]
        z = jnp.maximum(s * d_ref[...] + b_ref[...], 0.0)
        acc_ref[...] += jnp.sum(z, axis=0, keepdims=True)

        @pl.when(i == g - 1)
        def _():
            o_ref[...] = jnp.dot(acc_ref[...] * (1.0 / n), wl_ref[...],
                                 preferred_element_type=jnp.float32) + bl_ref[...]

    return pl.pallas_call(
        body,
        grid=(g,),
        in_specs=[
            pl.BlockSpec((NC, br, d), lambda i: (0, i, 0)),
            pl.BlockSpec((br, d), lambda i: (i, 0)),
            pl.BlockSpec((br, 1), lambda i: (i, 0)),
            pl.BlockSpec((1, d), lambda i: (0, 0)),
            pl.BlockSpec((d, out), lambda i: (0, 0)),
            pl.BlockSpec((1, out), lambda i: (0, 0)),
        ],
        out_specs=pl.BlockSpec((1, out), lambda i: (0, 0)),
        out_shape=jax.ShapeDtypeStruct((1, out), jnp.float32),
        scratch_shapes=[pltpu.VMEM((1, d), jnp.float32)],
    )(parts, hs, dinv, b, wl, bl)


def kernel(x, edge_index, W1, b1, W2, b2, Wl, bl):
    n, d = x.shape
    e = edge_index.shape[1]
    c_per_tile = -(-e // (NC * NS * K * G)) * G
    e_pad = NC * NS * c_per_tile * K
    pad = e_pad - e

    nacc = ((n + 16) + (NS * K) - 1) // (NS * K) * (NS * K)
    ndeg = nacc
    ar = jnp.arange(pad, dtype=jnp.int32)
    src_p = jnp.concatenate([edge_index[0], (ar * 97) % n])
    dst_p = jnp.concatenate([edge_index[1], n + ar % (nacc - n)])
    src_p = src_p.reshape(NC, NS, c_per_tile, K)
    dst_p = dst_p.reshape(NC, NS, c_per_tile, K)

    deg_p = _sc_degree(dst_p, ndeg).reshape(NC, ndeg)
    h1 = _tc_matmul(x, W1)
    hs1, dinv = _tc_scale(h1, deg_p)
    p1 = _sc_scatter(hs1, src_p, dst_p, nacc)
    hs2 = _tc_mid(p1, hs1, dinv, b1.reshape(1, -1), W2)
    p2 = _sc_scatter(hs2, src_p, dst_p, nacc)
    res = _tc_final(p2, hs2, dinv, b2.reshape(1, -1), Wl, bl.reshape(1, -1))
    return res.reshape(-1)

# --- scband reference (transcript-rebuilt; emitter-appended) ---
"""Pipeline reference for scband-gcn-31284541784605 (READ-ONLY COPY).

The authoritative reference and input builder live on the scoring server;
editing this copy changes nothing except your own understanding.
"""

import jax, jax.numpy as jnp
import numpy as np

N = 10000
E = 320000
D = 128
H = 128
OUT = 128


def setup_inputs(seed: int = 0) -> dict:
    key = jax.random.key(seed)
    ks = jax.random.split(key, 9)
    x = jax.random.normal(ks[0], (N, D), dtype=jnp.float32)
    edge_index = jax.random.randint(ks[1], (2, E), 0, N, dtype=jnp.int32)
    W1 = jax.random.normal(ks[2], (D, H), dtype=jnp.float32) * 0.05
    b1 = jnp.zeros((H,), dtype=jnp.float32)
    W2 = jax.random.normal(ks[3], (H, H), dtype=jnp.float32) * 0.05
    b2 = jnp.zeros((H,), dtype=jnp.float32)
    Wl = jax.random.normal(ks[4], (H, OUT), dtype=jnp.float32) * 0.05
    bl = jnp.zeros((OUT,), dtype=jnp.float32)
    return {"x": x, "edge_index": edge_index, "W1": W1, "b1": b1, "W2": W2, "b2": b2, "Wl": Wl, "bl": bl}


def _gcn_conv(x, edge_index, W, b):
    # GCNConv: out = D^{-1/2} (A + I) D^{-1/2} X W + b
    src = edge_index[0]
    dst = edge_index[1]
    loop = jnp.arange(N, dtype=src.dtype)
    src = jnp.concatenate([src, loop])
    dst = jnp.concatenate([dst, loop])
    deg = jax.ops.segment_sum(jnp.ones_like(src, dtype=jnp.float32), dst, num_segments=N)
    dinv = jnp.where(deg > 0, jax.lax.rsqrt(deg), 0.0)
    norm = dinv[src] * dinv[dst]
    h = x @ W
    msg = h[src] * norm[:, None]
    out = jax.ops.segment_sum(msg, dst, num_segments=N)
    return out + b


def reference(x, edge_index, W1, b1, W2, b2, Wl, bl):
    h = jax.nn.relu(_gcn_conv(x, edge_index, W1, b1))
    h = jax.nn.relu(_gcn_conv(h, edge_index, W2, b2))
    h = jnp.mean(h, axis=0)
    return h @ Wl + bl

if __name__ == "__main__":
    import jax
    _d = setup_inputs()
    print(jax.jit(kernel)(*tuple(_d.values())))

</pallas_src>

<mosaic_0001>
#map = affine_map<(d0, d1) -> (0, 0, 0, 0)>
#map1 = affine_map<(d0, d1) -> (0, 0, 0)>
module attributes {stable_mosaic.version = 14 : i64} {
  func.func @deg_kernel(%arg0: i32, %arg1: i32, %arg2: memref<2x16x80x128xi32, #tpu.memory_space<hbm>>, %arg3: memref<2x1x10240xf32, #tpu.memory_space<hbm>>, %arg4: memref<8x128xi32, #tpu.memory_space<vmem>>, %arg5: memref<128xf32, #tpu.memory_space<vmem>>, %arg6: memref<640xf32, #tpu.memory_space<vmem>>, %arg7: memref<10240xf32, #tpu.memory_space<vmem_shared>>) attributes {dimension_semantics = [#tpu.dimension_semantics<core_parallel>, #tpu.dimension_semantics<subcore_parallel>], iteration_bounds = array<i64: 2, 16>, scalar_prefetch = 0 : i64, scratch_operands = 4 : i64, tpu.core_type = #tpu.core_type<sc_vector_subcore>, window_params = [{transform_indices = #map}, {transform_indices = #map1}]} {
    %scan3A = arith.constant 0 : i32
    %scan3A_0 = arith.constant 0 : i32
    %scan3A_1 = arith.constant 8 : i32
    %scan3A_2 = arith.addi %scan3A_0, %scan3A_1 : i32
    %scan3A_3 = arith.constant 1 : i32
    scf.for %scan3A_23 = %scan3A_0 to %scan3A_2 step %scan3A_3  : i32 {
      %broadcast_in_dim3A = arith.constant 1.000000e+00 : f32
      %broadcast_in_dim3A_24 = vector.broadcast %broadcast_in_dim3A : f32 to vector<16xf32>
      %mul3A_25 = arith.constant 16 : i32
      %mul3A_26 = arith.muli %scan3A_23, %mul3A_25 : i32
      %swap3A = arith.index_cast %mul3A_26 : i32 to index
      %swap3A_27 = tpu.vector_load %arg5[%swap3A] {strides = array<i32>} : memref<128xf32, #tpu.memory_space<vmem>>, vector<16xf32>,
      %swap3A_28 = vector.shape_cast %swap3A_27 : vector<16xf32> to vector<16xf32>
      %swap3A_29 = vector.shape_cast %broadcast_in_dim3A_24 : vector<16xf32> to vector<16xf32>
      tpu.vector_store %arg5[%swap3A], %swap3A_29 {strides = array<i32>} : memref<128xf32, #tpu.memory_space<vmem>>, vector<16xf32>,
    }
    %scan3A_4 = arith.constant 8 : i32
    %scan3A_5 = arith.constant 0 : i32
    %scan3A_6 = arith.constant 0 : i32
    %scan3A_7 = arith.constant 40 : i32
    %scan3A_8 = arith.addi %scan3A_6, %scan3A_7 : i32
    %scan3A_9 = arith.constant 1 : i32
    scf.for %scan3A_23 = %scan3A_6 to %scan3A_8 step %scan3A_9  : i32 {
      %broadcast_in_dim3A = arith.constant 0.000000e+00 : f32
      %broadcast_in_dim3A_24 = vector.broadcast %broadcast_in_dim3A : f32 to vector<16xf32>
      %mul3A_25 = arith.constant 16 : i32
      %mul3A_26 = arith.muli %scan3A_23, %mul3A_25 : i32
      %swap3A = arith.index_cast %mul3A_26 : i32 to index
      %swap3A_27 = tpu.vector_load %arg6[%swap3A] {strides = array<i32>} : memref<640xf32, #tpu.memory_space<vmem>>, vector<16xf32>,
      %swap3A_28 = vector.shape_cast %swap3A_27 : vector<16xf32> to vector<16xf32>
      %swap3A_29 = vector.shape_cast %broadcast_in_dim3A_24 : vector<16xf32> to vector<16xf32>
      tpu.vector_store %arg6[%swap3A], %swap3A_29 {strides = array<i32>} : memref<640xf32, #tpu.memory_space<vmem>>, vector<16xf32>,
    }
    %scan3A_10 = arith.constant 40 : i32
    %mul3A = arith.constant 640 : i32
    %mul3A_11 = arith.muli %arg1, %mul3A : i32
    "tpu.region"() ({
      %run_scoped3A_23 = tpu.sem_alloc : memref<!tpu.dma_semaphore, #tpu.memory_space<semaphore_mem>>
      %dma_start3A = tpu.memref_slice %arg7[%mul3A_11] : memref<10240xf32, #tpu.memory_space<vmem_shared>> -> memref<640xf32, #tpu.memory_space<vmem_shared>>
      %dma_start3A_24 = tpu.memref_slice %arg7[%mul3A_11] : memref<10240xf32, #tpu.memory_space<vmem_shared>> -> memref<640xf32, #tpu.memory_space<vmem_shared>>
      tpu.enqueue_dma source(%arg6 : memref<640xf32, #tpu.memory_space<vmem>>) target(%dma_start3A_24 : memref<640xf32, #tpu.memory_space<vmem_shared>>) target_semaphore(%run_scoped3A_23 : memref<!tpu.dma_semaphore, #tpu.memory_space<semaphore_mem>>)
      %dma_wait3A = tpu.memref_slice %arg7[%mul3A_11] : memref<10240xf32, #tpu.memory_space<vmem_shared>> -> memref<640xf32, #tpu.memory_space<vmem_shared>>
      %dma_wait3A_25 = tpu.memref_slice %arg7[%mul3A_11] : memref<10240xf32, #tpu.memory_space<vmem_shared>> -> memref<640xf32, #tpu.memory_space<vmem_shared>>
      tpu.wait_dma2 semaphore(%run_scoped3A_23 : memref<!tpu.dma_semaphore, #tpu.memory_space<semaphore_mem>>) src(%arg6 : memref<640xf32, #tpu.memory_space<vmem>>) dst(%dma_wait3A_25 : memref<640xf32, #tpu.memory_space<vmem_shared>>)
      tpu.yield
    }) : () -> ()
    %barrier3A = arith.constant 0 : index
    tpu.barrier barrier_id(%barrier3A)
    %scan3A_12 = arith.constant 0 : i32
    %scan3A_13 = arith.constant 0 : i32
    %scan3A_14 = arith.constant 80 : i32
    %scan3A_15 = arith.addi %scan3A_13, %scan3A_14 : i32
    %scan3A_16 = arith.constant 1 : i32
    scf.for %scan3A_23 = %scan3A_13 to %scan3A_15 step %scan3A_16  : i32 {
      %jit3A = arith.constant 8 : i32
      %div3A = arith.divsi %scan3A_23, %jit3A : i32
      %sign3A = arith.constant 0 : i32
      %sign3A_24 = arith.cmpi sgt, %scan3A_23, %sign3A : i32
      %sign3A_25 = arith.extui %sign3A_24 : i1 to i32
      %sign3A_26 = arith.constant 0 : i32
      %sign3A_27 = arith.cmpi slt, %scan3A_23, %sign3A_26 : i32
      %sign3A_28 = arith.extui %sign3A_27 : i1 to i32
      %sign3A_29 = arith.subi %sign3A_25, %sign3A_28 : i32
      %sign3A_30 = arith.constant 0 : i32
      %sign3A_31 = arith.cmpi sgt, %jit3A, %sign3A_30 : i32
      %sign3A_32 = arith.extui %sign3A_31 : i1 to i32
      %sign3A_33 = arith.constant 0 : i32
      %sign3A_34 = arith.cmpi slt, %jit3A, %sign3A_33 : i32
      %sign3A_35 = arith.extui %sign3A_34 : i1 to i32
      %sign3A_36 = arith.subi %sign3A_32, %sign3A_35 : i32
      %ne3A = arith.cmpi ne, %sign3A_29, %sign3A_36 : i32
      %rem3A = arith.remsi %scan3A_23, %jit3A : i32
      %ne3A_37 = arith.constant 0 : i32
      %ne3A_38 = arith.cmpi ne, %rem3A, %ne3A_37 : i32
      %and3A = arith.andi %ne3A, %ne3A_38 : i1
      %sub3A = arith.constant 1 : i32
      %sub3A_39 = arith.subi %div3A, %sub3A : i32
      %select_n3A = arith.select %and3A, %sub3A_39, %div3A : i32
      %jit3A_40 = arith.constant 8 : i32
      %eq3A = arith.constant 0 : i32
      %eq3A_41 = arith.cmpi eq, %jit3A_40, %eq3A : i32
      %jit3A_42 = arith.constant 1 : i32
      %select_n3A_43 = arith.select %eq3A_41, %jit3A_42, %jit3A_40 : i32
      %rem3A_44 = arith.remsi %scan3A_23, %select_n3A_43 : i32
      %ne3A_45 = arith.constant 0 : i32
      %ne3A_46 = arith.cmpi ne, %rem3A_44, %ne3A_45 : i32
      %lt3A = arith.constant 0 : i32
      %lt3A_47 = arith.cmpi slt, %rem3A_44, %lt3A : i32
      %lt3A_48 = arith.constant 0 : i32
      %lt3A_49 = arith.cmpi slt, %select_n3A_43, %lt3A_48 : i32
      %ne3A_50 = arith.xori %lt3A_47, %lt3A_49 : i1
      %and3A_51 = arith.andi %ne3A_50, %ne3A_46 : i1
      %add3A = arith.addi %rem3A_44, %select_n3A_43 : i32
      %select_n3A_52 = arith.select %and3A_51, %add3A, %rem3A_44 : i32
      %eq3A_53 = arith.constant 0 : i32
      %eq3A_54 = arith.cmpi eq, %select_n3A_52, %eq3A_53 : i32
      %convert_element_type3A = arith.extui %eq3A_54 : i1 to i32
      %cond3A = arith.constant 0 : i32
      %cond3A_55 = arith.cmpi ne, %convert_element_type3A, %cond3A : i32
      scf.if %cond3A_55 {
        %mul3A_56 = arith.constant 8 : i32
        %mul3A_57 = arith.muli %select_n3A, %mul3A_56 : i32
        "tpu.region"() ({
          %run_scoped3A_58 = tpu.sem_alloc : memref<!tpu.dma_semaphore, #tpu.memory_space<semaphore_mem>>
          %dma_start3A = arith.constant 0 : i32
          %dma_start3A_59 = tpu.memref_slice %arg2[%arg0, %arg1, %mul3A_57, %dma_start3A] : memref<2x16x80x128xi32, #tpu.memory_space<hbm>> -> memref<1x1x8x128xi32, #tpu.memory_space<hbm>>
          %dma_start3A_60 = tpu.memref_squeeze %dma_start3A_59 : memref<1x1x8x128xi32, #tpu.memory_space<hbm>> -> memref<8x128xi32, #tpu.memory_space<hbm>>
          %dma_start3A_61 = arith.constant 0 : i32
          %dma_start3A_62 = tpu.memref_slice %arg2[%arg0, %arg1, %mul3A_57, %dma_start3A_61] : memref<2x16x80x128xi32, #tpu.memory_space<hbm>> -> memref<1x1x8x128xi32, #tpu.memory_space<hbm>>
          %dma_start3A_63 = tpu.memref_squeeze %dma_start3A_62 : memref<1x1x8x128xi32, #tpu.memory_space<hbm>> -> memref<8x128xi32, #tpu.memory_space<hbm>>
          tpu.enqueue_dma source(%dma_start3A_63 : memref<8x128xi32, #tpu.memory_space<hbm>>) target(%arg4 : memref<8x128xi32, #tpu.memory_space<vmem>>) target_semaphore(%run_scoped3A_58 : memref<!tpu.dma_semaphore, #tpu.memory_space<semaphore_mem>>)
          %dma_wait3A = arith.constant 0 : i32
          %dma_wait3A_64 = tpu.memref_slice %arg2[%arg0, %arg1, %mul3A_57, %dma_wait3A] : memref<2x16x80x128xi32, #tpu.memory_space<hbm>> -> memref<1x1x8x128xi32, #tpu.memory_space<hbm>>
          %dma_wait3A_65 = tpu.memref_squeeze %dma_wait3A_64 : memref<1x1x8x128xi32, #tpu.memory_space<hbm>> -> memref<8x128xi32, #tpu.memory_space<hbm>>
          %dma_wait3A_66 = arith.constant 0 : i32
          %dma_wait3A_67 = tpu.memref_slice %arg2[%arg0, %arg1, %mul3A_57, %dma_wait3A_66] : memref<2x16x80x128xi32, #tpu.memory_space<hbm>> -> memref<1x1x8x128xi32, #tpu.memory_space<hbm>>
          %dma_wait3A_68 = tpu.memref_squeeze %dma_wait3A_67 : memref<1x1x8x128xi32, #tpu.memory_space<hbm>> -> memref<8x128xi32, #tpu.memory_space<hbm>>
          tpu.wait_dma2 semaphore(%run_scoped3A_58 : memref<!tpu.dma_semaphore, #tpu.memory_space<semaphore_mem>>) src(%dma_wait3A_68 : memref<8x128xi32, #tpu.memory_space<hbm>>) dst(%arg4 : memref<8x128xi32, #tpu.memory_space<vmem>>)
          tpu.yield
        }) : () -> ()
      } else {
      }
      "tpu.region"() ({
        %run_scoped3A_56 = tpu.sem_alloc : memref<!tpu.dma_semaphore, #tpu.memory_space<semaphore_mem>>
        %dma_start3A = arith.constant 0 : i32
        %dma_start3A_57 = tpu.memref_slice %arg4[%select_n3A_52, %dma_start3A] : memref<8x128xi32, #tpu.memory_space<vmem>> -> memref<1x128xi32, #tpu.memory_space<vmem>>
        %dma_start3A_58 = tpu.memref_squeeze %dma_start3A_57 : memref<1x128xi32, #tpu.memory_space<vmem>> -> memref<128xi32, #tpu.memory_space<vmem>>
        %dma_start3A_59 = arith.constant 0 : i32
        %dma_start3A_60 = tpu.memref_slice %arg7[%dma_start3A_59] : memref<10240xf32, #tpu.memory_space<vmem_shared>> -> memref<10240xf32, #tpu.memory_space<vmem_shared>>
        tpu.enqueue_indirect_dma source(%arg5 : memref<128xf32, #tpu.memory_space<vmem>>) target(%dma_start3A_60 : memref<10240xf32, #tpu.memory_space<vmem_shared>>) offsets(%dma_start3A_58 : memref<128xi32, #tpu.memory_space<vmem>>) semaphore(%run_scoped3A_56 : memref<!tpu.dma_semaphore, #tpu.memory_space<semaphore_mem>>) {add = true}
        %dma_wait3A = arith.constant 0 : i32
        %dma_wait3A_61 = tpu.memref_slice %arg4[%select_n3A_52, %dma_wait3A] : memref<8x128xi32, #tpu.memory_space<vmem>> -> memref<1x128xi32, #tpu.memory_space<vmem>>
        %dma_wait3A_62 = tpu.memref_squeeze %dma_wait3A_61 : memref<1x128xi32, #tpu.memory_space<vmem>> -> memref<128xi32, #tpu.memory_space<vmem>>
        %dma_wait3A_63 = arith.constant 0 : i32
        %dma_wait3A_64 = tpu.memref_slice %arg7[%dma_wait3A_63] : memref<10240xf32, #tpu.memory_space<vmem_shared>> -> memref<10240xf32, #tpu.memory_space<vmem_shared>>
        tpu.wait_indirect_dma semaphore(%run_scoped3A_56 : memref<!tpu.dma_semaphore, #tpu.memory_space<semaphore_mem>>) src(%arg5 : memref<128xf32, #tpu.memory_space<vmem>>) dst(%dma_wait3A_64 : memref<10240xf32, #tpu.memory_space<vmem_shared>>)
        tpu.yield
      }) : () -> ()
    }
    %scan3A_17 = arith.constant 80 : i32
    %barrier3A_18 = arith.constant 0 : index
    tpu.barrier barrier_id(%barrier3A_18)
    %mul3A_19 = arith.constant 640 : i32
    %mul3A_20 = arith.muli %arg1, %mul3A_19 : i32
    %mul3A_21 = arith.constant 640 : i32
    %mul3A_22 = arith.muli %arg1, %mul3A_21 : i32
    %run_scoped3A = arith.constant 0 : i32
    "tpu.region"() ({
      %run_scoped3A_23 = tpu.sem_alloc : memref<!tpu.dma_semaphore, #tpu.memory_space<semaphore_mem>>
      %dma_start3A = tpu.memref_slice %arg3[%arg0, %run_scoped3A, %mul3A_22] : memref<2x1x10240xf32, #tpu.memory_space<hbm>> -> memref<1x1x640xf32, #tpu.memory_space<hbm>>
      %dma_start3A_24 = tpu.memref_squeeze %dma_start3A : memref<1x1x640xf32, #tpu.memory_space<hbm>> -> memref<640xf32, #tpu.memory_space<hbm>>
      %dma_start3A_25 = tpu.memref_slice %arg7[%mul3A_20] : memref<10240xf32, #tpu.memory_space<vmem_shared>> -> memref<640xf32, #tpu.memory_space<vmem_shared>>
      tpu.enqueue_dma source(%dma_start3A_25 : memref<640xf32, #tpu.memory_space<vmem_shared>>) target(%dma_start3A_24 : memref<640xf32, #tpu.memory_space<hbm>>) target_semaphore(%run_scoped3A_23 : memref<!tpu.dma_semaphore, #tpu.memory_space<semaphore_mem>>)
      %dma_wait3A = tpu.memref_slice %arg3[%arg0, %run_scoped3A, %mul3A_22] : memref<2x1x10240xf32, #tpu.memory_space<hbm>> -> memref<1x1x640xf32, #tpu.memory_space<hbm>>
      %dma_wait3A_26 = tpu.memref_squeeze %dma_wait3A : memref<1x1x640xf32, #tpu.memory_space<hbm>> -> memref<640xf32, #tpu.memory_space<hbm>>
      %dma_wait3A_27 = tpu.memref_slice %arg7[%mul3A_20] : memref<10240xf32, #tpu.memory_space<vmem_shared>> -> memref<640xf32, #tpu.memory_space<vmem_shared>>
      tpu.wait_dma2 semaphore(%run_scoped3A_23 : memref<!tpu.dma_semaphore, #tpu.memory_space<semaphore_mem>>) src(%dma_wait3A_27 : memref<640xf32, #tpu.memory_space<vmem_shared>>) dst(%dma_wait3A_26 : memref<640xf32, #tpu.memory_space<hbm>>)
      tpu.yield
    }) : () -> ()
    return
  }
}

#map = affine_map<(d0, d1) -> (0, 0)>
#map1 = affine_map<(d0, d1) -> (0, 0, 0, 0)>
#map2 = affine_map<(d0, d1) -> (0, 0, 0)>
module attributes {stable_mosaic.version = 14 : i64} {
  func.func @scat_kernel(%arg0: i32, %arg1: i32, %arg2: memref<10000x128xf32, #tpu.memory_space<hbm>>, %arg3: memref<2x16x80x128xi32, #tpu.memory_space<hbm>>, %arg4: memref<2x16x80x128xi32, #tpu.memory_space<hbm>>, %arg5: memref<2x10240x128xf32, #tpu.memory_space<hbm>>, %arg6: memref<2x8x128xi32, #tpu.memory_space<vmem>>, %arg7: memref<2x8x128xi32, #tpu.memory_space<vmem>>, %arg8: memref<2x128x128xf32, #tpu.memory_space<vmem>>, %arg9: memref<10240x128xf32, #tpu.memory_space<vmem_shared>>, %arg10: memref<2x!tpu.dma_semaphore, #tpu.memory_space<semaphore_mem>>, %arg11: memref<2x!tpu.dma_semaphore, #tpu.memory_space<semaphore_mem>>) attributes {dimension_semantics = [#tpu.dimension_semantics<core_parallel>, #tpu.dimension_semantics<subcore_parallel>], iteration_bounds = array<i64: 2, 16>, scalar_prefetch = 0 : i64, scratch_operands = 6 : i64, tpu.core_type = #tpu.core_type<sc_vector_subcore>, window_params = [{transform_indices = #map}, {transform_indices = #map1}, {transform_indices = #map1}, {transform_indices = #map2}]} {
    %scan3A = arith.constant 0 : i32
    %scan3A_0 = arith.constant 0 : i32
    %scan3A_1 = arith.constant 1024 : i32
    %scan3A_2 = arith.addi %scan3A_0, %scan3A_1 : i32
    %scan3A_3 = arith.constant 1 : i32
    scf.for %scan3A_67 = %scan3A_0 to %scan3A_2 step %scan3A_3  : i32 {
      %broadcast_in_dim3A = arith.constant 0.000000e+00 : f32
      %broadcast_in_dim3A_68 = vector.broadcast %broadcast_in_dim3A : f32 to vector<16xf32>
      %jit3A = arith.constant 8 : i32
      %div3A = arith.divsi %scan3A_67, %jit3A : i32
      %sign3A = arith.constant 0 : i32
      %sign3A_69 = arith.cmpi sgt, %scan3A_67, %sign3A : i32
      %sign3A_70 = arith.extui %sign3A_69 : i1 to i32
      %sign3A_71 = arith.constant 0 : i32
      %sign3A_72 = arith.cmpi slt, %scan3A_67, %sign3A_71 : i32
      %sign3A_73 = arith.extui %sign3A_72 : i1 to i32
      %sign3A_74 = arith.subi %sign3A_70, %sign3A_73 : i32
      %sign3A_75 = arith.constant 0 : i32
      %sign3A_76 = arith.cmpi sgt, %jit3A, %sign3A_75 : i32
      %sign3A_77 = arith.extui %sign3A_76 : i1 to i32
      %sign3A_78 = arith.constant 0 : i32
      %sign3A_79 = arith.cmpi slt, %jit3A, %sign3A_78 : i32
      %sign3A_80 = arith.extui %sign3A_79 : i1 to i32
      %sign3A_81 = arith.subi %sign3A_77, %sign3A_80 : i32
      %ne3A = arith.cmpi ne, %sign3A_74, %sign3A_81 : i32
      %rem3A = arith.remsi %scan3A_67, %jit3A : i32
      %ne3A_82 = arith.constant 0 : i32
      %ne3A_83 = arith.cmpi ne, %rem3A, %ne3A_82 : i32
      %and3A = arith.andi %ne3A, %ne3A_83 : i1
      %sub3A = arith.constant 1 : i32
      %sub3A_84 = arith.subi %div3A, %sub3A : i32
      %select_n3A = arith.select %and3A, %sub3A_84, %div3A : i32
      %jit3A_85 = arith.constant 8 : i32
      %eq3A = arith.constant 0 : i32
      %eq3A_86 = arith.cmpi eq, %jit3A_85, %eq3A : i32
      %jit3A_87 = arith.constant 1 : i32
      %select_n3A_88 = arith.select %eq3A_86, %jit3A_87, %jit3A_85 : i32
      %rem3A_89 = arith.remsi %scan3A_67, %select_n3A_88 : i32
      %ne3A_90 = arith.constant 0 : i32
      %ne3A_91 = arith.cmpi ne, %rem3A_89, %ne3A_90 : i32
      %lt3A = arith.constant 0 : i32
      %lt3A_92 = arith.cmpi slt, %rem3A_89, %lt3A : i32
      %lt3A_93 = arith.constant 0 : i32
      %lt3A_94 = arith.cmpi slt, %select_n3A_88, %lt3A_93 : i32
      %ne3A_95 = arith.xori %lt3A_92, %lt3A_94 : i1
      %and3A_96 = arith.andi %ne3A_95, %ne3A_91 : i1
      %add3A = arith.addi %rem3A_89, %select_n3A_88 : i32
      %select_n3A_97 = arith.select %and3A_96, %add3A, %rem3A_89 : i32
      %mul3A = arith.constant 16 : i32
      %mul3A_98 = arith.muli %select_n3A_97, %mul3A : i32
      %swap3A = arith.constant 0 : i32
      %swap3A_99 = arith.index_cast %swap3A : i32 to index
      %swap3A_100 = arith.index_cast %select_n3A : i32 to index
      %swap3A_101 = arith.index_cast %mul3A_98 : i32 to index
      %swap3A_102 = tpu.vector_load %arg8[%swap3A_99, %swap3A_100, %swap3A_101] {strides = array<i32>} : memref<2x128x128xf32, #tpu.memory_space<vmem>>, vector<1x1x16xf32>,
      %swap3A_103 = vector.shape_cast %swap3A_102 : vector<1x1x16xf32> to vector<16xf32>
      %swap3A_104 = vector.shape_cast %broadcast_in_dim3A_68 : vector<16xf32> to vector<1x1x16xf32>
      tpu.vector_store %arg8[%swap3A_99, %swap3A_100, %swap3A_101], %swap3A_104 {strides = array<i32>} : memref<2x128x128xf32, #tpu.memory_space<vmem>>, vector<1x1x16xf32>,
    }
    %scan3A_4 = arith.constant 1024 : i32
    %scan3A_5 = arith.constant 0 : i32
    %scan3A_6 = arith.constant 0 : i32
    %scan3A_7 = arith.constant 5 : i32
    %scan3A_8 = arith.addi %scan3A_6, %scan3A_7 : i32
    %scan3A_9 = arith.constant 1 : i32
    scf.for %scan3A_67 = %scan3A_6 to %scan3A_8 step %scan3A_9  : i32 {
      %mul3A = arith.constant 640 : i32
      %mul3A_68 = arith.muli %arg1, %mul3A : i32
      %mul3A_69 = arith.constant 128 : i32
      %mul3A_70 = arith.muli %scan3A_67, %mul3A_69 : i32
      %add3A = arith.addi %mul3A_68, %mul3A_70 : i32
      %dma_start3A_71 = arith.constant 0 : i32
      %dma_start3A_72 = arith.constant 0 : i32
      %dma_start3A_73 = arith.constant 0 : i32
      %dma_start3A_74 = arith.constant 0 : i32
      %dma_start3A_75 = tpu.memref_slice %arg8[%dma_start3A_71, %dma_start3A_73, %dma_start3A_74] : memref<2x128x128xf32, #tpu.memory_space<vmem>> -> memref<1x128x128xf32, #tpu.memory_space<vmem>>
      %dma_start3A_76 = tpu.memref_squeeze %dma_start3A_75 : memref<1x128x128xf32, #tpu.memory_space<vmem>> -> memref<128x128xf32, #tpu.memory_space<vmem>>
      %dma_start3A_77 = arith.constant 0 : i32
      %dma_start3A_78 = tpu.memref_slice %arg9[%add3A, %dma_start3A_77] : memref<10240x128xf32, #tpu.memory_space<vmem_shared>> -> memref<128x128xf32, #tpu.memory_space<vmem_shared>>
      %dma_start3A_79 = tpu.memref_slice %arg10[%dma_start3A_72] : memref<2x!tpu.dma_semaphore, #tpu.memory_space<semaphore_mem>> -> memref<1x!tpu.dma_semaphore, #tpu.memory_space<semaphore_mem>>
      %dma_start3A_80 = tpu.memref_squeeze %dma_start3A_79 : memref<1x!tpu.dma_semaphore, #tpu.memory_space<semaphore_mem>> -> memref<!tpu.dma_semaphore, #tpu.memory_space<semaphore_mem>>
      %dma_start3A_81 = arith.constant 0 : i32
      %dma_start3A_82 = tpu.memref_slice %arg9[%add3A, %dma_start3A_81] : memref<10240x128xf32, #tpu.memory_space<vmem_shared>> -> memref<128x128xf32, #tpu.memory_space<vmem_shared>>
      %dma_start3A_83 = arith.constant 0 : i32
      %dma_start3A_84 = arith.constant 0 : i32
      %dma_start3A_85 = tpu.memref_slice %arg8[%dma_start3A_71, %dma_start3A_83, %dma_start3A_84] : memref<2x128x128xf32, #tpu.memory_space<vmem>> -> memref<1x128x128xf32, #tpu.memory_space<vmem>>
      %dma_start3A_86 = tpu.memref_squeeze %dma_start3A_85 : memref<1x128x128xf32, #tpu.memory_space<vmem>> -> memref<128x128xf32, #tpu.memory_space<vmem>>
      tpu.enqueue_dma source(%dma_start3A_86 : memref<128x128xf32, #tpu.memory_space<vmem>>) target(%dma_start3A_82 : memref<128x128xf32, #tpu.memory_space<vmem_shared>>) target_semaphore(%dma_start3A_80 : memref<!tpu.dma_semaphore, #tpu.memory_space<semaphore_mem>>)
    }
    %scan3A_10 = arith.constant 5 : i32
    %scan3A_11 = arith.constant 0 : i32
    %scan3A_12 = arith.constant 0 : i32
    %scan3A_13 = arith.constant 5 : i32
    %scan3A_14 = arith.addi %scan3A_12, %scan3A_13 : i32
    %scan3A_15 = arith.constant 1 : i32
    scf.for %scan3A_67 = %scan3A_12 to %scan3A_14 step %scan3A_15  : i32 {
      %mul3A = arith.constant 640 : i32
      %mul3A_68 = arith.muli %arg1, %mul3A : i32
      %mul3A_69 = arith.constant 128 : i32
      %mul3A_70 = arith.muli %scan3A_67, %mul3A_69 : i32
      %add3A = arith.addi %mul3A_68, %mul3A_70 : i32
      %dma_wait3A_71 = arith.constant 0 : i32
      %dma_wait3A_72 = arith.constant 0 : i32
      %dma_wait3A_73 = arith.constant 0 : i32
      %dma_wait3A_74 = arith.constant 0 : i32
      %dma_wait3A_75 = tpu.memref_slice %arg8[%dma_wait3A_71, %dma_wait3A_73, %dma_wait3A_74] : memref<2x128x128xf32, #tpu.memory_space<vmem>> -> memref<1x128x128xf32, #tpu.memory_space<vmem>>
      %dma_wait3A_76 = tpu.memref_squeeze %dma_wait3A_75 : memref<1x128x128xf32, #tpu.memory_space<vmem>> -> memref<128x128xf32, #tpu.memory_space<vmem>>
      %dma_wait3A_77 = arith.constant 0 : i32
      %dma_wait3A_78 = tpu.memref_slice %arg9[%add3A, %dma_wait3A_77] : memref<10240x128xf32, #tpu.memory_space<vmem_shared>> -> memref<128x128xf32, #tpu.memory_space<vmem_shared>>
      %dma_wait3A_79 = tpu.memref_slice %arg10[%dma_wait3A_72] : memref<2x!tpu.dma_semaphore, #tpu.memory_space<semaphore_mem>> -> memref<1x!tpu.dma_semaphore, #tpu.memory_space<semaphore_mem>>
      %dma_wait3A_80 = tpu.memref_squeeze %dma_wait3A_79 : memref<1x!tpu.dma_semaphore, #tpu.memory_space<semaphore_mem>> -> memref<!tpu.dma_semaphore, #tpu.memory_space<semaphore_mem>>
      %dma_wait3A_81 = arith.constant 0 : i32
      %dma_wait3A_82 = tpu.memref_slice %arg9[%add3A, %dma_wait3A_81] : memref<10240x128xf32, #tpu.memory_space<vmem_shared>> -> memref<128x128xf32, #tpu.memory_space<vmem_shared>>
      %dma_wait3A_83 = arith.constant 0 : i32
      %dma_wait3A_84 = arith.constant 0 : i32
      %dma_wait3A_85 = tpu.memref_slice %arg8[%dma_wait3A_71, %dma_wait3A_83, %dma_wait3A_84] : memref<2x128x128xf32, #tpu.memory_space<vmem>> -> memref<1x128x128xf32, #tpu.memory_space<vmem>>
      %dma_wait3A_86 = tpu.memref_squeeze %dma_wait3A_85 : memref<1x128x128xf32, #tpu.memory_space<vmem>> -> memref<128x128xf32, #tpu.memory_space<vmem>>
      tpu.wait_dma2 semaphore(%dma_wait3A_80 : memref<!tpu.dma_semaphore, #tpu.memory_space<semaphore_mem>>) src(%dma_wait3A_86 : memref<128x128xf32, #tpu.memory_space<vmem>>) dst(%dma_wait3A_82 : memref<128x128xf32, #tpu.memory_space<vmem_shared>>)
    }
    %scan3A_16 = arith.constant 5 : i32
    %barrier3A = arith.constant 0 : index
    tpu.barrier barrier_id(%barrier3A)
    %run_scoped3A = arith.constant 0 : i32
    "tpu.region"() ({
      %run_scoped3A_67 = tpu.sem_alloc : memref<!tpu.dma_semaphore, #tpu.memory_space<semaphore_mem>>
      %dma_start3A_68 = arith.constant 0 : i32
      %dma_start3A_69 = arith.constant 0 : i32
      %dma_start3A_70 = tpu.memref_slice %arg6[%run_scoped3A, %dma_start3A_68, %dma_start3A_69] : memref<2x8x128xi32, #tpu.memory_space<vmem>> -> memref<1x8x128xi32, #tpu.memory_space<vmem>>
      %dma_start3A_71 = tpu.memref_squeeze %dma_start3A_70 : memref<1x8x128xi32, #tpu.memory_space<vmem>> -> memref<8x128xi32, #tpu.memory_space<vmem>>
      %dma_start3A_72 = arith.constant 0 : i32
      %dma_start3A_73 = arith.constant 0 : i32
      %dma_start3A_74 = tpu.memref_slice %arg3[%arg0, %arg1, %dma_start3A_72, %dma_start3A_73] : memref<2x16x80x128xi32, #tpu.memory_space<hbm>> -> memref<1x1x8x128xi32, #tpu.memory_space<hbm>>
      %dma_start3A_75 = tpu.memref_squeeze %dma_start3A_74 : memref<1x1x8x128xi32, #tpu.memory_space<hbm>> -> memref<8x128xi32, #tpu.memory_space<hbm>>
      %dma_start3A_76 = arith.constant 0 : i32
      %dma_start3A_77 = arith.constant 0 : i32
      %dma_start3A_78 = tpu.memref_slice %arg6[%run_scoped3A, %dma_start3A_76, %dma_start3A_77] : memref<2x8x128xi32, #tpu.memory_space<vmem>> -> memref<1x8x128xi32, #tpu.memory_space<vmem>>
      %dma_start3A_79 = tpu.memref_squeeze %dma_start3A_78 : memref<1x8x128xi32, #tpu.memory_space<vmem>> -> memref<8x128xi32, #tpu.memory_space<vmem>>
      %dma_start3A_80 = arith.constant 0 : i32
      %dma_start3A_81 = arith.constant 0 : i32
      %dma_start3A_82 = tpu.memref_slice %arg3[%arg0, %arg1, %dma_start3A_80, %dma_start3A_81] : memref<2x16x80x128xi32, #tpu.memory_space<hbm>> -> memref<1x1x8x128xi32, #tpu.memory_space<hbm>>
      %dma_start3A_83 = tpu.memref_squeeze %dma_start3A_82 : memref<1x1x8x128xi32, #tpu.memory_space<hbm>> -> memref<8x128xi32, #tpu.memory_space<hbm>>
      tpu.enqueue_dma source(%dma_start3A_83 : memref<8x128xi32, #tpu.memory_space<hbm>>) target(%dma_start3A_79 : memref<8x128xi32, #tpu.memory_space<vmem>>) target_semaphore(%run_scoped3A_67 : memref<!tpu.dma_semaphore, #tpu.memory_space<semaphore_mem>>)
      %dma_wait3A_84 = arith.constant 0 : i32
      %dma_wait3A_85 = arith.constant 0 : i32
      %dma_wait3A_86 = tpu.memref_slice %arg6[%run_scoped3A, %dma_wait3A_84, %dma_wait3A_85] : memref<2x8x128xi32, #tpu.memory_space<vmem>> -> memref<1x8x128xi32, #tpu.memory_space<vmem>>
      %dma_wait3A_87 = tpu.memref_squeeze %dma_wait3A_86 : memref<1x8x128xi32, #tpu.memory_space<vmem>> -> memref<8x128xi32, #tpu.memory_space<vmem>>
      %dma_wait3A_88 = arith.constant 0 : i32
      %dma_wait3A_89 = arith.constant 0 : i32
      %dma_wait3A_90 = tpu.memref_slice %arg3[%arg0, %arg1, %dma_wait3A_88, %dma_wait3A_89] : memref<2x16x80x128xi32, #tpu.memory_space<hbm>> -> memref<1x1x8x128xi32, #tpu.memory_space<hbm>>
      %dma_wait3A_91 = tpu.memref_squeeze %dma_wait3A_90 : memref<1x1x8x128xi32, #tpu.memory_space<hbm>> -> memref<8x128xi32, #tpu.memory_space<hbm>>
      %dma_wait3A_92 = arith.constant 0 : i32
      %dma_wait3A_93 = arith.constant 0 : i32
      %dma_wait3A_94 = tpu.memref_slice %arg6[%run_scoped3A, %dma_wait3A_92, %dma_wait3A_93] : memref<2x8x128xi32, #tpu.memory_space<vmem>> -> memref<1x8x128xi32, #tpu.memory_space<vmem>>
      %dma_wait3A_95 = tpu.memref_squeeze %dma_wait3A_94 : memref<1x8x128xi32, #tpu.memory_space<vmem>> -> memref<8x128xi32, #tpu.memory_space<vmem>>
      %dma_wait3A_96 = arith.constant 0 : i32
      %dma_wait3A_97 = arith.constant 0 : i32
      %dma_wait3A_98 = tpu.memref_slice %arg3[%arg0, %arg1, %dma_wait3A_96, %dma_wait3A_97] : memref<2x16x80x128xi32, #tpu.memory_space<hbm>> -> memref<1x1x8x128xi32, #tpu.memory_space<hbm>>
      %dma_wait3A_99 = tpu.memref_squeeze %dma_wait3A_98 : memref<1x1x8x128xi32, #tpu.memory_space<hbm>> -> memref<8x128xi32, #tpu.memory_space<hbm>>
      tpu.wait_dma2 semaphore(%run_scoped3A_67 : memref<!tpu.dma_semaphore, #tpu.memory_space<semaphore_mem>>) src(%dma_wait3A_99 : memref<8x128xi32, #tpu.memory_space<hbm>>) dst(%dma_wait3A_95 : memref<8x128xi32, #tpu.memory_space<vmem>>)
      tpu.yield
    }) : () -> ()
    %run_scoped3A_17 = arith.constant 0 : i32
    "tpu.region"() ({
      %run_scoped3A_67 = tpu.sem_alloc : memref<!tpu.dma_semaphore, #tpu.memory_space<semaphore_mem>>
      %dma_start3A_68 = arith.constant 0 : i32
      %dma_start3A_69 = arith.constant 0 : i32
      %dma_start3A_70 = tpu.memref_slice %arg7[%run_scoped3A_17, %dma_start3A_68, %dma_start3A_69] : memref<2x8x128xi32, #tpu.memory_space<vmem>> -> memref<1x8x128xi32, #tpu.memory_space<vmem>>
      %dma_start3A_71 = tpu.memref_squeeze %dma_start3A_70 : memref<1x8x128xi32, #tpu.memory_space<vmem>> -> memref<8x128xi32, #tpu.memory_space<vmem>>
      %dma_start3A_72 = arith.constant 0 : i32
      %dma_start3A_73 = arith.constant 0 : i32
      %dma_start3A_74 = tpu.memref_slice %arg4[%arg0, %arg1, %dma_start3A_72, %dma_start3A_73] : memref<2x16x80x128xi32, #tpu.memory_space<hbm>> -> memref<1x1x8x128xi32, #tpu.memory_space<hbm>>
      %dma_start3A_75 = tpu.memref_squeeze %dma_start3A_74 : memref<1x1x8x128xi32, #tpu.memory_space<hbm>> -> memref<8x128xi32, #tpu.memory_space<hbm>>
      %dma_start3A_76 = arith.constant 0 : i32
      %dma_start3A_77 = arith.constant 0 : i32
      %dma_start3A_78 = tpu.memref_slice %arg7[%run_scoped3A_17, %dma_start3A_76, %dma_start3A_77] : memref<2x8x128xi32, #tpu.memory_space<vmem>> -> memref<1x8x128xi32, #tpu.memory_space<vmem>>
      %dma_start3A_79 = tpu.memref_squeeze %dma_start3A_78 : memref<1x8x128xi32, #tpu.memory_space<vmem>> -> memref<8x128xi32, #tpu.memory_space<vmem>>
      %dma_start3A_80 = arith.constant 0 : i32
      %dma_start3A_81 = arith.constant 0 : i32
      %dma_start3A_82 = tpu.memref_slice %arg4[%arg0, %arg1, %dma_start3A_80, %dma_start3A_81] : memref<2x16x80x128xi32, #tpu.memory_space<hbm>> -> memref<1x1x8x128xi32, #tpu.memory_space<hbm>>
      %dma_start3A_83 = tpu.memref_squeeze %dma_start3A_82 : memref<1x1x8x128xi32, #tpu.memory_space<hbm>> -> memref<8x128xi32, #tpu.memory_space<hbm>>
      tpu.enqueue_dma source(%dma_start3A_83 : memref<8x128xi32, #tpu.memory_space<hbm>>) target(%dma_start3A_79 : memref<8x128xi32, #tpu.memory_space<vmem>>) target_semaphore(%run_scoped3A_67 : memref<!tpu.dma_semaphore, #tpu.memory_space<semaphore_mem>>)
      %dma_wait3A_84 = arith.constant 0 : i32
      %dma_wait3A_85 = arith.constant 0 : i32
      %dma_wait3A_86 = tpu.memref_slice %arg7[%run_scoped3A_17, %dma_wait3A_84, %dma_wait3A_85] : memref<2x8x128xi32, #tpu.memory_space<vmem>> -> memref<1x8x128xi32, #tpu.memory_space<vmem>>
      %dma_wait3A_87 = tpu.memref_squeeze %dma_wait3A_86 : memref<1x8x128xi32, #tpu.memory_space<vmem>> -> memref<8x128xi32, #tpu.memory_space<vmem>>
      %dma_wait3A_88 = arith.constant 0 : i32
      %dma_wait3A_89 = arith.constant 0 : i32
      %dma_wait3A_90 = tpu.memref_slice %arg4[%arg0, %arg1, %dma_wait3A_88, %dma_wait3A_89] : memref<2x16x80x128xi32, #tpu.memory_space<hbm>> -> memref<1x1x8x128xi32, #tpu.memory_space<hbm>>
      %dma_wait3A_91 = tpu.memref_squeeze %dma_wait3A_90 : memref<1x1x8x128xi32, #tpu.memory_space<hbm>> -> memref<8x128xi32, #tpu.memory_space<hbm>>
      %dma_wait3A_92 = arith.constant 0 : i32
      %dma_wait3A_93 = arith.constant 0 : i32
      %dma_wait3A_94 = tpu.memref_slice %arg7[%run_scoped3A_17, %dma_wait3A_92, %dma_wait3A_93] : memref<2x8x128xi32, #tpu.memory_space<vmem>> -> memref<1x8x128xi32, #tpu.memory_space<vmem>>
      %dma_wait3A_95 = tpu.memref_squeeze %dma_wait3A_94 : memref<1x8x128xi32, #tpu.memory_space<vmem>> -> memref<8x128xi32, #tpu.memory_space<vmem>>
      %dma_wait3A_96 = arith.constant 0 : i32
      %dma_wait3A_97 = arith.constant 0 : i32
      %dma_wait3A_98 = tpu.memref_slice %arg4[%arg0, %arg1, %dma_wait3A_96, %dma_wait3A_97] : memref<2x16x80x128xi32, #tpu.memory_space<hbm>> -> memref<1x1x8x128xi32, #tpu.memory_space<hbm>>
      %dma_wait3A_99 = tpu.memref_squeeze %dma_wait3A_98 : memref<1x1x8x128xi32, #tpu.memory_space<hbm>> -> memref<8x128xi32, #tpu.memory_space<hbm>>
      tpu.wait_dma2 semaphore(%run_scoped3A_67 : memref<!tpu.dma_semaphore, #tpu.memory_space<semaphore_mem>>) src(%dma_wait3A_99 : memref<8x128xi32, #tpu.memory_space<hbm>>) dst(%dma_wait3A_95 : memref<8x128xi32, #tpu.memory_space<vmem>>)
      tpu.yield
    }) : () -> ()
    %dma_start3A = arith.constant 0 : i32
    %dma_start3A_18 = arith.constant 0 : i32
    %dma_start3A_19 = arith.constant 0 : i32
    %dma_start3A_20 = arith.constant 0 : i32
    %dma_start3A_21 = arith.constant 0 : i32
    %dma_start3A_22 = arith.constant 0 : i32
    %dma_start3A_23 = tpu.memref_slice %arg8[%dma_start3A_19, %dma_start3A_21, %dma_start3A_22] : memref<2x128x128xf32, #tpu.memory_space<vmem>> -> memref<1x128x128xf32, #tpu.memory_space<vmem>>
    %dma_start3A_24 = tpu.memref_squeeze %dma_start3A_23 : memref<1x128x128xf32, #tpu.memory_space<vmem>> -> memref<128x128xf32, #tpu.memory_space<vmem>>
    %dma_start3A_25 = arith.constant 0 : i32
    %dma_start3A_26 = tpu.memref_slice %arg6[%dma_start3A, %dma_start3A_18, %dma_start3A_25] : memref<2x8x128xi32, #tpu.memory_space<vmem>> -> memref<1x1x128xi32, #tpu.memory_space<vmem>>
    %dma_start3A_27 = tpu.memref_squeeze %dma_start3A_26 : memref<1x1x128xi32, #tpu.memory_space<vmem>> -> memref<128xi32, #tpu.memory_space<vmem>>
    %dma_start3A_28 = arith.constant 0 : i32
    %dma_start3A_29 = arith.constant 0 : i32
    %dma_start3A_30 = tpu.memref_slice %arg2[%dma_start3A_28, %dma_start3A_29] : memref<10000x128xf32, #tpu.memory_space<hbm>> -> memref<10000x128xf32, #tpu.memory_space<hbm>>
    %dma_start3A_31 = tpu.memref_slice %arg10[%dma_start3A_20] : memref<2x!tpu.dma_semaphore, #tpu.memory_space<semaphore_mem>> -> memref<1x!tpu.dma_semaphore, #tpu.memory_space<semaphore_mem>>
    %dma_start3A_32 = tpu.memref_squeeze %dma_start3A_31 : memref<1x!tpu.dma_semaphore, #tpu.memory_space<semaphore_mem>> -> memref<!tpu.dma_semaphore, #tpu.memory_space<semaphore_mem>>
    tpu.enqueue_indirect_dma source(%dma_start3A_30 : memref<10000x128xf32, #tpu.memory_space<hbm>>) target(%dma_start3A_24 : memref<128x128xf32, #tpu.memory_space<vmem>>) offsets(%dma_start3A_27 : memref<128xi32, #tpu.memory_space<vmem>>) semaphore(%dma_start3A_32 : memref<!tpu.dma_semaphore, #tpu.memory_space<semaphore_mem>>)
    %scan3A_33 = arith.constant 0 : i32
    %scan3A_34 = arith.constant 0 : i32
    %scan3A_35 = arith.constant 80 : i32
    %scan3A_36 = arith.addi %scan3A_34, %scan3A_35 : i32
    %scan3A_37 = arith.constant 1 : i32
    scf.for %scan3A_67 = %scan3A_34 to %scan3A_36 step %scan3A_37  : i32 {
      %jit3A = arith.constant 8 : i32
      %div3A = arith.divsi %scan3A_67, %jit3A : i32
      %sign3A = arith.constant 0 : i32
      %sign3A_68 = arith.cmpi sgt, %scan3A_67, %sign3A : i32
      %sign3A_69 = arith.extui %sign3A_68 : i1 to i32
      %sign3A_70 = arith.constant 0 : i32
      %sign3A_71 = arith.cmpi slt, %scan3A_67, %sign3A_70 : i32
      %sign3A_72 = arith.extui %sign3A_71 : i1 to i32
      %sign3A_73 = arith.subi %sign3A_69, %sign3A_72 : i32
      %sign3A_74 = arith.constant 0 : i32
      %sign3A_75 = arith.cmpi sgt, %jit3A, %sign3A_74 : i32
      %sign3A_76 = arith.extui %sign3A_75 : i1 to i32
      %sign3A_77 = arith.constant 0 : i32
      %sign3A_78 = arith.cmpi slt, %jit3A, %sign3A_77 : i32
      %sign3A_79 = arith.extui %sign3A_78 : i1 to i32
      %sign3A_80 = arith.subi %sign3A_76, %sign3A_79 : i32
      %ne3A = arith.cmpi ne, %sign3A_73, %sign3A_80 : i32
      %rem3A = arith.remsi %scan3A_67, %jit3A : i32
      %ne3A_81 = arith.constant 0 : i32
      %ne3A_82 = arith.cmpi ne, %rem3A, %ne3A_81 : i32
      %and3A = arith.andi %ne3A, %ne3A_82 : i1
      %sub3A = arith.constant 1 : i32
      %sub3A_83 = arith.subi %div3A, %sub3A : i32
      %select_n3A = arith.select %and3A, %sub3A_83, %div3A : i32
      %jit3A_84 = arith.constant 8 : i32
      %eq3A = arith.constant 0 : i32
      %eq3A_85 = arith.cmpi eq, %jit3A_84, %eq3A : i32
      %jit3A_86 = arith.constant 1 : i32
      %select_n3A_87 = arith.select %eq3A_85, %jit3A_86, %jit3A_84 : i32
      %rem3A_88 = arith.remsi %scan3A_67, %select_n3A_87 : i32
      %ne3A_89 = arith.constant 0 : i32
      %ne3A_90 = arith.cmpi ne, %rem3A_88, %ne3A_89 : i32
      %lt3A = arith.constant 0 : i32
      %lt3A_91 = arith.cmpi slt, %rem3A_88, %lt3A : i32
      %lt3A_92 = arith.constant 0 : i32
      %lt3A_93 = arith.cmpi slt, %select_n3A_87, %lt3A_92 : i32
      %ne3A_94 = arith.xori %lt3A_91, %lt3A_93 : i1
      %and3A_95 = arith.andi %ne3A_94, %ne3A_90 : i1
      %add3A = arith.addi %rem3A_88, %select_n3A_87 : i32
      %select_n3A_96 = arith.select %and3A_95, %add3A, %rem3A_88 : i32
      %eq3A_97 = arith.constant 0 : i32
      %eq3A_98 = arith.cmpi eq, %select_n3A_96, %eq3A_97 : i32
      %add3A_99 = arith.constant 1 : i32
      %add3A_100 = arith.addi %select_n3A, %add3A_99 : i32
      %lt3A_101 = arith.constant 10 : i32
      %lt3A_102 = arith.cmpi slt, %add3A_100, %lt3A_101 : i32
      %and3A_103 = arith.andi %eq3A_98, %lt3A_102 : i1
      %convert_element_type3A = arith.extui %and3A_103 : i1 to i32
      %cond3A = arith.constant 0 : i32
      %cond3A_104 = arith.cmpi ne, %convert_element_type3A, %cond3A : i32
      scf.if %cond3A_104 {
        %add3A_276 = arith.constant 1 : i32
        %add3A_277 = arith.addi %select_n3A, %add3A_276 : i32
        %mul3A = arith.constant 8 : i32
        %mul3A_278 = arith.muli %add3A_277, %mul3A : i32
        %add3A_279 = arith.constant 1 : i32
        %add3A_280 = arith.addi %select_n3A, %add3A_279 : i32
        %jit3A_281 = arith.constant 2 : i32
        %eq3A_282 = arith.constant 0 : i32
        %eq3A_283 = arith.cmpi eq, %jit3A_281, %eq3A_282 : i32
        %jit3A_284 = arith.constant 1 : i32
        %select_n3A_285 = arith.select %eq3A_283, %jit3A_284, %jit3A_281 : i32
        %rem3A_286 = arith.remsi %add3A_280, %select_n3A_285 : i32
        %ne3A_287 = arith.constant 0 : i32
        %ne3A_288 = arith.cmpi ne, %rem3A_286, %ne3A_287 : i32
        %lt3A_289 = arith.constant 0 : i32
        %lt3A_290 = arith.cmpi slt, %rem3A_286, %lt3A_289 : i32
        %lt3A_291 = arith.constant 0 : i32
        %lt3A_292 = arith.cmpi slt, %select_n3A_285, %lt3A_291 : i32
        %ne3A_293 = arith.xori %lt3A_290, %lt3A_292 : i1
        %and3A_294 = arith.andi %ne3A_293, %ne3A_288 : i1
        %add3A_295 = arith.addi %rem3A_286, %select_n3A_285 : i32
        %select_n3A_296 = arith.select %and3A_294, %add3A_295, %rem3A_286 : i32
        "tpu.region"() ({
          %run_scoped3A_319 = tpu.sem_alloc : memref<!tpu.dma_semaphore, #tpu.memory_space<semaphore_mem>>
          %dma_start3A_320 = arith.constant 0 : i32
          %dma_start3A_321 = arith.constant 0 : i32
          %dma_start3A_322 = tpu.memref_slice %arg6[%select_n3A_296, %dma_start3A_320, %dma_start3A_321] : memref<2x8x128xi32, #tpu.memory_space<vmem>> -> memref<1x8x128xi32, #tpu.memory_space<vmem>>
          %dma_start3A_323 = tpu.memref_squeeze %dma_start3A_322 : memref<1x8x128xi32, #tpu.memory_space<vmem>> -> memref<8x128xi32, #tpu.memory_space<vmem>>
          %dma_start3A_324 = arith.constant 0 : i32
          %dma_start3A_325 = tpu.memref_slice %arg3[%arg0, %arg1, %mul3A_278, %dma_start3A_324] : memref<2x16x80x128xi32, #tpu.memory_space<hbm>> -> memref<1x1x8x128xi32, #tpu.memory_space<hbm>>
          %dma_start3A_326 = tpu.memref_squeeze %dma_start3A_325 : memref<1x1x8x128xi32, #tpu.memory_space<hbm>> -> memref<8x128xi32, #tpu.memory_space<hbm>>
          %dma_start3A_327 = arith.constant 0 : i32
          %dma_start3A_328 = arith.constant 0 : i32
          %dma_start3A_329 = tpu.memref_slice %arg6[%select_n3A_296, %dma_start3A_327, %dma_start3A_328] : memref<2x8x128xi32, #tpu.memory_space<vmem>> -> memref<1x8x128xi32, #tpu.memory_space<vmem>>
          %dma_start3A_330 = tpu.memref_squeeze %dma_start3A_329 : memref<1x8x128xi32, #tpu.memory_space<vmem>> -> memref<8x128xi32, #tpu.memory_space<vmem>>
          %dma_start3A_331 = arith.constant 0 : i32
          %dma_start3A_332 = tpu.memref_slice %arg3[%arg0, %arg1, %mul3A_278, %dma_start3A_331] : memref<2x16x80x128xi32, #tpu.memory_space<hbm>> -> memref<1x1x8x128xi32, #tpu.memory_space<hbm>>
          %dma_start3A_333 = tpu.memref_squeeze %dma_start3A_332 : memref<1x1x8x128xi32, #tpu.memory_space<hbm>> -> memref<8x128xi32, #tpu.memory_space<hbm>>
          tpu.enqueue_dma source(%dma_start3A_333 : memref<8x128xi32, #tpu.memory_space<hbm>>) target(%dma_start3A_330 : memref<8x128xi32, #tpu.memory_space<vmem>>) target_semaphore(%run_scoped3A_319 : memref<!tpu.dma_semaphore, #tpu.memory_space<semaphore_mem>>)
          %dma_wait3A_334 = arith.constant 0 : i32
          %dma_wait3A_335 = arith.constant 0 : i32
          %dma_wait3A_336 = tpu.memref_slice %arg6[%select_n3A_296, %dma_wait3A_334, %dma_wait3A_335] : memref<2x8x128xi32, #tpu.memory_space<vmem>> -> memref<1x8x128xi32, #tpu.memory_space<vmem>>
          %dma_wait3A_337 = tpu.memref_squeeze %dma_wait3A_336 : memref<1x8x128xi32, #tpu.memory_space<vmem>> -> memref<8x128xi32, #tpu.memory_space<vmem>>
          %dma_wait3A_338 = arith.constant 0 : i32
          %dma_wait3A_339 = tpu.memref_slice %arg3[%arg0, %arg1, %mul3A_278, %dma_wait3A_338] : memref<2x16x80x128xi32, #tpu.memory_space<hbm>> -> memref<1x1x8x128xi32, #tpu.memory_space<hbm>>
          %dma_wait3A_340 = tpu.memref_squeeze %dma_wait3A_339 : memref<1x1x8x128xi32, #tpu.memory_space<hbm>> -> memref<8x128xi32, #tpu.memory_space<hbm>>
          %dma_wait3A_341 = arith.constant 0 : i32
          %dma_wait3A_342 = arith.constant 0 : i32
          %dma_wait3A_343 = tpu.memref_slice %arg6[%select_n3A_296, %dma_wait3A_341, %dma_wait3A_342] : memref<2x8x128xi32, #tpu.memory_space<vmem>> -> memref<1x8x128xi32, #tpu.memory_space<vmem>>
          %dma_wait3A_344 = tpu.memref_squeeze %dma_wait3A_343 : memref<1x8x128xi32, #tpu.memory_space<vmem>> -> memref<8x128xi32, #tpu.memory_space<vmem>>
          %dma_wait3A_345 = arith.constant 0 : i32
          %dma_wait3A_346 = tpu.memref_slice %arg3[%arg0, %arg1, %mul3A_278, %dma_wait3A_345] : memref<2x16x80x128xi32, #tpu.memory_space<hbm>> -> memref<1x1x8x128xi32, #tpu.memory_space<hbm>>
          %dma_wait3A_347 = tpu.memref_squeeze %dma_wait3A_346 : memref<1x1x8x128xi32, #tpu.memory_space<hbm>> -> memref<8x128xi32, #tpu.memory_space<hbm>>
          tpu.wait_dma2 semaphore(%run_scoped3A_319 : memref<!tpu.dma_semaphore, #tpu.memory_space<semaphore_mem>>) src(%dma_wait3A_347 : memref<8x128xi32, #tpu.memory_space<hbm>>) dst(%dma_wait3A_344 : memref<8x128xi32, #tpu.memory_space<vmem>>)
          tpu.yield
        }) : () -> ()
        %add3A_297 = arith.constant 1 : i32
        %add3A_298 = arith.addi %select_n3A, %add3A_297 : i32
        %mul3A_299 = arith.constant 8 : i32
        %mul3A_300 = arith.muli %add3A_298, %mul3A_299 : i32
        %add3A_301 = arith.constant 1 : i32
        %add3A_302 = arith.addi %select_n3A, %add3A_301 : i32
        %jit3A_303 = arith.constant 2 : i32
        %eq3A_304 = arith.constant 0 : i32
        %eq3A_305 = arith.cmpi eq, %jit3A_303, %eq3A_304 : i32
        %jit3A_306 = arith.constant 1 : i32
        %select_n3A_307 = arith.select %eq3A_305, %jit3A_306, %jit3A_303 : i32
        %rem3A_308 = arith.remsi %add3A_302, %select_n3A_307 : i32
        %ne3A_309 = arith.constant 0 : i32
        %ne3A_310 = arith.cmpi ne, %rem3A_308, %ne3A_309 : i32
        %lt3A_311 = arith.constant 0 : i32
        %lt3A_312 = arith.cmpi slt, %rem3A_308, %lt3A_311 : i32
        %lt3A_313 = arith.constant 0 : i32
        %lt3A_314 = arith.cmpi slt, %select_n3A_307, %lt3A_313 : i32
        %ne3A_315 = arith.xori %lt3A_312, %lt3A_314 : i1
        %and3A_316 = arith.andi %ne3A_315, %ne3A_310 : i1
        %add3A_317 = arith.addi %rem3A_308, %select_n3A_307 : i32
        %select_n3A_318 = arith.select %and3A_316, %add3A_317, %rem3A_308 : i32
        "tpu.region"() ({
          %run_scoped3A_319 = tpu.sem_alloc : memref<!tpu.dma_semaphore, #tpu.memory_space<semaphore_mem>>
          %dma_start3A_320 = arith.constant 0 : i32
          %dma_start3A_321 = arith.constant 0 : i32
          %dma_start3A_322 = tpu.memref_slice %arg7[%select_n3A_318, %dma_start3A_320, %dma_start3A_321] : memref<2x8x128xi32, #tpu.memory_space<vmem>> -> memref<1x8x128xi32, #tpu.memory_space<vmem>>
          %dma_start3A_323 = tpu.memref_squeeze %dma_start3A_322 : memref<1x8x128xi32, #tpu.memory_space<vmem>> -> memref<8x128xi32, #tpu.memory_space<vmem>>
          %dma_start3A_324 = arith.constant 0 : i32
          %dma_start3A_325 = tpu.memref_slice %arg4[%arg0, %arg1, %mul3A_300, %dma_start3A_324] : memref<2x16x80x128xi32, #tpu.memory_space<hbm>> -> memref<1x1x8x128xi32, #tpu.memory_space<hbm>>
          %dma_start3A_326 = tpu.memref_squeeze %dma_start3A_325 : memref<1x1x8x128xi32, #tpu.memory_space<hbm>> -> memref<8x128xi32, #tpu.memory_space<hbm>>
          %dma_start3A_327 = arith.constant 0 : i32
          %dma_start3A_328 = arith.constant 0 : i32
          %dma_start3A_329 = tpu.memref_slice %arg7[%select_n3A_318, %dma_start3A_327, %dma_start3A_328] : memref<2x8x128xi32, #tpu.memory_space<vmem>> -> memref<1x8x128xi32, #tpu.memory_space<vmem>>
          %dma_start3A_330 = tpu.memref_squeeze %dma_start3A_329 : memref<1x8x128xi32, #tpu.memory_space<vmem>> -> memref<8x128xi32, #tpu.memory_space<vmem>>
          %dma_start3A_331 = arith.constant 0 : i32
          %dma_start3A_332 = tpu.memref_slice %arg4[%arg0, %arg1, %mul3A_300, %dma_start3A_331] : memref<2x16x80x128xi32, #tpu.memory_space<hbm>> -> memref<1x1x8x128xi32, #tpu.memory_space<hbm>>
          %dma_start3A_333 = tpu.memref_squeeze %dma_start3A_332 : memref<1x1x8x128xi32, #tpu.memory_space<hbm>> -> memref<8x128xi32, #tpu.memory_space<hbm>>
          tpu.enqueue_dma source(%dma_start3A_333 : memref<8x128xi32, #tpu.memory_space<hbm>>) target(%dma_start3A_330 : memref<8x128xi32, #tpu.memory_space<vmem>>) target_semaphore(%run_scoped3A_319 : memref<!tpu.dma_semaphore, #tpu.memory_space<semaphore_mem>>)
          %dma_wait3A_334 = arith.constant 0 : i32
          %dma_wait3A_335 = arith.constant 0 : i32
          %dma_wait3A_336 = tpu.memref_slice %arg7[%select_n3A_318, %dma_wait3A_334, %dma_wait3A_335] : memref<2x8x128xi32, #tpu.memory_space<vmem>> -> memref<1x8x128xi32, #tpu.memory_space<vmem>>
          %dma_wait3A_337 = tpu.memref_squeeze %dma_wait3A_336 : memref<1x8x128xi32, #tpu.memory_space<vmem>> -> memref<8x128xi32, #tpu.memory_space<vmem>>
          %dma_wait3A_338 = arith.constant 0 : i32
          %dma_wait3A_339 = tpu.memref_slice %arg4[%arg0, %arg1, %mul3A_300, %dma_wait3A_338] : memref<2x16x80x128xi32, #tpu.memory_space<hbm>> -> memref<1x1x8x128xi32, #tpu.memory_space<hbm>>
          %dma_wait3A_340 = tpu.memref_squeeze %dma_wait3A_339 : memref<1x1x8x128xi32, #tpu.memory_space<hbm>> -> memref<8x128xi32, #tpu.memory_space<hbm>>
          %dma_wait3A_341 = arith.constant 0 : i32
          %dma_wait3A_342 = arith.constant 0 : i32
          %dma_wait3A_343 = tpu.memref_slice %arg7[%select_n3A_318, %dma_wait3A_341, %dma_wait3A_342] : memref<2x8x128xi32, #tpu.memory_space<vmem>> -> memref<1x8x128xi32, #tpu.memory_space<vmem>>
          %dma_wait3A_344 = tpu.memref_squeeze %dma_wait3A_343 : memref<1x8x128xi32, #tpu.memory_space<vmem>> -> memref<8x128xi32, #tpu.memory_space<vmem>>
          %dma_wait3A_345 = arith.constant 0 : i32
          %dma_wait3A_346 = tpu.memref_slice %arg4[%arg0, %arg1, %mul3A_300, %dma_wait3A_345] : memref<2x16x80x128xi32, #tpu.memory_space<hbm>> -> memref<1x1x8x128xi32, #tpu.memory_space<hbm>>
          %dma_wait3A_347 = tpu.memref_squeeze %dma_wait3A_346 : memref<1x1x8x128xi32, #tpu.memory_space<hbm>> -> memref<8x128xi32, #tpu.memory_space<hbm>>
          tpu.wait_dma2 semaphore(%run_scoped3A_319 : memref<!tpu.dma_semaphore, #tpu.memory_space<semaphore_mem>>) src(%dma_wait3A_347 : memref<8x128xi32, #tpu.memory_space<hbm>>) dst(%dma_wait3A_344 : memref<8x128xi32, #tpu.memory_space<vmem>>)
          tpu.yield
        }) : () -> ()
      } else {
      }
      %ge3A = arith.constant 1 : i32
      %ge3A_105 = arith.cmpi sge, %scan3A_67, %ge3A : i32
      %convert_element_type3A_106 = arith.extui %ge3A_105 : i1 to i32
      %cond3A_107 = arith.constant 0 : i32
      %cond3A_108 = arith.cmpi ne, %convert_element_type3A_106, %cond3A_107 : i32
      scf.if %cond3A_108 {
        %sub3A_276 = arith.constant 1 : i32
        %sub3A_277 = arith.subi %scan3A_67, %sub3A_276 : i32
        %jit3A_278 = arith.constant 2 : i32
        %eq3A_279 = arith.constant 0 : i32
        %eq3A_280 = arith.cmpi eq, %jit3A_278, %eq3A_279 : i32
        %jit3A_281 = arith.constant 1 : i32
        %select_n3A_282 = arith.select %eq3A_280, %jit3A_281, %jit3A_278 : i32
        %rem3A_283 = arith.remsi %sub3A_277, %select_n3A_282 : i32
        %ne3A_284 = arith.constant 0 : i32
        %ne3A_285 = arith.cmpi ne, %rem3A_283, %ne3A_284 : i32
        %lt3A_286 = arith.constant 0 : i32
        %lt3A_287 = arith.cmpi slt, %rem3A_283, %lt3A_286 : i32
        %lt3A_288 = arith.constant 0 : i32
        %lt3A_289 = arith.cmpi slt, %select_n3A_282, %lt3A_288 : i32
        %ne3A_290 = arith.xori %lt3A_287, %lt3A_289 : i1
        %and3A_291 = arith.andi %ne3A_290, %ne3A_285 : i1
        %add3A_292 = arith.addi %rem3A_283, %select_n3A_282 : i32
        %select_n3A_293 = arith.select %and3A_291, %add3A_292, %rem3A_283 : i32
        %jit3A_294 = arith.constant 8 : i32
        %div3A_295 = arith.divsi %sub3A_277, %jit3A_294 : i32
        %sign3A_296 = arith.constant 0 : i32
        %sign3A_297 = arith.cmpi sgt, %sub3A_277, %sign3A_296 : i32
        %sign3A_298 = arith.extui %sign3A_297 : i1 to i32
        %sign3A_299 = arith.constant 0 : i32
        %sign3A_300 = arith.cmpi slt, %sub3A_277, %sign3A_299 : i32
        %sign3A_301 = arith.extui %sign3A_300 : i1 to i32
        %sign3A_302 = arith.subi %sign3A_298, %sign3A_301 : i32
        %sign3A_303 = arith.constant 0 : i32
        %sign3A_304 = arith.cmpi sgt, %jit3A_294, %sign3A_303 : i32
        %sign3A_305 = arith.extui %sign3A_304 : i1 to i32
        %sign3A_306 = arith.constant 0 : i32
        %sign3A_307 = arith.cmpi slt, %jit3A_294, %sign3A_306 : i32
        %sign3A_308 = arith.extui %sign3A_307 : i1 to i32
        %sign3A_309 = arith.subi %sign3A_305, %sign3A_308 : i32
        %ne3A_310 = arith.cmpi ne, %sign3A_302, %sign3A_309 : i32
        %rem3A_311 = arith.remsi %sub3A_277, %jit3A_294 : i32
        %ne3A_312 = arith.constant 0 : i32
        %ne3A_313 = arith.cmpi ne, %rem3A_311, %ne3A_312 : i32
        %and3A_314 = arith.andi %ne3A_310, %ne3A_313 : i1
        %sub3A_315 = arith.constant 1 : i32
        %sub3A_316 = arith.subi %div3A_295, %sub3A_315 : i32
        %select_n3A_317 = arith.select %and3A_314, %sub3A_316, %div3A_295 : i32
        %jit3A_318 = arith.constant 2 : i32
        %eq3A_319 = arith.constant 0 : i32
        %eq3A_320 = arith.cmpi eq, %jit3A_318, %eq3A_319 : i32
        %jit3A_321 = arith.constant 1 : i32
        %select_n3A_322 = arith.select %eq3A_320, %jit3A_321, %jit3A_318 : i32
        %rem3A_323 = arith.remsi %select_n3A_317, %select_n3A_322 : i32
        %ne3A_324 = arith.constant 0 : i32
        %ne3A_325 = arith.cmpi ne, %rem3A_323, %ne3A_324 : i32
        %lt3A_326 = arith.constant 0 : i32
        %lt3A_327 = arith.cmpi slt, %rem3A_323, %lt3A_326 : i32
        %lt3A_328 = arith.constant 0 : i32
        %lt3A_329 = arith.cmpi slt, %select_n3A_322, %lt3A_328 : i32
        %ne3A_330 = arith.xori %lt3A_327, %lt3A_329 : i1
        %and3A_331 = arith.andi %ne3A_330, %ne3A_325 : i1
        %add3A_332 = arith.addi %rem3A_323, %select_n3A_322 : i32
        %select_n3A_333 = arith.select %and3A_331, %add3A_332, %rem3A_323 : i32
        %jit3A_334 = arith.constant 8 : i32
        %eq3A_335 = arith.constant 0 : i32
        %eq3A_336 = arith.cmpi eq, %jit3A_334, %eq3A_335 : i32
        %jit3A_337 = arith.constant 1 : i32
        %select_n3A_338 = arith.select %eq3A_336, %jit3A_337, %jit3A_334 : i32
        %rem3A_339 = arith.remsi %sub3A_277, %select_n3A_338 : i32
        %ne3A_340 = arith.constant 0 : i32
        %ne3A_341 = arith.cmpi ne, %rem3A_339, %ne3A_340 : i32
        %lt3A_342 = arith.constant 0 : i32
        %lt3A_343 = arith.cmpi slt, %rem3A_339, %lt3A_342 : i32
        %lt3A_344 = arith.constant 0 : i32
        %lt3A_345 = arith.cmpi slt, %select_n3A_338, %lt3A_344 : i32
        %ne3A_346 = arith.xori %lt3A_343, %lt3A_345 : i1
        %and3A_347 = arith.andi %ne3A_346, %ne3A_341 : i1
        %add3A_348 = arith.addi %rem3A_339, %select_n3A_338 : i32
        %select_n3A_349 = arith.select %and3A_347, %add3A_348, %rem3A_339 : i32
        %jit3A_350 = arith.constant 2 : i32
        %eq3A_351 = arith.constant 0 : i32
        %eq3A_352 = arith.cmpi eq, %jit3A_350, %eq3A_351 : i32
        %jit3A_353 = arith.constant 1 : i32
        %select_n3A_354 = arith.select %eq3A_352, %jit3A_353, %jit3A_350 : i32
        %rem3A_355 = arith.remsi %sub3A_277, %select_n3A_354 : i32
        %ne3A_356 = arith.constant 0 : i32
        %ne3A_357 = arith.cmpi ne, %rem3A_355, %ne3A_356 : i32
        %lt3A_358 = arith.constant 0 : i32
        %lt3A_359 = arith.cmpi slt, %rem3A_355, %lt3A_358 : i32
        %lt3A_360 = arith.constant 0 : i32
        %lt3A_361 = arith.cmpi slt, %select_n3A_354, %lt3A_360 : i32
        %ne3A_362 = arith.xori %lt3A_359, %lt3A_361 : i1
        %and3A_363 = arith.andi %ne3A_362, %ne3A_357 : i1
        %add3A_364 = arith.addi %rem3A_355, %select_n3A_354 : i32
        %select_n3A_365 = arith.select %and3A_363, %add3A_364, %rem3A_355 : i32
        %dma_wait3A_366 = arith.constant 0 : i32
        %dma_wait3A_367 = arith.constant 0 : i32
        %dma_wait3A_368 = tpu.memref_slice %arg8[%select_n3A_293, %dma_wait3A_366, %dma_wait3A_367] : memref<2x128x128xf32, #tpu.memory_space<vmem>> -> memref<1x128x128xf32, #tpu.memory_space<vmem>>
        %dma_wait3A_369 = tpu.memref_squeeze %dma_wait3A_368 : memref<1x128x128xf32, #tpu.memory_space<vmem>> -> memref<128x128xf32, #tpu.memory_space<vmem>>
        %dma_wait3A_370 = arith.constant 0 : i32
        %dma_wait3A_371 = tpu.memref_slice %arg7[%select_n3A_333, %select_n3A_349, %dma_wait3A_370] : memref<2x8x128xi32, #tpu.memory_space<vmem>> -> memref<1x1x128xi32, #tpu.memory_space<vmem>>
        %dma_wait3A_372 = tpu.memref_squeeze %dma_wait3A_371 : memref<1x1x128xi32, #tpu.memory_space<vmem>> -> memref<128xi32, #tpu.memory_space<vmem>>
        %dma_wait3A_373 = arith.constant 0 : i32
        %dma_wait3A_374 = arith.constant 0 : i32
        %dma_wait3A_375 = tpu.memref_slice %arg9[%dma_wait3A_373, %dma_wait3A_374] : memref<10240x128xf32, #tpu.memory_space<vmem_shared>> -> memref<10240x128xf32, #tpu.memory_space<vmem_shared>>
        %dma_wait3A_376 = tpu.memref_slice %arg11[%select_n3A_365] : memref<2x!tpu.dma_semaphore, #tpu.memory_space<semaphore_mem>> -> memref<1x!tpu.dma_semaphore, #tpu.memory_space<semaphore_mem>>
        %dma_wait3A_377 = tpu.memref_squeeze %dma_wait3A_376 : memref<1x!tpu.dma_semaphore, #tpu.memory_space<semaphore_mem>> -> memref<!tpu.dma_semaphore, #tpu.memory_space<semaphore_mem>>
        tpu.wait_indirect_dma semaphore(%dma_wait3A_377 : memref<!tpu.dma_semaphore, #tpu.memory_space<semaphore_mem>>) src(%dma_wait3A_369 : memref<128x128xf32, #tpu.memory_space<vmem>>) dst(%dma_wait3A_375 : memref<10240x128xf32, #tpu.memory_space<vmem_shared>>)
      } else {
      }
      %add3A_109 = arith.constant 1 : i32
      %add3A_110 = arith.addi %scan3A_67, %add3A_109 : i32
      %lt3A_111 = arith.constant 80 : i32
      %lt3A_112 = arith.cmpi slt, %add3A_110, %lt3A_111 : i32
      %convert_element_type3A_113 = arith.extui %lt3A_112 : i1 to i32
      %cond3A_114 = arith.constant 0 : i32
      %cond3A_115 = arith.cmpi ne, %convert_element_type3A_113, %cond3A_114 : i32
      scf.if %cond3A_115 {
        %add3A_276 = arith.constant 1 : i32
        %add3A_277 = arith.addi %scan3A_67, %add3A_276 : i32
        %jit3A_278 = arith.constant 8 : i32
        %div3A_279 = arith.divsi %add3A_277, %jit3A_278 : i32
        %sign3A_280 = arith.constant 0 : i32
        %sign3A_281 = arith.cmpi sgt, %add3A_277, %sign3A_280 : i32
        %sign3A_282 = arith.extui %sign3A_281 : i1 to i32
        %sign3A_283 = arith.constant 0 : i32
        %sign3A_284 = arith.cmpi slt, %add3A_277, %sign3A_283 : i32
        %sign3A_285 = arith.extui %sign3A_284 : i1 to i32
        %sign3A_286 = arith.subi %sign3A_282, %sign3A_285 : i32
        %sign3A_287 = arith.constant 0 : i32
        %sign3A_288 = arith.cmpi sgt, %jit3A_278, %sign3A_287 : i32
        %sign3A_289 = arith.extui %sign3A_288 : i1 to i32
        %sign3A_290 = arith.constant 0 : i32
        %sign3A_291 = arith.cmpi slt, %jit3A_278, %sign3A_290 : i32
        %sign3A_292 = arith.extui %sign3A_291 : i1 to i32
        %sign3A_293 = arith.subi %sign3A_289, %sign3A_292 : i32
        %ne3A_294 = arith.cmpi ne, %sign3A_286, %sign3A_293 : i32
        %rem3A_295 = arith.remsi %add3A_277, %jit3A_278 : i32
        %ne3A_296 = arith.constant 0 : i32
        %ne3A_297 = arith.cmpi ne, %rem3A_295, %ne3A_296 : i32
        %and3A_298 = arith.andi %ne3A_294, %ne3A_297 : i1
        %sub3A_299 = arith.constant 1 : i32
        %sub3A_300 = arith.subi %div3A_279, %sub3A_299 : i32
        %select_n3A_301 = arith.select %and3A_298, %sub3A_300, %div3A_279 : i32
        %jit3A_302 = arith.constant 2 : i32
        %eq3A_303 = arith.constant 0 : i32
        %eq3A_304 = arith.cmpi eq, %jit3A_302, %eq3A_303 : i32
        %jit3A_305 = arith.constant 1 : i32
        %select_n3A_306 = arith.select %eq3A_304, %jit3A_305, %jit3A_302 : i32
        %rem3A_307 = arith.remsi %select_n3A_301, %select_n3A_306 : i32
        %ne3A_308 = arith.constant 0 : i32
        %ne3A_309 = arith.cmpi ne, %rem3A_307, %ne3A_308 : i32
        %lt3A_310 = arith.constant 0 : i32
        %lt3A_311 = arith.cmpi slt, %rem3A_307, %lt3A_310 : i32
        %lt3A_312 = arith.constant 0 : i32
        %lt3A_313 = arith.cmpi slt, %select_n3A_306, %lt3A_312 : i32
        %ne3A_314 = arith.xori %lt3A_311, %lt3A_313 : i1
        %and3A_315 = arith.andi %ne3A_314, %ne3A_309 : i1
        %add3A_316 = arith.addi %rem3A_307, %select_n3A_306 : i32
        %select_n3A_317 = arith.select %and3A_315, %add3A_316, %rem3A_307 : i32
        %jit3A_318 = arith.constant 8 : i32
        %eq3A_319 = arith.constant 0 : i32
        %eq3A_320 = arith.cmpi eq, %jit3A_318, %eq3A_319 : i32
        %jit3A_321 = arith.constant 1 : i32
        %select_n3A_322 = arith.select %eq3A_320, %jit3A_321, %jit3A_318 : i32
        %rem3A_323 = arith.remsi %add3A_277, %select_n3A_322 : i32
        %ne3A_324 = arith.constant 0 : i32
        %ne3A_325 = arith.cmpi ne, %rem3A_323, %ne3A_324 : i32
        %lt3A_326 = arith.constant 0 : i32
        %lt3A_327 = arith.cmpi slt, %rem3A_323, %lt3A_326 : i32
        %lt3A_328 = arith.constant 0 : i32
        %lt3A_329 = arith.cmpi slt, %select_n3A_322, %lt3A_328 : i32
        %ne3A_330 = arith.xori %lt3A_327, %lt3A_329 : i1
        %and3A_331 = arith.andi %ne3A_330, %ne3A_325 : i1
        %add3A_332 = arith.addi %rem3A_323, %select_n3A_322 : i32
        %select_n3A_333 = arith.select %and3A_331, %add3A_332, %rem3A_323 : i32
        %jit3A_334 = arith.constant 2 : i32
        %eq3A_335 = arith.constant 0 : i32
        %eq3A_336 = arith.cmpi eq, %jit3A_334, %eq3A_335 : i32
        %jit3A_337 = arith.constant 1 : i32
        %select_n3A_338 = arith.select %eq3A_336, %jit3A_337, %jit3A_334 : i32
        %rem3A_339 = arith.remsi %add3A_277, %select_n3A_338 : i32
        %ne3A_340 = arith.constant 0 : i32
        %ne3A_341 = arith.cmpi ne, %rem3A_339, %ne3A_340 : i32
        %lt3A_342 = arith.constant 0 : i32
        %lt3A_343 = arith.cmpi slt, %rem3A_339, %lt3A_342 : i32
        %lt3A_344 = arith.constant 0 : i32
        %lt3A_345 = arith.cmpi slt, %select_n3A_338, %lt3A_344 : i32
        %ne3A_346 = arith.xori %lt3A_343, %lt3A_345 : i1
        %and3A_347 = arith.andi %ne3A_346, %ne3A_341 : i1
        %add3A_348 = arith.addi %rem3A_339, %select_n3A_338 : i32
        %select_n3A_349 = arith.select %and3A_347, %add3A_348, %rem3A_339 : i32
        %jit3A_350 = arith.constant 2 : i32
        %eq3A_351 = arith.constant 0 : i32
        %eq3A_352 = arith.cmpi eq, %jit3A_350, %eq3A_351 : i32
        %jit3A_353 = arith.constant 1 : i32
        %select_n3A_354 = arith.select %eq3A_352, %jit3A_353, %jit3A_350 : i32
        %rem3A_355 = arith.remsi %add3A_277, %select_n3A_354 : i32
        %ne3A_356 = arith.constant 0 : i32
        %ne3A_357 = arith.cmpi ne, %rem3A_355, %ne3A_356 : i32
        %lt3A_358 = arith.constant 0 : i32
        %lt3A_359 = arith.cmpi slt, %rem3A_355, %lt3A_358 : i32
        %lt3A_360 = arith.constant 0 : i32
        %lt3A_361 = arith.cmpi slt, %select_n3A_354, %lt3A_360 : i32
        %ne3A_362 = arith.xori %lt3A_359, %lt3A_361 : i1
        %and3A_363 = arith.andi %ne3A_362, %ne3A_357 : i1
        %add3A_364 = arith.addi %rem3A_355, %select_n3A_354 : i32
        %select_n3A_365 = arith.select %and3A_363, %add3A_364, %rem3A_355 : i32
        %dma_start3A_366 = arith.constant 0 : i32
        %dma_start3A_367 = arith.constant 0 : i32
        %dma_start3A_368 = tpu.memref_slice %arg8[%select_n3A_349, %dma_start3A_366, %dma_start3A_367] : memref<2x128x128xf32, #tpu.memory_space<vmem>> -> memref<1x128x128xf32, #tpu.memory_space<vmem>>
        %dma_start3A_369 = tpu.memref_squeeze %dma_start3A_368 : memref<1x128x128xf32, #tpu.memory_space<vmem>> -> memref<128x128xf32, #tpu.memory_space<vmem>>
        %dma_start3A_370 = arith.constant 0 : i32
        %dma_start3A_371 = tpu.memref_slice %arg6[%select_n3A_317, %select_n3A_333, %dma_start3A_370] : memref<2x8x128xi32, #tpu.memory_space<vmem>> -> memref<1x1x128xi32, #tpu.memory_space<vmem>>
        %dma_start3A_372 = tpu.memref_squeeze %dma_start3A_371 : memref<1x1x128xi32, #tpu.memory_space<vmem>> -> memref<128xi32, #tpu.memory_space<vmem>>
        %dma_start3A_373 = arith.constant 0 : i32
        %dma_start3A_374 = arith.constant 0 : i32
        %dma_start3A_375 = tpu.memref_slice %arg2[%dma_start3A_373, %dma_start3A_374] : memref<10000x128xf32, #tpu.memory_space<hbm>> -> memref<10000x128xf32, #tpu.memory_space<hbm>>
        %dma_start3A_376 = tpu.memref_slice %arg10[%select_n3A_365] : memref<2x!tpu.dma_semaphore, #tpu.memory_space<semaphore_mem>> -> memref<1x!tpu.dma_semaphore, #tpu.memory_space<semaphore_mem>>
        %dma_start3A_377 = tpu.memref_squeeze %dma_start3A_376 : memref<1x!tpu.dma_semaphore, #tpu.memory_space<semaphore_mem>> -> memref<!tpu.dma_semaphore, #tpu.memory_space<semaphore_mem>>
        tpu.enqueue_indirect_dma source(%dma_start3A_375 : memref<10000x128xf32, #tpu.memory_space<hbm>>) target(%dma_start3A_369 : memref<128x128xf32, #tpu.memory_space<vmem>>) offsets(%dma_start3A_372 : memref<128xi32, #tpu.memory_space<vmem>>) semaphore(%dma_start3A_377 : memref<!tpu.dma_semaphore, #tpu.memory_space<semaphore_mem>>)
      } else {
      }
      %jit3A_116 = arith.constant 2 : i32
      %eq3A_117 = arith.constant 0 : i32
      %eq3A_118 = arith.cmpi eq, %jit3A_116, %eq3A_117 : i32
      %jit3A_119 = arith.constant 1 : i32
      %select_n3A_120 = arith.select %eq3A_118, %jit3A_119, %jit3A_116 : i32
      %rem3A_121 = arith.remsi %select_n3A, %select_n3A_120 : i32
      %ne3A_122 = arith.constant 0 : i32
      %ne3A_123 = arith.cmpi ne, %rem3A_121, %ne3A_122 : i32
      %lt3A_124 = arith.constant 0 : i32
      %lt3A_125 = arith.cmpi slt, %rem3A_121, %lt3A_124 : i32
      %lt3A_126 = arith.constant 0 : i32
      %lt3A_127 = arith.cmpi slt, %select_n3A_120, %lt3A_126 : i32
      %ne3A_128 = arith.xori %lt3A_125, %lt3A_127 : i1
      %and3A_129 = arith.andi %ne3A_128, %ne3A_123 : i1
      %add3A_130 = arith.addi %rem3A_121, %select_n3A_120 : i32
      %select_n3A_131 = arith.select %and3A_129, %add3A_130, %rem3A_121 : i32
      %jit3A_132 = arith.constant 2 : i32
      %eq3A_133 = arith.constant 0 : i32
      %eq3A_134 = arith.cmpi eq, %jit3A_132, %eq3A_133 : i32
      %jit3A_135 = arith.constant 1 : i32
      %select_n3A_136 = arith.select %eq3A_134, %jit3A_135, %jit3A_132 : i32
      %rem3A_137 = arith.remsi %scan3A_67, %select_n3A_136 : i32
      %ne3A_138 = arith.constant 0 : i32
      %ne3A_139 = arith.cmpi ne, %rem3A_137, %ne3A_138 : i32
      %lt3A_140 = arith.constant 0 : i32
      %lt3A_141 = arith.cmpi slt, %rem3A_137, %lt3A_140 : i32
      %lt3A_142 = arith.constant 0 : i32
      %lt3A_143 = arith.cmpi slt, %select_n3A_136, %lt3A_142 : i32
      %ne3A_144 = arith.xori %lt3A_141, %lt3A_143 : i1
      %and3A_145 = arith.andi %ne3A_144, %ne3A_139 : i1
      %add3A_146 = arith.addi %rem3A_137, %select_n3A_136 : i32
      %select_n3A_147 = arith.select %and3A_145, %add3A_146, %rem3A_137 : i32
      %jit3A_148 = arith.constant 2 : i32
      %eq3A_149 = arith.constant 0 : i32
      %eq3A_150 = arith.cmpi eq, %jit3A_148, %eq3A_149 : i32
      %jit3A_151 = arith.constant 1 : i32
      %select_n3A_152 = arith.select %eq3A_150, %jit3A_151, %jit3A_148 : i32
      %rem3A_153 = arith.remsi %scan3A_67, %select_n3A_152 : i32
      %ne3A_154 = arith.constant 0 : i32
      %ne3A_155 = arith.cmpi ne, %rem3A_153, %ne3A_154 : i32
      %lt3A_156 = arith.constant 0 : i32
      %lt3A_157 = arith.cmpi slt, %rem3A_153, %lt3A_156 : i32
      %lt3A_158 = arith.constant 0 : i32
      %lt3A_159 = arith.cmpi slt, %select_n3A_152, %lt3A_158 : i32
      %ne3A_160 = arith.xori %lt3A_157, %lt3A_159 : i1
      %and3A_161 = arith.andi %ne3A_160, %ne3A_155 : i1
      %add3A_162 = arith.addi %rem3A_153, %select_n3A_152 : i32
      %select_n3A_163 = arith.select %and3A_161, %add3A_162, %rem3A_153 : i32
      %dma_wait3A_164 = arith.constant 0 : i32
      %dma_wait3A_165 = arith.constant 0 : i32
      %dma_wait3A_166 = tpu.memref_slice %arg8[%select_n3A_147, %dma_wait3A_164, %dma_wait3A_165] : memref<2x128x128xf32, #tpu.memory_space<vmem>> -> memref<1x128x128xf32, #tpu.memory_space<vmem>>
      %dma_wait3A_167 = tpu.memref_squeeze %dma_wait3A_166 : memref<1x128x128xf32, #tpu.memory_space<vmem>> -> memref<128x128xf32, #tpu.memory_space<vmem>>
      %dma_wait3A_168 = arith.constant 0 : i32
      %dma_wait3A_169 = tpu.memref_slice %arg6[%select_n3A_131, %select_n3A_96, %dma_wait3A_168] : memref<2x8x128xi32, #tpu.memory_space<vmem>> -> memref<1x1x128xi32, #tpu.memory_space<vmem>>
      %dma_wait3A_170 = tpu.memref_squeeze %dma_wait3A_169 : memref<1x1x128xi32, #tpu.memory_space<vmem>> -> memref<128xi32, #tpu.memory_space<vmem>>
      %dma_wait3A_171 = arith.constant 0 : i32
      %dma_wait3A_172 = arith.constant 0 : i32
      %dma_wait3A_173 = tpu.memref_slice %arg2[%dma_wait3A_171, %dma_wait3A_172] : memref<10000x128xf32, #tpu.memory_space<hbm>> -> memref<10000x128xf32, #tpu.memory_space<hbm>>
      %dma_wait3A_174 = tpu.memref_slice %arg10[%select_n3A_163] : memref<2x!tpu.dma_semaphore, #tpu.memory_space<semaphore_mem>> -> memref<1x!tpu.dma_semaphore, #tpu.memory_space<semaphore_mem>>
      %dma_wait3A_175 = tpu.memref_squeeze %dma_wait3A_174 : memref<1x!tpu.dma_semaphore, #tpu.memory_space<semaphore_mem>> -> memref<!tpu.dma_semaphore, #tpu.memory_space<semaphore_mem>>
      tpu.wait_indirect_dma semaphore(%dma_wait3A_175 : memref<!tpu.dma_semaphore, #tpu.memory_space<semaphore_mem>>) src(%dma_wait3A_173 : memref<10000x128xf32, #tpu.memory_space<hbm>>) dst(%dma_wait3A_167 : memref<128x128xf32, #tpu.memory_space<vmem>>)
      %jit3A_176 = arith.constant 2 : i32
      %eq3A_177 = arith.constant 0 : i32
      %eq3A_178 = arith.cmpi eq, %jit3A_176, %eq3A_177 : i32
      %jit3A_179 = arith.constant 1 : i32
      %select_n3A_180 = arith.select %eq3A_178, %jit3A_179, %jit3A_176 : i32
      %rem3A_181 = arith.remsi %scan3A_67, %select_n3A_180 : i32
      %ne3A_182 = arith.constant 0 : i32
      %ne3A_183 = arith.cmpi ne, %rem3A_181, %ne3A_182 : i32
      %lt3A_184 = arith.constant 0 : i32
      %lt3A_185 = arith.cmpi slt, %rem3A_181, %lt3A_184 : i32
      %lt3A_186 = arith.constant 0 : i32
      %lt3A_187 = arith.cmpi slt, %select_n3A_180, %lt3A_186 : i32
      %ne3A_188 = arith.xori %lt3A_185, %lt3A_187 : i1
      %and3A_189 = arith.andi %ne3A_188, %ne3A_183 : i1
      %add3A_190 = arith.addi %rem3A_181, %select_n3A_180 : i32
      %select_n3A_191 = arith.select %and3A_189, %add3A_190, %rem3A_181 : i32
      %jit3A_192 = arith.constant 8 : i32
      %div3A_193 = arith.divsi %scan3A_67, %jit3A_192 : i32
      %sign3A_194 = arith.constant 0 : i32
      %sign3A_195 = arith.cmpi sgt, %scan3A_67, %sign3A_194 : i32
      %sign3A_196 = arith.extui %sign3A_195 : i1 to i32
      %sign3A_197 = arith.constant 0 : i32
      %sign3A_198 = arith.cmpi slt, %scan3A_67, %sign3A_197 : i32
      %sign3A_199 = arith.extui %sign3A_198 : i1 to i32
      %sign3A_200 = arith.subi %sign3A_196, %sign3A_199 : i32
      %sign3A_201 = arith.constant 0 : i32
      %sign3A_202 = arith.cmpi sgt, %jit3A_192, %sign3A_201 : i32
      %sign3A_203 = arith.extui %sign3A_202 : i1 to i32
      %sign3A_204 = arith.constant 0 : i32
      %sign3A_205 = arith.cmpi slt, %jit3A_192, %sign3A_204 : i32
      %sign3A_206 = arith.extui %sign3A_205 : i1 to i32
      %sign3A_207 = arith.subi %sign3A_203, %sign3A_206 : i32
      %ne3A_208 = arith.cmpi ne, %sign3A_200, %sign3A_207 : i32
      %rem3A_209 = arith.remsi %scan3A_67, %jit3A_192 : i32
      %ne3A_210 = arith.constant 0 : i32
      %ne3A_211 = arith.cmpi ne, %rem3A_209, %ne3A_210 : i32
      %and3A_212 = arith.andi %ne3A_208, %ne3A_211 : i1
      %sub3A_213 = arith.constant 1 : i32
      %sub3A_214 = arith.subi %div3A_193, %sub3A_213 : i32
      %select_n3A_215 = arith.select %and3A_212, %sub3A_214, %div3A_193 : i32
      %jit3A_216 = arith.constant 2 : i32
      %eq3A_217 = arith.constant 0 : i32
      %eq3A_218 = arith.cmpi eq, %jit3A_216, %eq3A_217 : i32
      %jit3A_219 = arith.constant 1 : i32
      %select_n3A_220 = arith.select %eq3A_218, %jit3A_219, %jit3A_216 : i32
      %rem3A_221 = arith.remsi %select_n3A_215, %select_n3A_220 : i32
      %ne3A_222 = arith.constant 0 : i32
      %ne3A_223 = arith.cmpi ne, %rem3A_221, %ne3A_222 : i32
      %lt3A_224 = arith.constant 0 : i32
      %lt3A_225 = arith.cmpi slt, %rem3A_221, %lt3A_224 : i32
      %lt3A_226 = arith.constant 0 : i32
      %lt3A_227 = arith.cmpi slt, %select_n3A_220, %lt3A_226 : i32
      %ne3A_228 = arith.xori %lt3A_225, %lt3A_227 : i1
      %and3A_229 = arith.andi %ne3A_228, %ne3A_223 : i1
      %add3A_230 = arith.addi %rem3A_221, %select_n3A_220 : i32
      %select_n3A_231 = arith.select %and3A_229, %add3A_230, %rem3A_221 : i32
      %jit3A_232 = arith.constant 8 : i32
      %eq3A_233 = arith.constant 0 : i32
      %eq3A_234 = arith.cmpi eq, %jit3A_232, %eq3A_233 : i32
      %jit3A_235 = arith.constant 1 : i32
      %select_n3A_236 = arith.select %eq3A_234, %jit3A_235, %jit3A_232 : i32
      %rem3A_237 = arith.remsi %scan3A_67, %select_n3A_236 : i32
      %ne3A_238 = arith.constant 0 : i32
      %ne3A_239 = arith.cmpi ne, %rem3A_237, %ne3A_238 : i32
      %lt3A_240 = arith.constant 0 : i32
      %lt3A_241 = arith.cmpi slt, %rem3A_237, %lt3A_240 : i32
      %lt3A_242 = arith.constant 0 : i32
      %lt3A_243 = arith.cmpi slt, %select_n3A_236, %lt3A_242 : i32
      %ne3A_244 = arith.xori %lt3A_241, %lt3A_243 : i1
      %and3A_245 = arith.andi %ne3A_244, %ne3A_239 : i1
      %add3A_246 = arith.addi %rem3A_237, %select_n3A_236 : i32
      %select_n3A_247 = arith.select %and3A_245, %add3A_246, %rem3A_237 : i32
      %jit3A_248 = arith.constant 2 : i32
      %eq3A_249 = arith.constant 0 : i32
      %eq3A_250 = arith.cmpi eq, %jit3A_248, %eq3A_249 : i32
      %jit3A_251 = arith.constant 1 : i32
      %select_n3A_252 = arith.select %eq3A_250, %jit3A_251, %jit3A_248 : i32
      %rem3A_253 = arith.remsi %scan3A_67, %select_n3A_252 : i32
      %ne3A_254 = arith.constant 0 : i32
      %ne3A_255 = arith.cmpi ne, %rem3A_253, %ne3A_254 : i32
      %lt3A_256 = arith.constant 0 : i32
      %lt3A_257 = arith.cmpi slt, %rem3A_253, %lt3A_256 : i32
      %lt3A_258 = arith.constant 0 : i32
      %lt3A_259 = arith.cmpi slt, %select_n3A_252, %lt3A_258 : i32
      %ne3A_260 = arith.xori %lt3A_257, %lt3A_259 : i1
      %and3A_261 = arith.andi %ne3A_260, %ne3A_255 : i1
      %add3A_262 = arith.addi %rem3A_253, %select_n3A_252 : i32
      %select_n3A_263 = arith.select %and3A_261, %add3A_262, %rem3A_253 : i32
      %dma_start3A_264 = arith.constant 0 : i32
      %dma_start3A_265 = arith.constant 0 : i32
      %dma_start3A_266 = tpu.memref_slice %arg8[%select_n3A_191, %dma_start3A_264, %dma_start3A_265] : memref<2x128x128xf32, #tpu.memory_space<vmem>> -> memref<1x128x128xf32, #tpu.memory_space<vmem>>
      %dma_start3A_267 = tpu.memref_squeeze %dma_start3A_266 : memref<1x128x128xf32, #tpu.memory_space<vmem>> -> memref<128x128xf32, #tpu.memory_space<vmem>>
      %dma_start3A_268 = arith.constant 0 : i32
      %dma_start3A_269 = tpu.memref_slice %arg7[%select_n3A_231, %select_n3A_247, %dma_start3A_268] : memref<2x8x128xi32, #tpu.memory_space<vmem>> -> memref<1x1x128xi32, #tpu.memory_space<vmem>>
      %dma_start3A_270 = tpu.memref_squeeze %dma_start3A_269 : memref<1x1x128xi32, #tpu.memory_space<vmem>> -> memref<128xi32, #tpu.memory_space<vmem>>
      %dma_start3A_271 = arith.constant 0 : i32
      %dma_start3A_272 = arith.constant 0 : i32
      %dma_start3A_273 = tpu.memref_slice %arg9[%dma_start3A_271, %dma_start3A_272] : memref<10240x128xf32, #tpu.memory_space<vmem_shared>> -> memref<10240x128xf32, #tpu.memory_space<vmem_shared>>
      %dma_start3A_274 = tpu.memref_slice %arg11[%select_n3A_263] : memref<2x!tpu.dma_semaphore, #tpu.memory_space<semaphore_mem>> -> memref<1x!tpu.dma_semaphore, #tpu.memory_space<semaphore_mem>>
      %dma_start3A_275 = tpu.memref_squeeze %dma_start3A_274 : memref<1x!tpu.dma_semaphore, #tpu.memory_space<semaphore_mem>> -> memref<!tpu.dma_semaphore, #tpu.memory_space<semaphore_mem>>
      tpu.enqueue_indirect_dma source(%dma_start3A_267 : memref<128x128xf32, #tpu.memory_space<vmem>>) target(%dma_start3A_273 : memref<10240x128xf32, #tpu.memory_space<vmem_shared>>) offsets(%dma_start3A_270 : memref<128xi32, #tpu.memory_space<vmem>>) semaphore(%dma_start3A_275 : memref<!tpu.dma_semaphore, #tpu.memory_space<semaphore_mem>>) {add = true}
    }
    %scan3A_38 = arith.constant 80 : i32
    %dma_wait3A = arith.constant 1 : i32
    %dma_wait3A_39 = arith.constant 1 : i32
    %dma_wait3A_40 = arith.constant 7 : i32
    %dma_wait3A_41 = arith.constant 1 : i32
    %dma_wait3A_42 = arith.constant 0 : i32
    %dma_wait3A_43 = arith.constant 0 : i32
    %dma_wait3A_44 = tpu.memref_slice %arg8[%dma_wait3A, %dma_wait3A_42, %dma_wait3A_43] : memref<2x128x128xf32, #tpu.memory_space<vmem>> -> memref<1x128x128xf32, #tpu.memory_space<vmem>>
    %dma_wait3A_45 = tpu.memref_squeeze %dma_wait3A_44 : memref<1x128x128xf32, #tpu.memory_space<vmem>> -> memref<128x128xf32, #tpu.memory_space<vmem>>
    %dma_wait3A_46 = arith.constant 0 : i32
    %dma_wait3A_47 = tpu.memref_slice %arg7[%dma_wait3A_39, %dma_wait3A_40, %dma_wait3A_46] : memref<2x8x128xi32, #tpu.memory_space<vmem>> -> memref<1x1x128xi32, #tpu.memory_space<vmem>>
    %dma_wait3A_48 = tpu.memref_squeeze %dma_wait3A_47 : memref<1x1x128xi32, #tpu.memory_space<vmem>> -> memref<128xi32, #tpu.memory_space<vmem>>
    %dma_wait3A_49 = arith.constant 0 : i32
    %dma_wait3A_50 = arith.constant 0 : i32
    %dma_wait3A_51 = tpu.memref_slice %arg9[%dma_wait3A_49, %dma_wait3A_50] : memref<10240x128xf32, #tpu.memory_space<vmem_shared>> -> memref<10240x128xf32, #tpu.memory_space<vmem_shared>>
    %dma_wait3A_52 = tpu.memref_slice %arg11[%dma_wait3A_41] : memref<2x!tpu.dma_semaphore, #tpu.memory_space<semaphore_mem>> -> memref<1x!tpu.dma_semaphore, #tpu.memory_space<semaphore_mem>>
    %dma_wait3A_53 = tpu.memref_squeeze %dma_wait3A_52 : memref<1x!tpu.dma_semaphore, #tpu.memory_space<semaphore_mem>> -> memref<!tpu.dma_semaphore, #tpu.memory_space<semaphore_mem>>
    tpu.wait_indirect_dma semaphore(%dma_wait3A_53 : memref<!tpu.dma_semaphore, #tpu.memory_space<semaphore_mem>>) src(%dma_wait3A_45 : memref<128x128xf32, #tpu.memory_space<vmem>>) dst(%dma_wait3A_51 : memref<10240x128xf32, #tpu.memory_space<vmem_shared>>)
    %barrier3A_54 = arith.constant 0 : index
    tpu.barrier barrier_id(%barrier3A_54)
    %scan3A_55 = arith.constant 0 : i32
    %scan3A_56 = arith.constant 0 : i32
    %scan3A_57 = arith.constant 5 : i32
    %scan3A_58 = arith.addi %scan3A_56, %scan3A_57 : i32
    %scan3A_59 = arith.constant 1 : i32
    scf.for %scan3A_67 = %scan3A_56 to %scan3A_58 step %scan3A_59  : i32 {
      %mul3A = arith.constant 640 : i32
      %mul3A_68 = arith.muli %arg1, %mul3A : i32
      %mul3A_69 = arith.constant 128 : i32
      %mul3A_70 = arith.muli %scan3A_67, %mul3A_69 : i32
      %add3A = arith.addi %mul3A_68, %mul3A_70 : i32
      %dma_start3A_71 = arith.constant 0 : i32
      %dma_start3A_72 = tpu.memref_slice %arg10[%dma_start3A_71] : memref<2x!tpu.dma_semaphore, #tpu.memory_space<semaphore_mem>> -> memref<1x!tpu.dma_semaphore, #tpu.memory_space<semaphore_mem>>
      %dma_start3A_73 = tpu.memref_squeeze %dma_start3A_72 : memref<1x!tpu.dma_semaphore, #tpu.memory_space<semaphore_mem>> -> memref<!tpu.dma_semaphore, #tpu.memory_space<semaphore_mem>>
      %dma_start3A_74 = arith.constant 0 : i32
      %dma_start3A_75 = tpu.memref_slice %arg5[%arg0, %add3A, %dma_start3A_74] : memref<2x10240x128xf32, #tpu.memory_space<hbm>> -> memref<1x128x128xf32, #tpu.memory_space<hbm>>
      %dma_start3A_76 = tpu.memref_squeeze %dma_start3A_75 : memref<1x128x128xf32, #tpu.memory_space<hbm>> -> memref<128x128xf32, #tpu.memory_space<hbm>>
      %dma_start3A_77 = arith.constant 0 : i32
      %dma_start3A_78 = tpu.memref_slice %arg9[%add3A, %dma_start3A_77] : memref<10240x128xf32, #tpu.memory_space<vmem_shared>> -> memref<128x128xf32, #tpu.memory_space<vmem_shared>>
      tpu.enqueue_dma source(%dma_start3A_78 : memref<128x128xf32, #tpu.memory_space<vmem_shared>>) target(%dma_start3A_76 : memref<128x128xf32, #tpu.memory_space<hbm>>) target_semaphore(%dma_start3A_73 : memref<!tpu.dma_semaphore, #tpu.memory_space<semaphore_mem>>)
    }
    %scan3A_60 = arith.constant 5 : i32
    %scan3A_61 = arith.constant 0 : i32
    %scan3A_62 = arith.constant 0 : i32
    %scan3A_63 = arith.constant 5 : i32
    %scan3A_64 = arith.addi %scan3A_62, %scan3A_63 : i32
    %scan3A_65 = arith.constant 1 : i32
    scf.for %scan3A_67 = %scan3A_62 to %scan3A_64 step %scan3A_65  : i32 {
      %mul3A = arith.constant 640 : i32
      %mul3A_68 = arith.muli %arg1, %mul3A : i32
      %mul3A_69 = arith.constant 128 : i32
      %mul3A_70 = arith.muli %scan3A_67, %mul3A_69 : i32
      %add3A = arith.addi %mul3A_68, %mul3A_70 : i32
      %dma_wait3A_71 = arith.constant 0 : i32
      %dma_wait3A_72 = tpu.memref_slice %arg10[%dma_wait3A_71] : memref<2x!tpu.dma_semaphore, #tpu.memory_space<semaphore_mem>> -> memref<1x!tpu.dma_semaphore, #tpu.memory_space<semaphore_mem>>
      %dma_wait3A_73 = tpu.memref_squeeze %dma_wait3A_72 : memref<1x!tpu.dma_semaphore, #tpu.memory_space<semaphore_mem>> -> memref<!tpu.dma_semaphore, #tpu.memory_space<semaphore_mem>>
      %dma_wait3A_74 = arith.constant 0 : i32
      %dma_wait3A_75 = tpu.memref_slice %arg5[%arg0, %add3A, %dma_wait3A_74] : memref<2x10240x128xf32, #tpu.memory_space<hbm>> -> memref<1x128x128xf32, #tpu.memory_space<hbm>>
      %dma_wait3A_76 = tpu.memref_squeeze %dma_wait3A_75 : memref<1x128x128xf32, #tpu.memory_space<hbm>> -> memref<128x128xf32, #tpu.memory_space<hbm>>
      %dma_wait3A_77 = arith.constant 0 : i32
      %dma_wait3A_78 = tpu.memref_slice %arg9[%add3A, %dma_wait3A_77] : memref<10240x128xf32, #tpu.memory_space<vmem_shared>> -> memref<128x128xf32, #tpu.memory_space<vmem_shared>>
      tpu.wait_dma2 semaphore(%dma_wait3A_73 : memref<!tpu.dma_semaphore, #tpu.memory_space<semaphore_mem>>) src(%dma_wait3A_78 : memref<128x128xf32, #tpu.memory_space<vmem_shared>>) dst(%dma_wait3A_76 : memref<128x128xf32, #tpu.memory_space<hbm>>)
    }
    %scan3A_66 = arith.constant 5 : i32
    return
  }
}

#map = affine_map<(d0, d1) -> (0, 0)>
#map1 = affine_map<(d0, d1) -> (0, 0, 0, 0)>
#map2 = affine_map<(d0, d1) -> (0, 0, 0)>
module attributes {stable_mosaic.version = 14 : i64} {
  func.func @scat_kernel(%arg0: i32, %arg1: i32, %arg2: memref<10000x128xf32, #tpu.memory_space<hbm>>, %arg3: memref<2x16x80x128xi32, #tpu.memory_space<hbm>>, %arg4: memref<2x16x80x128xi32, #tpu.memory_space<hbm>>, %arg5: memref<2x10240x128xf32, #tpu.memory_space<hbm>>, %arg6: memref<2x8x128xi32, #tpu.memory_space<vmem>>, %arg7: memref<2x8x128xi32, #tpu.memory_space<vmem>>, %arg8: memref<2x128x128xf32, #tpu.memory_space<vmem>>, %arg9: memref<10240x128xf32, #tpu.memory_space<vmem_shared>>, %arg10: memref<2x!tpu.dma_semaphore, #tpu.memory_space<semaphore_mem>>, %arg11: memref<2x!tpu.dma_semaphore, #tpu.memory_space<semaphore_mem>>) attributes {dimension_semantics = [#tpu.dimension_semantics<core_parallel>, #tpu.dimension_semantics<subcore_parallel>], iteration_bounds = array<i64: 2, 16>, scalar_prefetch = 0 : i64, scratch_operands = 6 : i64, tpu.core_type = #tpu.core_type<sc_vector_subcore>, window_params = [{transform_indices = #map}, {transform_indices = #map1}, {transform_indices = #map1}, {transform_indices = #map2}]} {
    %scan3A = arith.constant 0 : i32
    %scan3A_0 = arith.constant 0 : i32
    %scan3A_1 = arith.constant 1024 : i32
    %scan3A_2 = arith.addi %scan3A_0, %scan3A_1 : i32
    %scan3A_3 = arith.constant 1 : i32
    scf.for %scan3A_67 = %scan3A_0 to %scan3A_2 step %scan3A_3  : i32 {
      %broadcast_in_dim3A = arith.constant 0.000000e+00 : f32
      %broadcast_in_dim3A_68 = vector.broadcast %broadcast_in_dim3A : f32 to vector<16xf32>
      %jit3A = arith.constant 8 : i32
      %div3A = arith.divsi %scan3A_67, %jit3A : i32
      %sign3A = arith.constant 0 : i32
      %sign3A_69 = arith.cmpi sgt, %scan3A_67, %sign3A : i32
      %sign3A_70 = arith.extui %sign3A_69 : i1 to i32
      %sign3A_71 = arith.constant 0 : i32
      %sign3A_72 = arith.cmpi slt, %scan3A_67, %sign3A_71 : i32
      %sign3A_73 = arith.extui %sign3A_72 : i1 to i32
      %sign3A_74 = arith.subi %sign3A_70, %sign3A_73 : i32
      %sign3A_75 = arith.constant 0 : i32
      %sign3A_76 = arith.cmpi sgt, %jit3A, %sign3A_75 : i32
      %sign3A_77 = arith.extui %sign3A_76 : i1 to i32
      %sign3A_78 = arith.constant 0 : i32
      %sign3A_79 = arith.cmpi slt, %jit3A, %sign3A_78 : i32
      %sign3A_80 = arith.extui %sign3A_79 : i1 to i32
      %sign3A_81 = arith.subi %sign3A_77, %sign3A_80 : i32
      %ne3A = arith.cmpi ne, %sign3A_74, %sign3A_81 : i32
      %rem3A = arith.remsi %scan3A_67, %jit3A : i32
      %ne3A_82 = arith.constant 0 : i32
      %ne3A_83 = arith.cmpi ne, %rem3A, %ne3A_82 : i32
      %and3A = arith.andi %ne3A, %ne3A_83 : i1
      %sub3A = arith.constant 1 : i32
      %sub3A_84 = arith.subi %div3A, %sub3A : i32
      %select_n3A = arith.select %and3A, %sub3A_84, %div3A : i32
      %jit3A_85 = arith.constant 8 : i32
      %eq3A = arith.constant 0 : i32
      %eq3A_86 = arith.cmpi eq, %jit3A_85, %eq3A : i32
      %jit3A_87 = arith.constant 1 : i32
      %select_n3A_88 = arith.select %eq3A_86, %jit3A_87, %jit3A_85 : i32
      %rem3A_89 = arith.remsi %scan3A_67, %select_n3A_88 : i32
      %ne3A_90 = arith.constant 0 : i32
      %ne3A_91 = arith.cmpi ne, %rem3A_89, %ne3A_90 : i32
      %lt3A = arith.constant 0 : i32
      %lt3A_92 = arith.cmpi slt, %rem3A_89, %lt3A : i32
      %lt3A_93 = arith.constant 0 : i32
      %lt3A_94 = arith.cmpi slt, %select_n3A_88, %lt3A_93 : i32
      %ne3A_95 = arith.xori %lt3A_92, %lt3A_94 : i1
      %and3A_96 = arith.andi %ne3A_95, %ne3A_91 : i1
      %add3A = arith.addi %rem3A_89, %select_n3A_88 : i32
      %select_n3A_97 = arith.select %and3A_96, %add3A, %rem3A_89 : i32
      %mul3A = arith.constant 16 : i32
      %mul3A_98 = arith.muli %select_n3A_97, %mul3A : i32
      %swap3A = arith.constant 0 : i32
      %swap3A_99 = arith.index_cast %swap3A : i32 to index
      %swap3A_100 = arith.index_cast %select_n3A : i32 to index
      %swap3A_101 = arith.index_cast %mul3A_98 : i32 to index
      %swap3A_102 = tpu.vector_load %arg8[%swap3A_99, %swap3A_100, %swap3A_101] {strides = array<i32>} : memref<2x128x128xf32, #tpu.memory_space<vmem>>, vector<1x1x16xf32>,
      %swap3A_103 = vector.shape_cast %swap3A_102 : vector<1x1x16xf32> to vector<16xf32>
      %swap3A_104 = vector.shape_cast %broadcast_in_dim3A_68 : vector<16xf32> to vector<1x1x16xf32>
      tpu.vector_store %arg8[%swap3A_99, %swap3A_100, %swap3A_101], %swap3A_104 {strides = array<i32>} : memref<2x128x128xf32, #tpu.memory_space<vmem>>, vector<1x1x16xf32>,
    }
    %scan3A_4 = arith.constant 1024 : i32
    %scan3A_5 = arith.constant 0 : i32
    %scan3A_6 = arith.constant 0 : i32
    %scan3A_7 = arith.constant 5 : i32
    %scan3A_8 = arith.addi %scan3A_6, %scan3A_7 : i32
    %scan3A_9 = arith.constant 1 : i32
    scf.for %scan3A_67 = %scan3A_6 to %scan3A_8 step %scan3A_9  : i32 {
      %mul3A = arith.constant 640 : i32
      %mul3A_68 = arith.muli %arg1, %mul3A : i32
      %mul3A_69 = arith.constant 128 : i32
      %mul3A_70 = arith.muli %scan3A_67, %mul3A_69 : i32
      %add3A = arith.addi %mul3A_68, %mul3A_70 : i32
      %dma_start3A_71 = arith.constant 0 : i32
      %dma_start3A_72 = arith.constant 0 : i32
      %dma_start3A_73 = arith.constant 0 : i32
      %dma_start3A_74 = arith.constant 0 : i32
      %dma_start3A_75 = tpu.memref_slice %arg8[%dma_start3A_71, %dma_start3A_73, %dma_start3A_74] : memref<2x128x128xf32, #tpu.memory_space<vmem>> -> memref<1x128x128xf32, #tpu.memory_space<vmem>>
      %dma_start3A_76 = tpu.memref_squeeze %dma_start3A_75 : memref<1x128x128xf32, #tpu.memory_space<vmem>> -> memref<128x128xf32, #tpu.memory_space<vmem>>
      %dma_start3A_77 = arith.constant 0 : i32
      %dma_start3A_78 = tpu.memref_slice %arg9[%add3A, %dma_start3A_77] : memref<10240x128xf32, #tpu.memory_space<vmem_shared>> -> memref<128x128xf32, #tpu.memory_space<vmem_shared>>
      %dma_start3A_79 = tpu.memref_slice %arg10[%dma_start3A_72] : memref<2x!tpu.dma_semaphore, #tpu.memory_space<semaphore_mem>> -> memref<1x!tpu.dma_semaphore, #tpu.memory_space<semaphore_mem>>
      %dma_start3A_80 = tpu.memref_squeeze %dma_start3A_79 : memref<1x!tpu.dma_semaphore, #tpu.memory_space<semaphore_mem>> -> memref<!tpu.dma_semaphore, #tpu.memory_space<semaphore_mem>>
      %dma_start3A_81 = arith.constant 0 : i32
      %dma_start3A_82 = tpu.memref_slice %arg9[%add3A, %dma_start3A_81] : memref<10240x128xf32, #tpu.memory_space<vmem_shared>> -> memref<128x128xf32, #tpu.memory_space<vmem_shared>>
      %dma_start3A_83 = arith.constant 0 : i32
      %dma_start3A_84 = arith.constant 0 : i32
      %dma_start3A_85 = tpu.memref_slice %arg8[%dma_start3A_71, %dma_start3A_83, %dma_start3A_84] : memref<2x128x128xf32, #tpu.memory_space<vmem>> -> memref<1x128x128xf32, #tpu.memory_space<vmem>>
      %dma_start3A_86 = tpu.memref_squeeze %dma_start3A_85 : memref<1x128x128xf32, #tpu.memory_space<vmem>> -> memref<128x128xf32, #tpu.memory_space<vmem>>
      tpu.enqueue_dma source(%dma_start3A_86 : memref<128x128xf32, #tpu.memory_space<vmem>>) target(%dma_start3A_82 : memref<128x128xf32, #tpu.memory_space<vmem_shared>>) target_semaphore(%dma_start3A_80 : memref<!tpu.dma_semaphore, #tpu.memory_space<semaphore_mem>>)
    }
    %scan3A_10 = arith.constant 5 : i32
    %scan3A_11 = arith.constant 0 : i32
    %scan3A_12 = arith.constant 0 : i32
    %scan3A_13 = arith.constant 5 : i32
    %scan3A_14 = arith.addi %scan3A_12, %scan3A_13 : i32
    %scan3A_15 = arith.constant 1 : i32
    scf.for %scan3A_67 = %scan3A_12 to %scan3A_14 step %scan3A_15  : i32 {
      %mul3A = arith.constant 640 : i32
      %mul3A_68 = arith.muli %arg1, %mul3A : i32
      %mul3A_69 = arith.constant 128 : i32
      %mul3A_70 = arith.muli %scan3A_67, %mul3A_69 : i32
      %add3A = arith.addi %mul3A_68, %mul3A_70 : i32
      %dma_wait3A_71 = arith.constant 0 : i32
      %dma_wait3A_72 = arith.constant 0 : i32
      %dma_wait3A_73 = arith.constant 0 : i32
      %dma_wait3A_74 = arith.constant 0 : i32
      %dma_wait3A_75 = tpu.memref_slice %arg8[%dma_wait3A_71, %dma_wait3A_73, %dma_wait3A_74] : memref<2x128x128xf32, #tpu.memory_space<vmem>> -> memref<1x128x128xf32, #tpu.memory_space<vmem>>
      %dma_wait3A_76 = tpu.memref_squeeze %dma_wait3A_75 : memref<1x128x128xf32, #tpu.memory_space<vmem>> -> memref<128x128xf32, #tpu.memory_space<vmem>>
      %dma_wait3A_77 = arith.constant 0 : i32
      %dma_wait3A_78 = tpu.memref_slice %arg9[%add3A, %dma_wait3A_77] : memref<10240x128xf32, #tpu.memory_space<vmem_shared>> -> memref<128x128xf32, #tpu.memory_space<vmem_shared>>
      %dma_wait3A_79 = tpu.memref_slice %arg10[%dma_wait3A_72] : memref<2x!tpu.dma_semaphore, #tpu.memory_space<semaphore_mem>> -> memref<1x!tpu.dma_semaphore, #tpu.memory_space<semaphore_mem>>
      %dma_wait3A_80 = tpu.memref_squeeze %dma_wait3A_79 : memref<1x!tpu.dma_semaphore, #tpu.memory_space<semaphore_mem>> -> memref<!tpu.dma_semaphore, #tpu.memory_space<semaphore_mem>>
      %dma_wait3A_81 = arith.constant 0 : i32
      %dma_wait3A_82 = tpu.memref_slice %arg9[%add3A, %dma_wait3A_81] : memref<10240x128xf32, #tpu.memory_space<vmem_shared>> -> memref<128x128xf32, #tpu.memory_space<vmem_shared>>
      %dma_wait3A_83 = arith.constant 0 : i32
      %dma_wait3A_84 = arith.constant 0 : i32
      %dma_wait3A_85 = tpu.memref_slice %arg8[%dma_wait3A_71, %dma_wait3A_83, %dma_wait3A_84] : memref<2x128x128xf32, #tpu.memory_space<vmem>> -> memref<1x128x128xf32, #tpu.memory_space<vmem>>
      %dma_wait3A_86 = tpu.memref_squeeze %dma_wait3A_85 : memref<1x128x128xf32, #tpu.memory_space<vmem>> -> memref<128x128xf32, #tpu.memory_space<vmem>>
      tpu.wait_dma2 semaphore(%dma_wait3A_80 : memref<!tpu.dma_semaphore, #tpu.memory_space<semaphore_mem>>) src(%dma_wait3A_86 : memref<128x128xf32, #tpu.memory_space<vmem>>) dst(%dma_wait3A_82 : memref<128x128xf32, #tpu.memory_space<vmem_shared>>)
    }
    %scan3A_16 = arith.constant 5 : i32
    %barrier3A = arith.constant 0 : index
    tpu.barrier barrier_id(%barrier3A)
    %run_scoped3A = arith.constant 0 : i32
    "tpu.region"() ({
      %run_scoped3A_67 = tpu.sem_alloc : memref<!tpu.dma_semaphore, #tpu.memory_space<semaphore_mem>>
      %dma_start3A_68 = arith.constant 0 : i32
      %dma_start3A_69 = arith.constant 0 : i32
      %dma_start3A_70 = tpu.memref_slice %arg6[%run_scoped3A, %dma_start3A_68, %dma_start3A_69] : memref<2x8x128xi32, #tpu.memory_space<vmem>> -> memref<1x8x128xi32, #tpu.memory_space<vmem>>
      %dma_start3A_71 = tpu.memref_squeeze %dma_start3A_70 : memref<1x8x128xi32, #tpu.memory_space<vmem>> -> memref<8x128xi32, #tpu.memory_space<vmem>>
      %dma_start3A_72 = arith.constant 0 : i32
      %dma_start3A_73 = arith.constant 0 : i32
      %dma_start3A_74 = tpu.memref_slice %arg3[%arg0, %arg1, %dma_start3A_72, %dma_start3A_73] : memref<2x16x80x128xi32, #tpu.memory_space<hbm>> -> memref<1x1x8x128xi32, #tpu.memory_space<hbm>>
      %dma_start3A_75 = tpu.memref_squeeze %dma_start3A_74 : memref<1x1x8x128xi32, #tpu.memory_space<hbm>> -> memref<8x128xi32, #tpu.memory_space<hbm>>
      %dma_start3A_76 = arith.constant 0 : i32
      %dma_start3A_77 = arith.constant 0 : i32
      %dma_start3A_78 = tpu.memref_slice %arg6[%run_scoped3A, %dma_start3A_76, %dma_start3A_77] : memref<2x8x128xi32, #tpu.memory_space<vmem>> -> memref<1x8x128xi32, #tpu.memory_space<vmem>>
      %dma_start3A_79 = tpu.memref_squeeze %dma_start3A_78 : memref<1x8x128xi32, #tpu.memory_space<vmem>> -> memref<8x128xi32, #tpu.memory_space<vmem>>
      %dma_start3A_80 = arith.constant 0 : i32
      %dma_start3A_81 = arith.constant 0 : i32
      %dma_start3A_82 = tpu.memref_slice %arg3[%arg0, %arg1, %dma_start3A_80, %dma_start3A_81] : memref<2x16x80x128xi32, #tpu.memory_space<hbm>> -> memref<1x1x8x128xi32, #tpu.memory_space<hbm>>
      %dma_start3A_83 = tpu.memref_squeeze %dma_start3A_82 : memref<1x1x8x128xi32, #tpu.memory_space<hbm>> -> memref<8x128xi32, #tpu.memory_space<hbm>>
      tpu.enqueue_dma source(%dma_start3A_83 : memref<8x128xi32, #tpu.memory_space<hbm>>) target(%dma_start3A_79 : memref<8x128xi32, #tpu.memory_space<vmem>>) target_semaphore(%run_scoped3A_67 : memref<!tpu.dma_semaphore, #tpu.memory_space<semaphore_mem>>)
      %dma_wait3A_84 = arith.constant 0 : i32
      %dma_wait3A_85 = arith.constant 0 : i32
      %dma_wait3A_86 = tpu.memref_slice %arg6[%run_scoped3A, %dma_wait3A_84, %dma_wait3A_85] : memref<2x8x128xi32, #tpu.memory_space<vmem>> -> memref<1x8x128xi32, #tpu.memory_space<vmem>>
      %dma_wait3A_87 = tpu.memref_squeeze %dma_wait3A_86 : memref<1x8x128xi32, #tpu.memory_space<vmem>> -> memref<8x128xi32, #tpu.memory_space<vmem>>
      %dma_wait3A_88 = arith.constant 0 : i32
      %dma_wait3A_89 = arith.constant 0 : i32
      %dma_wait3A_90 = tpu.memref_slice %arg3[%arg0, %arg1, %dma_wait3A_88, %dma_wait3A_89] : memref<2x16x80x128xi32, #tpu.memory_space<hbm>> -> memref<1x1x8x128xi32, #tpu.memory_space<hbm>>
      %dma_wait3A_91 = tpu.memref_squeeze %dma_wait3A_90 : memref<1x1x8x128xi32, #tpu.memory_space<hbm>> -> memref<8x128xi32, #tpu.memory_space<hbm>>
      %dma_wait3A_92 = arith.constant 0 : i32
      %dma_wait3A_93 = arith.constant 0 : i32
      %dma_wait3A_94 = tpu.memref_slice %arg6[%run_scoped3A, %dma_wait3A_92, %dma_wait3A_93] : memref<2x8x128xi32, #tpu.memory_space<vmem>> -> memref<1x8x128xi32, #tpu.memory_space<vmem>>
      %dma_wait3A_95 = tpu.memref_squeeze %dma_wait3A_94 : memref<1x8x128xi32, #tpu.memory_space<vmem>> -> memref<8x128xi32, #tpu.memory_space<vmem>>
      %dma_wait3A_96 = arith.constant 0 : i32
      %dma_wait3A_97 = arith.constant 0 : i32
      %dma_wait3A_98 = tpu.memref_slice %arg3[%arg0, %arg1, %dma_wait3A_96, %dma_wait3A_97] : memref<2x16x80x128xi32, #tpu.memory_space<hbm>> -> memref<1x1x8x128xi32, #tpu.memory_space<hbm>>
      %dma_wait3A_99 = tpu.memref_squeeze %dma_wait3A_98 : memref<1x1x8x128xi32, #tpu.memory_space<hbm>> -> memref<8x128xi32, #tpu.memory_space<hbm>>
      tpu.wait_dma2 semaphore(%run_scoped3A_67 : memref<!tpu.dma_semaphore, #tpu.memory_space<semaphore_mem>>) src(%dma_wait3A_99 : memref<8x128xi32, #tpu.memory_space<hbm>>) dst(%dma_wait3A_95 : memref<8x128xi32, #tpu.memory_space<vmem>>)
      tpu.yield
    }) : () -> ()
    %run_scoped3A_17 = arith.constant 0 : i32
    "tpu.region"() ({
      %run_scoped3A_67 = tpu.sem_alloc : memref<!tpu.dma_semaphore, #tpu.memory_space<semaphore_mem>>
      %dma_start3A_68 = arith.constant 0 : i32
      %dma_start3A_69 = arith.constant 0 : i32
      %dma_start3A_70 = tpu.memref_slice %arg7[%run_scoped3A_17, %dma_start3A_68, %dma_start3A_69] : memref<2x8x128xi32, #tpu.memory_space<vmem>> -> memref<1x8x128xi32, #tpu.memory_space<vmem>>
      %dma_start3A_71 = tpu.memref_squeeze %dma_start3A_70 : memref<1x8x128xi32, #tpu.memory_space<vmem>> -> memref<8x128xi32, #tpu.memory_space<vmem>>
      %dma_start3A_72 = arith.constant 0 : i32
      %dma_start3A_73 = arith.constant 0 : i32
      %dma_start3A_74 = tpu.memref_slice %arg4[%arg0, %arg1, %dma_start3A_72, %dma_start3A_73] : memref<2x16x80x128xi32, #tpu.memory_space<hbm>> -> memref<1x1x8x128xi32, #tpu.memory_space<hbm>>
      %dma_start3A_75 = tpu.memref_squeeze %dma_start3A_74 : memref<1x1x8x128xi32, #tpu.memory_space<hbm>> -> memref<8x128xi32, #tpu.memory_space<hbm>>
      %dma_start3A_76 = arith.constant 0 : i32
      %dma_start3A_77 = arith.constant 0 : i32
      %dma_start3A_78 = tpu.memref_slice %arg7[%run_scoped3A_17, %dma_start3A_76, %dma_start3A_77] : memref<2x8x128xi32, #tpu.memory_space<vmem>> -> memref<1x8x128xi32, #tpu.memory_space<vmem>>
      %dma_start3A_79 = tpu.memref_squeeze %dma_start3A_78 : memref<1x8x128xi32, #tpu.memory_space<vmem>> -> memref<8x128xi32, #tpu.memory_space<vmem>>
      %dma_start3A_80 = arith.constant 0 : i32
      %dma_start3A_81 = arith.constant 0 : i32
      %dma_start3A_82 = tpu.memref_slice %arg4[%arg0, %arg1, %dma_start3A_80, %dma_start3A_81] : memref<2x16x80x128xi32, #tpu.memory_space<hbm>> -> memref<1x1x8x128xi32, #tpu.memory_space<hbm>>
      %dma_start3A_83 = tpu.memref_squeeze %dma_start3A_82 : memref<1x1x8x128xi32, #tpu.memory_space<hbm>> -> memref<8x128xi32, #tpu.memory_space<hbm>>
      tpu.enqueue_dma source(%dma_start3A_83 : memref<8x128xi32, #tpu.memory_space<hbm>>) target(%dma_start3A_79 : memref<8x128xi32, #tpu.memory_space<vmem>>) target_semaphore(%run_scoped3A_67 : memref<!tpu.dma_semaphore, #tpu.memory_space<semaphore_mem>>)
      %dma_wait3A_84 = arith.constant 0 : i32
      %dma_wait3A_85 = arith.constant 0 : i32
      %dma_wait3A_86 = tpu.memref_slice %arg7[%run_scoped3A_17, %dma_wait3A_84, %dma_wait3A_85] : memref<2x8x128xi32, #tpu.memory_space<vmem>> -> memref<1x8x128xi32, #tpu.memory_space<vmem>>
      %dma_wait3A_87 = tpu.memref_squeeze %dma_wait3A_86 : memref<1x8x128xi32, #tpu.memory_space<vmem>> -> memref<8x128xi32, #tpu.memory_space<vmem>>
      %dma_wait3A_88 = arith.constant 0 : i32
      %dma_wait3A_89 = arith.constant 0 : i32
      %dma_wait3A_90 = tpu.memref_slice %arg4[%arg0, %arg1, %dma_wait3A_88, %dma_wait3A_89] : memref<2x16x80x128xi32, #tpu.memory_space<hbm>> -> memref<1x1x8x128xi32, #tpu.memory_space<hbm>>
      %dma_wait3A_91 = tpu.memref_squeeze %dma_wait3A_90 : memref<1x1x8x128xi32, #tpu.memory_space<hbm>> -> memref<8x128xi32, #tpu.memory_space<hbm>>
      %dma_wait3A_92 = arith.constant 0 : i32
      %dma_wait3A_93 = arith.constant 0 : i32
      %dma_wait3A_94 = tpu.memref_slice %arg7[%run_scoped3A_17, %dma_wait3A_92, %dma_wait3A_93] : memref<2x8x128xi32, #tpu.memory_space<vmem>> -> memref<1x8x128xi32, #tpu.memory_space<vmem>>
      %dma_wait3A_95 = tpu.memref_squeeze %dma_wait3A_94 : memref<1x8x128xi32, #tpu.memory_space<vmem>> -> memref<8x128xi32, #tpu.memory_space<vmem>>
      %dma_wait3A_96 = arith.constant 0 : i32
      %dma_wait3A_97 = arith.constant 0 : i32
      %dma_wait3A_98 = tpu.memref_slice %arg4[%arg0, %arg1, %dma_wait3A_96, %dma_wait3A_97] : memref<2x16x80x128xi32, #tpu.memory_space<hbm>> -> memref<1x1x8x128xi32, #tpu.memory_space<hbm>>
      %dma_wait3A_99 = tpu.memref_squeeze %dma_wait3A_98 : memref<1x1x8x128xi32, #tpu.memory_space<hbm>> -> memref<8x128xi32, #tpu.memory_space<hbm>>
      tpu.wait_dma2 semaphore(%run_scoped3A_67 : memref<!tpu.dma_semaphore, #tpu.memory_space<semaphore_mem>>) src(%dma_wait3A_99 : memref<8x128xi32, #tpu.memory_space<hbm>>) dst(%dma_wait3A_95 : memref<8x128xi32, #tpu.memory_space<vmem>>)
      tpu.yield
    }) : () -> ()
    %dma_start3A = arith.constant 0 : i32
    %dma_start3A_18 = arith.constant 0 : i32
    %dma_start3A_19 = arith.constant 0 : i32
    %dma_start3A_20 = arith.constant 0 : i32
    %dma_start3A_21 = arith.constant 0 : i32
    %dma_start3A_22 = arith.constant 0 : i32
    %dma_start3A_23 = tpu.memref_slice %arg8[%dma_start3A_19, %dma_start3A_21, %dma_start3A_22] : memref<2x128x128xf32, #tpu.memory_space<vmem>> -> memref<1x128x128xf32, #tpu.memory_space<vmem>>
    %dma_start3A_24 = tpu.memref_squeeze %dma_start3A_23 : memref<1x128x128xf32, #tpu.memory_space<vmem>> -> memref<128x128xf32, #tpu.memory_space<vmem>>
    %dma_start3A_25 = arith.constant 0 : i32
    %dma_start3A_26 = tpu.memref_slice %arg6[%dma_start3A, %dma_start3A_18, %dma_start3A_25] : memref<2x8x128xi32, #tpu.memory_space<vmem>> -> memref<1x1x128xi32, #tpu.memory_space<vmem>>
    %dma_start3A_27 = tpu.memref_squeeze %dma_start3A_26 : memref<1x1x128xi32, #tpu.memory_space<vmem>> -> memref<128xi32, #tpu.memory_space<vmem>>
    %dma_start3A_28 = arith.constant 0 : i32
    %dma_start3A_29 = arith.constant 0 : i32
    %dma_start3A_30 = tpu.memref_slice %arg2[%dma_start3A_28, %dma_start3A_29] : memref<10000x128xf32, #tpu.memory_space<hbm>> -> memref<10000x128xf32, #tpu.memory_space<hbm>>
    %dma_start3A_31 = tpu.memref_slice %arg10[%dma_start3A_20] : memref<2x!tpu.dma_semaphore, #tpu.memory_space<semaphore_mem>> -> memref<1x!tpu.dma_semaphore, #tpu.memory_space<semaphore_mem>>
    %dma_start3A_32 = tpu.memref_squeeze %dma_start3A_31 : memref<1x!tpu.dma_semaphore, #tpu.memory_space<semaphore_mem>> -> memref<!tpu.dma_semaphore, #tpu.memory_space<semaphore_mem>>
    tpu.enqueue_indirect_dma source(%dma_start3A_30 : memref<10000x128xf32, #tpu.memory_space<hbm>>) target(%dma_start3A_24 : memref<128x128xf32, #tpu.memory_space<vmem>>) offsets(%dma_start3A_27 : memref<128xi32, #tpu.memory_space<vmem>>) semaphore(%dma_start3A_32 : memref<!tpu.dma_semaphore, #tpu.memory_space<semaphore_mem>>)
    %scan3A_33 = arith.constant 0 : i32
    %scan3A_34 = arith.constant 0 : i32
    %scan3A_35 = arith.constant 80 : i32
    %scan3A_36 = arith.addi %scan3A_34, %scan3A_35 : i32
    %scan3A_37 = arith.constant 1 : i32
    scf.for %scan3A_67 = %scan3A_34 to %scan3A_36 step %scan3A_37  : i32 {
      %jit3A = arith.constant 8 : i32
      %div3A = arith.divsi %scan3A_67, %jit3A : i32
      %sign3A = arith.constant 0 : i32
      %sign3A_68 = arith.cmpi sgt, %scan3A_67, %sign3A : i32
      %sign3A_69 = arith.extui %sign3A_68 : i1 to i32
      %sign3A_70 = arith.constant 0 : i32
      %sign3A_71 = arith.cmpi slt, %scan3A_67, %sign3A_70 : i32
      %sign3A_72 = arith.extui %sign3A_71 : i1 to i32
      %sign3A_73 = arith.subi %sign3A_69, %sign3A_72 : i32
      %sign3A_74 = arith.constant 0 : i32
      %sign3A_75 = arith.cmpi sgt, %jit3A, %sign3A_74 : i32
      %sign3A_76 = arith.extui %sign3A_75 : i1 to i32
      %sign3A_77 = arith.constant 0 : i32
      %sign3A_78 = arith.cmpi slt, %jit3A, %sign3A_77 : i32
      %sign3A_79 = arith.extui %sign3A_78 : i1 to i32
      %sign3A_80 = arith.subi %sign3A_76, %sign3A_79 : i32
      %ne3A = arith.cmpi ne, %sign3A_73, %sign3A_80 : i32
      %rem3A = arith.remsi %scan3A_67, %jit3A : i32
      %ne3A_81 = arith.constant 0 : i32
      %ne3A_82 = arith.cmpi ne, %rem3A, %ne3A_81 : i32
      %and3A = arith.andi %ne3A, %ne3A_82 : i1
      %sub3A = arith.constant 1 : i32
      %sub3A_83 = arith.subi %div3A, %sub3A : i32
      %select_n3A = arith.select %and3A, %sub3A_83, %div3A : i32
      %jit3A_84 = arith.constant 8 : i32
      %eq3A = arith.constant 0 : i32
      %eq3A_85 = arith.cmpi eq, %jit3A_84, %eq3A : i32
      %jit3A_86 = arith.constant 1 : i32
      %select_n3A_87 = arith.select %eq3A_85, %jit3A_86, %jit3A_84 : i32
      %rem3A_88 = arith.remsi %scan3A_67, %select_n3A_87 : i32
      %ne3A_89 = arith.constant 0 : i32
      %ne3A_90 = arith.cmpi ne, %rem3A_88, %ne3A_89 : i32
      %lt3A = arith.constant 0 : i32
      %lt3A_91 = arith.cmpi slt, %rem3A_88, %lt3A : i32
      %lt3A_92 = arith.constant 0 : i32
      %lt3A_93 = arith.cmpi slt, %select_n3A_87, %lt3A_92 : i32
      %ne3A_94 = arith.xori %lt3A_91, %lt3A_93 : i1
      %and3A_95 = arith.andi %ne3A_94, %ne3A_90 : i1
      %add3A = arith.addi %rem3A_88, %select_n3A_87 : i32
      %select_n3A_96 = arith.select %and3A_95, %add3A, %rem3A_88 : i32
      %eq3A_97 = arith.constant 0 : i32
      %eq3A_98 = arith.cmpi eq, %select_n3A_96, %eq3A_97 : i32
      %add3A_99 = arith.constant 1 : i32
      %add3A_100 = arith.addi %select_n3A, %add3A_99 : i32
      %lt3A_101 = arith.constant 10 : i32
      %lt3A_102 = arith.cmpi slt, %add3A_100, %lt3A_101 : i32
      %and3A_103 = arith.andi %eq3A_98, %lt3A_102 : i1
      %convert_element_type3A = arith.extui %and3A_103 : i1 to i32
      %cond3A = arith.constant 0 : i32
      %cond3A_104 = arith.cmpi ne, %convert_element_type3A, %cond3A : i32
      scf.if %cond3A_104 {
        %add3A_276 = arith.constant 1 : i32
        %add3A_277 = arith.addi %select_n3A, %add3A_276 : i32
        %mul3A = arith.constant 8 : i32
        %mul3A_278 = arith.muli %add3A_277, %mul3A : i32
        %add3A_279 = arith.constant 1 : i32
        %add3A_280 = arith.addi %select_n3A, %add3A_279 : i32
        %jit3A_281 = arith.constant 2 : i32
        %eq3A_282 = arith.constant 0 : i32
        %eq3A_283 = arith.cmpi eq, %jit3A_281, %eq3A_282 : i32
        %jit3A_284 = arith.constant 1 : i32
        %select_n3A_285 = arith.select %eq3A_283, %jit3A_284, %jit3A_281 : i32
        %rem3A_286 = arith.remsi %add3A_280, %select_n3A_285 : i32
        %ne3A_287 = arith.constant 0 : i32
        %ne3A_288 = arith.cmpi ne, %rem3A_286, %ne3A_287 : i32
        %lt3A_289 = arith.constant 0 : i32
        %lt3A_290 = arith.cmpi slt, %rem3A_286, %lt3A_289 : i32
        %lt3A_291 = arith.constant 0 : i32
        %lt3A_292 = arith.cmpi slt, %select_n3A_285, %lt3A_291 : i32
        %ne3A_293 = arith.xori %lt3A_290, %lt3A_292 : i1
        %and3A_294 = arith.andi %ne3A_293, %ne3A_288 : i1
        %add3A_295 = arith.addi %rem3A_286, %select_n3A_285 : i32
        %select_n3A_296 = arith.select %and3A_294, %add3A_295, %rem3A_286 : i32
        "tpu.region"() ({
          %run_scoped3A_319 = tpu.sem_alloc : memref<!tpu.dma_semaphore, #tpu.memory_space<semaphore_mem>>
          %dma_start3A_320 = arith.constant 0 : i32
          %dma_start3A_321 = arith.constant 0 : i32
          %dma_start3A_322 = tpu.memref_slice %arg6[%select_n3A_296, %dma_start3A_320, %dma_start3A_321] : memref<2x8x128xi32, #tpu.memory_space<vmem>> -> memref<1x8x128xi32, #tpu.memory_space<vmem>>
          %dma_start3A_323 = tpu.memref_squeeze %dma_start3A_322 : memref<1x8x128xi32, #tpu.memory_space<vmem>> -> memref<8x128xi32, #tpu.memory_space<vmem>>
          %dma_start3A_324 = arith.constant 0 : i32
          %dma_start3A_325 = tpu.memref_slice %arg3[%arg0, %arg1, %mul3A_278, %dma_start3A_324] : memref<2x16x80x128xi32, #tpu.memory_space<hbm>> -> memref<1x1x8x128xi32, #tpu.memory_space<hbm>>
          %dma_start3A_326 = tpu.memref_squeeze %dma_start3A_325 : memref<1x1x8x128xi32, #tpu.memory_space<hbm>> -> memref<8x128xi32, #tpu.memory_space<hbm>>
          %dma_start3A_327 = arith.constant 0 : i32
          %dma_start3A_328 = arith.constant 0 : i32
          %dma_start3A_329 = tpu.memref_slice %arg6[%select_n3A_296, %dma_start3A_327, %dma_start3A_328] : memref<2x8x128xi32, #tpu.memory_space<vmem>> -> memref<1x8x128xi32, #tpu.memory_space<vmem>>
          %dma_start3A_330 = tpu.memref_squeeze %dma_start3A_329 : memref<1x8x128xi32, #tpu.memory_space<vmem>> -> memref<8x128xi32, #tpu.memory_space<vmem>>
          %dma_start3A_331 = arith.constant 0 : i32
          %dma_start3A_332 = tpu.memref_slice %arg3[%arg0, %arg1, %mul3A_278, %dma_start3A_331] : memref<2x16x80x128xi32, #tpu.memory_space<hbm>> -> memref<1x1x8x128xi32, #tpu.memory_space<hbm>>
          %dma_start3A_333 = tpu.memref_squeeze %dma_start3A_332 : memref<1x1x8x128xi32, #tpu.memory_space<hbm>> -> memref<8x128xi32, #tpu.memory_space<hbm>>
          tpu.enqueue_dma source(%dma_start3A_333 : memref<8x128xi32, #tpu.memory_space<hbm>>) target(%dma_start3A_330 : memref<8x128xi32, #tpu.memory_space<vmem>>) target_semaphore(%run_scoped3A_319 : memref<!tpu.dma_semaphore, #tpu.memory_space<semaphore_mem>>)
          %dma_wait3A_334 = arith.constant 0 : i32
          %dma_wait3A_335 = arith.constant 0 : i32
          %dma_wait3A_336 = tpu.memref_slice %arg6[%select_n3A_296, %dma_wait3A_334, %dma_wait3A_335] : memref<2x8x128xi32, #tpu.memory_space<vmem>> -> memref<1x8x128xi32, #tpu.memory_space<vmem>>
          %dma_wait3A_337 = tpu.memref_squeeze %dma_wait3A_336 : memref<1x8x128xi32, #tpu.memory_space<vmem>> -> memref<8x128xi32, #tpu.memory_space<vmem>>
          %dma_wait3A_338 = arith.constant 0 : i32
          %dma_wait3A_339 = tpu.memref_slice %arg3[%arg0, %arg1, %mul3A_278, %dma_wait3A_338] : memref<2x16x80x128xi32, #tpu.memory_space<hbm>> -> memref<1x1x8x128xi32, #tpu.memory_space<hbm>>
          %dma_wait3A_340 = tpu.memref_squeeze %dma_wait3A_339 : memref<1x1x8x128xi32, #tpu.memory_space<hbm>> -> memref<8x128xi32, #tpu.memory_space<hbm>>
          %dma_wait3A_341 = arith.constant 0 : i32
          %dma_wait3A_342 = arith.constant 0 : i32
          %dma_wait3A_343 = tpu.memref_slice %arg6[%select_n3A_296, %dma_wait3A_341, %dma_wait3A_342] : memref<2x8x128xi32, #tpu.memory_space<vmem>> -> memref<1x8x128xi32, #tpu.memory_space<vmem>>
          %dma_wait3A_344 = tpu.memref_squeeze %dma_wait3A_343 : memref<1x8x128xi32, #tpu.memory_space<vmem>> -> memref<8x128xi32, #tpu.memory_space<vmem>>
          %dma_wait3A_345 = arith.constant 0 : i32
          %dma_wait3A_346 = tpu.memref_slice %arg3[%arg0, %arg1, %mul3A_278, %dma_wait3A_345] : memref<2x16x80x128xi32, #tpu.memory_space<hbm>> -> memref<1x1x8x128xi32, #tpu.memory_space<hbm>>
          %dma_wait3A_347 = tpu.memref_squeeze %dma_wait3A_346 : memref<1x1x8x128xi32, #tpu.memory_space<hbm>> -> memref<8x128xi32, #tpu.memory_space<hbm>>
          tpu.wait_dma2 semaphore(%run_scoped3A_319 : memref<!tpu.dma_semaphore, #tpu.memory_space<semaphore_mem>>) src(%dma_wait3A_347 : memref<8x128xi32, #tpu.memory_space<hbm>>) dst(%dma_wait3A_344 : memref<8x128xi32, #tpu.memory_space<vmem>>)
          tpu.yield
        }) : () -> ()
        %add3A_297 = arith.constant 1 : i32
        %add3A_298 = arith.addi %select_n3A, %add3A_297 : i32
        %mul3A_299 = arith.constant 8 : i32
        %mul3A_300 = arith.muli %add3A_298, %mul3A_299 : i32
        %add3A_301 = arith.constant 1 : i32
        %add3A_302 = arith.addi %select_n3A, %add3A_301 : i32
        %jit3A_303 = arith.constant 2 : i32
        %eq3A_304 = arith.constant 0 : i32
        %eq3A_305 = arith.cmpi eq, %jit3A_303, %eq3A_304 : i32
        %jit3A_306 = arith.constant 1 : i32
        %select_n3A_307 = arith.select %eq3A_305, %jit3A_306, %jit3A_303 : i32
        %rem3A_308 = arith.remsi %add3A_302, %select_n3A_307 : i32
        %ne3A_309 = arith.constant 0 : i32
        %ne3A_310 = arith.cmpi ne, %rem3A_308, %ne3A_309 : i32
        %lt3A_311 = arith.constant 0 : i32
        %lt3A_312 = arith.cmpi slt, %rem3A_308, %lt3A_311 : i32
        %lt3A_313 = arith.constant 0 : i32
        %lt3A_314 = arith.cmpi slt, %select_n3A_307, %lt3A_313 : i32
        %ne3A_315 = arith.xori %lt3A_312, %lt3A_314 : i1
        %and3A_316 = arith.andi %ne3A_315, %ne3A_310 : i1
        %add3A_317 = arith.addi %rem3A_308, %select_n3A_307 : i32
        %select_n3A_318 = arith.select %and3A_316, %add3A_317, %rem3A_308 : i32
        "tpu.region"() ({
          %run_scoped3A_319 = tpu.sem_alloc : memref<!tpu.dma_semaphore, #tpu.memory_space<semaphore_mem>>
          %dma_start3A_320 = arith.constant 0 : i32
          %dma_start3A_321 = arith.constant 0 : i32
          %dma_start3A_322 = tpu.memref_slice %arg7[%select_n3A_318, %dma_start3A_320, %dma_start3A_321] : memref<2x8x128xi32, #tpu.memory_space<vmem>> -> memref<1x8x128xi32, #tpu.memory_space<vmem>>
          %dma_start3A_323 = tpu.memref_squeeze %dma_start3A_322 : memref<1x8x128xi32, #tpu.memory_space<vmem>> -> memref<8x128xi32, #tpu.memory_space<vmem>>
          %dma_start3A_324 = arith.constant 0 : i32
          %dma_start3A_325 = tpu.memref_slice %arg4[%arg0, %arg1, %mul3A_300, %dma_start3A_324] : memref<2x16x80x128xi32, #tpu.memory_space<hbm>> -> memref<1x1x8x128xi32, #tpu.memory_space<hbm>>
          %dma_start3A_326 = tpu.memref_squeeze %dma_start3A_325 : memref<1x1x8x128xi32, #tpu.memory_space<hbm>> -> memref<8x128xi32, #tpu.memory_space<hbm>>
          %dma_start3A_327 = arith.constant 0 : i32
          %dma_start3A_328 = arith.constant 0 : i32
          %dma_start3A_329 = tpu.memref_slice %arg7[%select_n3A_318, %dma_start3A_327, %dma_start3A_328] : memref<2x8x128xi32, #tpu.memory_space<vmem>> -> memref<1x8x128xi32, #tpu.memory_space<vmem>>
          %dma_start3A_330 = tpu.memref_squeeze %dma_start3A_329 : memref<1x8x128xi32, #tpu.memory_space<vmem>> -> memref<8x128xi32, #tpu.memory_space<vmem>>
          %dma_start3A_331 = arith.constant 0 : i32
          %dma_start3A_332 = tpu.memref_slice %arg4[%arg0, %arg1, %mul3A_300, %dma_start3A_331] : memref<2x16x80x128xi32, #tpu.memory_space<hbm>> -> memref<1x1x8x128xi32, #tpu.memory_space<hbm>>
          %dma_start3A_333 = tpu.memref_squeeze %dma_start3A_332 : memref<1x1x8x128xi32, #tpu.memory_space<hbm>> -> memref<8x128xi32, #tpu.memory_space<hbm>>
          tpu.enqueue_dma source(%dma_start3A_333 : memref<8x128xi32, #tpu.memory_space<hbm>>) target(%dma_start3A_330 : memref<8x128xi32, #tpu.memory_space<vmem>>) target_semaphore(%run_scoped3A_319 : memref<!tpu.dma_semaphore, #tpu.memory_space<semaphore_mem>>)
          %dma_wait3A_334 = arith.constant 0 : i32
          %dma_wait3A_335 = arith.constant 0 : i32
          %dma_wait3A_336 = tpu.memref_slice %arg7[%select_n3A_318, %dma_wait3A_334, %dma_wait3A_335] : memref<2x8x128xi32, #tpu.memory_space<vmem>> -> memref<1x8x128xi32, #tpu.memory_space<vmem>>
          %dma_wait3A_337 = tpu.memref_squeeze %dma_wait3A_336 : memref<1x8x128xi32, #tpu.memory_space<vmem>> -> memref<8x128xi32, #tpu.memory_space<vmem>>
          %dma_wait3A_338 = arith.constant 0 : i32
          %dma_wait3A_339 = tpu.memref_slice %arg4[%arg0, %arg1, %mul3A_300, %dma_wait3A_338] : memref<2x16x80x128xi32, #tpu.memory_space<hbm>> -> memref<1x1x8x128xi32, #tpu.memory_space<hbm>>
          %dma_wait3A_340 = tpu.memref_squeeze %dma_wait3A_339 : memref<1x1x8x128xi32, #tpu.memory_space<hbm>> -> memref<8x128xi32, #tpu.memory_space<hbm>>
          %dma_wait3A_341 = arith.constant 0 : i32
          %dma_wait3A_342 = arith.constant 0 : i32
          %dma_wait3A_343 = tpu.memref_slice %arg7[%select_n3A_318, %dma_wait3A_341, %dma_wait3A_342] : memref<2x8x128xi32, #tpu.memory_space<vmem>> -> memref<1x8x128xi32, #tpu.memory_space<vmem>>
          %dma_wait3A_344 = tpu.memref_squeeze %dma_wait3A_343 : memref<1x8x128xi32, #tpu.memory_space<vmem>> -> memref<8x128xi32, #tpu.memory_space<vmem>>
          %dma_wait3A_345 = arith.constant 0 : i32
          %dma_wait3A_346 = tpu.memref_slice %arg4[%arg0, %arg1, %mul3A_300, %dma_wait3A_345] : memref<2x16x80x128xi32, #tpu.memory_space<hbm>> -> memref<1x1x8x128xi32, #tpu.memory_space<hbm>>
          %dma_wait3A_347 = tpu.memref_squeeze %dma_wait3A_346 : memref<1x1x8x128xi32, #tpu.memory_space<hbm>> -> memref<8x128xi32, #tpu.memory_space<hbm>>
          tpu.wait_dma2 semaphore(%run_scoped3A_319 : memref<!tpu.dma_semaphore, #tpu.memory_space<semaphore_mem>>) src(%dma_wait3A_347 : memref<8x128xi32, #tpu.memory_space<hbm>>) dst(%dma_wait3A_344 : memref<8x128xi32, #tpu.memory_space<vmem>>)
          tpu.yield
        }) : () -> ()
      } else {
      }
      %ge3A = arith.constant 1 : i32
      %ge3A_105 = arith.cmpi sge, %scan3A_67, %ge3A : i32
      %convert_element_type3A_106 = arith.extui %ge3A_105 : i1 to i32
      %cond3A_107 = arith.constant 0 : i32
      %cond3A_108 = arith.cmpi ne, %convert_element_type3A_106, %cond3A_107 : i32
      scf.if %cond3A_108 {
        %sub3A_276 = arith.constant 1 : i32
        %sub3A_277 = arith.subi %scan3A_67, %sub3A_276 : i32
        %jit3A_278 = arith.constant 2 : i32
        %eq3A_279 = arith.constant 0 : i32
        %eq3A_280 = arith.cmpi eq, %jit3A_278, %eq3A_279 : i32
        %jit3A_281 = arith.constant 1 : i32
        %select_n3A_282 = arith.select %eq3A_280, %jit3A_281, %jit3A_278 : i32
        %rem3A_283 = arith.remsi %sub3A_277, %select_n3A_282 : i32
        %ne3A_284 = arith.constant 0 : i32
        %ne3A_285 = arith.cmpi ne, %rem3A_283, %ne3A_284 : i32
        %lt3A_286 = arith.constant 0 : i32
        %lt3A_287 = arith.cmpi slt, %rem3A_283, %lt3A_286 : i32
        %lt3A_288 = arith.constant 0 : i32
        %lt3A_289 = arith.cmpi slt, %select_n3A_282, %lt3A_288 : i32
        %ne3A_290 = arith.xori %lt3A_287, %lt3A_289 : i1
        %and3A_291 = arith.andi %ne3A_290, %ne3A_285 : i1
        %add3A_292 = arith.addi %rem3A_283, %select_n3A_282 : i32
        %select_n3A_293 = arith.select %and3A_291, %add3A_292, %rem3A_283 : i32
        %jit3A_294 = arith.constant 8 : i32
        %div3A_295 = arith.divsi %sub3A_277, %jit3A_294 : i32
        %sign3A_296 = arith.constant 0 : i32
        %sign3A_297 = arith.cmpi sgt, %sub3A_277, %sign3A_296 : i32
        %sign3A_298 = arith.extui %sign3A_297 : i1 to i32
        %sign3A_299 = arith.constant 0 : i32
        %sign3A_300 = arith.cmpi slt, %sub3A_277, %sign3A_299 : i32
        %sign3A_301 = arith.extui %sign3A_300 : i1 to i32
        %sign3A_302 = arith.subi %sign3A_298, %sign3A_301 : i32
        %sign3A_303 = arith.constant 0 : i32
        %sign3A_304 = arith.cmpi sgt, %jit3A_294, %sign3A_303 : i32
        %sign3A_305 = arith.extui %sign3A_304 : i1 to i32
        %sign3A_306 = arith.constant 0 : i32
        %sign3A_307 = arith.cmpi slt, %jit3A_294, %sign3A_306 : i32
        %sign3A_308 = arith.extui %sign3A_307 : i1 to i32
        %sign3A_309 = arith.subi %sign3A_305, %sign3A_308 : i32
        %ne3A_310 = arith.cmpi ne, %sign3A_302, %sign3A_309 : i32
        %rem3A_311 = arith.remsi %sub3A_277, %jit3A_294 : i32
        %ne3A_312 = arith.constant 0 : i32
        %ne3A_313 = arith.cmpi ne, %rem3A_311, %ne3A_312 : i32
        %and3A_314 = arith.andi %ne3A_310, %ne3A_313 : i1
        %sub3A_315 = arith.constant 1 : i32
        %sub3A_316 = arith.subi %div3A_295, %sub3A_315 : i32
        %select_n3A_317 = arith.select %and3A_314, %sub3A_316, %div3A_295 : i32
        %jit3A_318 = arith.constant 2 : i32
        %eq3A_319 = arith.constant 0 : i32
        %eq3A_320 = arith.cmpi eq, %jit3A_318, %eq3A_319 : i32
        %jit3A_321 = arith.constant 1 : i32
        %select_n3A_322 = arith.select %eq3A_320, %jit3A_321, %jit3A_318 : i32
        %rem3A_323 = arith.remsi %select_n3A_317, %select_n3A_322 : i32
        %ne3A_324 = arith.constant 0 : i32
        %ne3A_325 = arith.cmpi ne, %rem3A_323, %ne3A_324 : i32
        %lt3A_326 = arith.constant 0 : i32
        %lt3A_327 = arith.cmpi slt, %rem3A_323, %lt3A_326 : i32
        %lt3A_328 = arith.constant 0 : i32
        %lt3A_329 = arith.cmpi slt, %select_n3A_322, %lt3A_328 : i32
        %ne3A_330 = arith.xori %lt3A_327, %lt3A_329 : i1
        %and3A_331 = arith.andi %ne3A_330, %ne3A_325 : i1
        %add3A_332 = arith.addi %rem3A_323, %select_n3A_322 : i32
        %select_n3A_333 = arith.select %and3A_331, %add3A_332, %rem3A_323 : i32
        %jit3A_334 = arith.constant 8 : i32
        %eq3A_335 = arith.constant 0 : i32
        %eq3A_336 = arith.cmpi eq, %jit3A_334, %eq3A_335 : i32
        %jit3A_337 = arith.constant 1 : i32
        %select_n3A_338 = arith.select %eq3A_336, %jit3A_337, %jit3A_334 : i32
        %rem3A_339 = arith.remsi %sub3A_277, %select_n3A_338 : i32
        %ne3A_340 = arith.constant 0 : i32
        %ne3A_341 = arith.cmpi ne, %rem3A_339, %ne3A_340 : i32
        %lt3A_342 = arith.constant 0 : i32
        %lt3A_343 = arith.cmpi slt, %rem3A_339, %lt3A_342 : i32
        %lt3A_344 = arith.constant 0 : i32
        %lt3A_345 = arith.cmpi slt, %select_n3A_338, %lt3A_344 : i32
        %ne3A_346 = arith.xori %lt3A_343, %lt3A_345 : i1
        %and3A_347 = arith.andi %ne3A_346, %ne3A_341 : i1
        %add3A_348 = arith.addi %rem3A_339, %select_n3A_338 : i32
        %select_n3A_349 = arith.select %and3A_347, %add3A_348, %rem3A_339 : i32
        %jit3A_350 = arith.constant 2 : i32
        %eq3A_351 = arith.constant 0 : i32
        %eq3A_352 = arith.cmpi eq, %jit3A_350, %eq3A_351 : i32
        %jit3A_353 = arith.constant 1 : i32
        %select_n3A_354 = arith.select %eq3A_352, %jit3A_353, %jit3A_350 : i32
        %rem3A_355 = arith.remsi %sub3A_277, %select_n3A_354 : i32
        %ne3A_356 = arith.constant 0 : i32
        %ne3A_357 = arith.cmpi ne, %rem3A_355, %ne3A_356 : i32
        %lt3A_358 = arith.constant 0 : i32
        %lt3A_359 = arith.cmpi slt, %rem3A_355, %lt3A_358 : i32
        %lt3A_360 = arith.constant 0 : i32
        %lt3A_361 = arith.cmpi slt, %select_n3A_354, %lt3A_360 : i32
        %ne3A_362 = arith.xori %lt3A_359, %lt3A_361 : i1
        %and3A_363 = arith.andi %ne3A_362, %ne3A_357 : i1
        %add3A_364 = arith.addi %rem3A_355, %select_n3A_354 : i32
        %select_n3A_365 = arith.select %and3A_363, %add3A_364, %rem3A_355 : i32
        %dma_wait3A_366 = arith.constant 0 : i32
        %dma_wait3A_367 = arith.constant 0 : i32
        %dma_wait3A_368 = tpu.memref_slice %arg8[%select_n3A_293, %dma_wait3A_366, %dma_wait3A_367] : memref<2x128x128xf32, #tpu.memory_space<vmem>> -> memref<1x128x128xf32, #tpu.memory_space<vmem>>
        %dma_wait3A_369 = tpu.memref_squeeze %dma_wait3A_368 : memref<1x128x128xf32, #tpu.memory_space<vmem>> -> memref<128x128xf32, #tpu.memory_space<vmem>>
        %dma_wait3A_370 = arith.constant 0 : i32
        %dma_wait3A_371 = tpu.memref_slice %arg7[%select_n3A_333, %select_n3A_349, %dma_wait3A_370] : memref<2x8x128xi32, #tpu.memory_space<vmem>> -> memref<1x1x128xi32, #tpu.memory_space<vmem>>
        %dma_wait3A_372 = tpu.memref_squeeze %dma_wait3A_371 : memref<1x1x128xi32, #tpu.memory_space<vmem>> -> memref<128xi32, #tpu.memory_space<vmem>>
        %dma_wait3A_373 = arith.constant 0 : i32
        %dma_wait3A_374 = arith.constant 0 : i32
        %dma_wait3A_375 = tpu.memref_slice %arg9[%dma_wait3A_373, %dma_wait3A_374] : memref<10240x128xf32, #tpu.memory_space<vmem_shared>> -> memref<10240x128xf32, #tpu.memory_space<vmem_shared>>
        %dma_wait3A_376 = tpu.memref_slice %arg11[%select_n3A_365] : memref<2x!tpu.dma_semaphore, #tpu.memory_space<semaphore_mem>> -> memref<1x!tpu.dma_semaphore, #tpu.memory_space<semaphore_mem>>
        %dma_wait3A_377 = tpu.memref_squeeze %dma_wait3A_376 : memref<1x!tpu.dma_semaphore, #tpu.memory_space<semaphore_mem>> -> memref<!tpu.dma_semaphore, #tpu.memory_space<semaphore_mem>>
        tpu.wait_indirect_dma semaphore(%dma_wait3A_377 : memref<!tpu.dma_semaphore, #tpu.memory_space<semaphore_mem>>) src(%dma_wait3A_369 : memref<128x128xf32, #tpu.memory_space<vmem>>) dst(%dma_wait3A_375 : memref<10240x128xf32, #tpu.memory_space<vmem_shared>>)
      } else {
      }
      %add3A_109 = arith.constant 1 : i32
      %add3A_110 = arith.addi %scan3A_67, %add3A_109 : i32
      %lt3A_111 = arith.constant 80 : i32
      %lt3A_112 = arith.cmpi slt, %add3A_110, %lt3A_111 : i32
      %convert_element_type3A_113 = arith.extui %lt3A_112 : i1 to i32
      %cond3A_114 = arith.constant 0 : i32
      %cond3A_115 = arith.cmpi ne, %convert_element_type3A_113, %cond3A_114 : i32
      scf.if %cond3A_115 {
        %add3A_276 = arith.constant 1 : i32
        %add3A_277 = arith.addi %scan3A_67, %add3A_276 : i32
        %jit3A_278 = arith.constant 8 : i32
        %div3A_279 = arith.divsi %add3A_277, %jit3A_278 : i32
        %sign3A_280 = arith.constant 0 : i32
        %sign3A_281 = arith.cmpi sgt, %add3A_277, %sign3A_280 : i32
        %sign3A_282 = arith.extui %sign3A_281 : i1 to i32
        %sign3A_283 = arith.constant 0 : i32
        %sign3A_284 = arith.cmpi slt, %add3A_277, %sign3A_283 : i32
        %sign3A_285 = arith.extui %sign3A_284 : i1 to i32
        %sign3A_286 = arith.subi %sign3A_282, %sign3A_285 : i32
        %sign3A_287 = arith.constant 0 : i32
        %sign3A_288 = arith.cmpi sgt, %jit3A_278, %sign3A_287 : i32
        %sign3A_289 = arith.extui %sign3A_288 : i1 to i32
        %sign3A_290 = arith.constant 0 : i32
        %sign3A_291 = arith.cmpi slt, %jit3A_278, %sign3A_290 : i32
        %sign3A_292 = arith.extui %sign3A_291 : i1 to i32
        %sign3A_293 = arith.subi %sign3A_289, %sign3A_292 : i32
        %ne3A_294 = arith.cmpi ne, %sign3A_286, %sign3A_293 : i32
        %rem3A_295 = arith.remsi %add3A_277, %jit3A_278 : i32
        %ne3A_296 = arith.constant 0 : i32
        %ne3A_297 = arith.cmpi ne, %rem3A_295, %ne3A_296 : i32
        %and3A_298 = arith.andi %ne3A_294, %ne3A_297 : i1
        %sub3A_299 = arith.constant 1 : i32
        %sub3A_300 = arith.subi %div3A_279, %sub3A_299 : i32
        %select_n3A_301 = arith.select %and3A_298, %sub3A_300, %div3A_279 : i32
        %jit3A_302 = arith.constant 2 : i32
        %eq3A_303 = arith.constant 0 : i32
        %eq3A_304 = arith.cmpi eq, %jit3A_302, %eq3A_303 : i32
        %jit3A_305 = arith.constant 1 : i32
        %select_n3A_306 = arith.select %eq3A_304, %jit3A_305, %jit3A_302 : i32
        %rem3A_307 = arith.remsi %select_n3A_301, %select_n3A_306 : i32
        %ne3A_308 = arith.constant 0 : i32
        %ne3A_309 = arith.cmpi ne, %rem3A_307, %ne3A_308 : i32
        %lt3A_310 = arith.constant 0 : i32
        %lt3A_311 = arith.cmpi slt, %rem3A_307, %lt3A_310 : i32
        %lt3A_312 = arith.constant 0 : i32
        %lt3A_313 = arith.cmpi slt, %select_n3A_306, %lt3A_312 : i32
        %ne3A_314 = arith.xori %lt3A_311, %lt3A_313 : i1
        %and3A_315 = arith.andi %ne3A_314, %ne3A_309 : i1
        %add3A_316 = arith.addi %rem3A_307, %select_n3A_306 : i32
        %select_n3A_317 = arith.select %and3A_315, %add3A_316, %rem3A_307 : i32
        %jit3A_318 = arith.constant 8 : i32
        %eq3A_319 = arith.constant 0 : i32
        %eq3A_320 = arith.cmpi eq, %jit3A_318, %eq3A_319 : i32
        %jit3A_321 = arith.constant 1 : i32
        %select_n3A_322 = arith.select %eq3A_320, %jit3A_321, %jit3A_318 : i32
        %rem3A_323 = arith.remsi %add3A_277, %select_n3A_322 : i32
        %ne3A_324 = arith.constant 0 : i32
        %ne3A_325 = arith.cmpi ne, %rem3A_323, %ne3A_324 : i32
        %lt3A_326 = arith.constant 0 : i32
        %lt3A_327 = arith.cmpi slt, %rem3A_323, %lt3A_326 : i32
        %lt3A_328 = arith.constant 0 : i32
        %lt3A_329 = arith.cmpi slt, %select_n3A_322, %lt3A_328 : i32
        %ne3A_330 = arith.xori %lt3A_327, %lt3A_329 : i1
        %and3A_331 = arith.andi %ne3A_330, %ne3A_325 : i1
        %add3A_332 = arith.addi %rem3A_323, %select_n3A_322 : i32
        %select_n3A_333 = arith.select %and3A_331, %add3A_332, %rem3A_323 : i32
        %jit3A_334 = arith.constant 2 : i32
        %eq3A_335 = arith.constant 0 : i32
        %eq3A_336 = arith.cmpi eq, %jit3A_334, %eq3A_335 : i32
        %jit3A_337 = arith.constant 1 : i32
        %select_n3A_338 = arith.select %eq3A_336, %jit3A_337, %jit3A_334 : i32
        %rem3A_339 = arith.remsi %add3A_277, %select_n3A_338 : i32
        %ne3A_340 = arith.constant 0 : i32
        %ne3A_341 = arith.cmpi ne, %rem3A_339, %ne3A_340 : i32
        %lt3A_342 = arith.constant 0 : i32
        %lt3A_343 = arith.cmpi slt, %rem3A_339, %lt3A_342 : i32
        %lt3A_344 = arith.constant 0 : i32
        %lt3A_345 = arith.cmpi slt, %select_n3A_338, %lt3A_344 : i32
        %ne3A_346 = arith.xori %lt3A_343, %lt3A_345 : i1
        %and3A_347 = arith.andi %ne3A_346, %ne3A_341 : i1
        %add3A_348 = arith.addi %rem3A_339, %select_n3A_338 : i32
        %select_n3A_349 = arith.select %and3A_347, %add3A_348, %rem3A_339 : i32
        %jit3A_350 = arith.constant 2 : i32
        %eq3A_351 = arith.constant 0 : i32
        %eq3A_352 = arith.cmpi eq, %jit3A_350, %eq3A_351 : i32
        %jit3A_353 = arith.constant 1 : i32
        %select_n3A_354 = arith.select %eq3A_352, %jit3A_353, %jit3A_350 : i32
        %rem3A_355 = arith.remsi %add3A_277, %select_n3A_354 : i32
        %ne3A_356 = arith.constant 0 : i32
        %ne3A_357 = arith.cmpi ne, %rem3A_355, %ne3A_356 : i32
        %lt3A_358 = arith.constant 0 : i32
        %lt3A_359 = arith.cmpi slt, %rem3A_355, %lt3A_358 : i32
        %lt3A_360 = arith.constant 0 : i32
        %lt3A_361 = arith.cmpi slt, %select_n3A_354, %lt3A_360 : i32
        %ne3A_362 = arith.xori %lt3A_359, %lt3A_361 : i1
        %and3A_363 = arith.andi %ne3A_362, %ne3A_357 : i1
        %add3A_364 = arith.addi %rem3A_355, %select_n3A_354 : i32
        %select_n3A_365 = arith.select %and3A_363, %add3A_364, %rem3A_355 : i32
        %dma_start3A_366 = arith.constant 0 : i32
        %dma_start3A_367 = arith.constant 0 : i32
        %dma_start3A_368 = tpu.memref_slice %arg8[%select_n3A_349, %dma_start3A_366, %dma_start3A_367] : memref<2x128x128xf32, #tpu.memory_space<vmem>> -> memref<1x128x128xf32, #tpu.memory_space<vmem>>
        %dma_start3A_369 = tpu.memref_squeeze %dma_start3A_368 : memref<1x128x128xf32, #tpu.memory_space<vmem>> -> memref<128x128xf32, #tpu.memory_space<vmem>>
        %dma_start3A_370 = arith.constant 0 : i32
        %dma_start3A_371 = tpu.memref_slice %arg6[%select_n3A_317, %select_n3A_333, %dma_start3A_370] : memref<2x8x128xi32, #tpu.memory_space<vmem>> -> memref<1x1x128xi32, #tpu.memory_space<vmem>>
        %dma_start3A_372 = tpu.memref_squeeze %dma_start3A_371 : memref<1x1x128xi32, #tpu.memory_space<vmem>> -> memref<128xi32, #tpu.memory_space<vmem>>
        %dma_start3A_373 = arith.constant 0 : i32
        %dma_start3A_374 = arith.constant 0 : i32
        %dma_start3A_375 = tpu.memref_slice %arg2[%dma_start3A_373, %dma_start3A_374] : memref<10000x128xf32, #tpu.memory_space<hbm>> -> memref<10000x128xf32, #tpu.memory_space<hbm>>
        %dma_start3A_376 = tpu.memref_slice %arg10[%select_n3A_365] : memref<2x!tpu.dma_semaphore, #tpu.memory_space<semaphore_mem>> -> memref<1x!tpu.dma_semaphore, #tpu.memory_space<semaphore_mem>>
        %dma_start3A_377 = tpu.memref_squeeze %dma_start3A_376 : memref<1x!tpu.dma_semaphore, #tpu.memory_space<semaphore_mem>> -> memref<!tpu.dma_semaphore, #tpu.memory_space<semaphore_mem>>
        tpu.enqueue_indirect_dma source(%dma_start3A_375 : memref<10000x128xf32, #tpu.memory_space<hbm>>) target(%dma_start3A_369 : memref<128x128xf32, #tpu.memory_space<vmem>>) offsets(%dma_start3A_372 : memref<128xi32, #tpu.memory_space<vmem>>) semaphore(%dma_start3A_377 : memref<!tpu.dma_semaphore, #tpu.memory_space<semaphore_mem>>)
      } else {
      }
      %jit3A_116 = arith.constant 2 : i32
      %eq3A_117 = arith.constant 0 : i32
      %eq3A_118 = arith.cmpi eq, %jit3A_116, %eq3A_117 : i32
      %jit3A_119 = arith.constant 1 : i32
      %select_n3A_120 = arith.select %eq3A_118, %jit3A_119, %jit3A_116 : i32
      %rem3A_121 = arith.remsi %select_n3A, %select_n3A_120 : i32
      %ne3A_122 = arith.constant 0 : i32
      %ne3A_123 = arith.cmpi ne, %rem3A_121, %ne3A_122 : i32
      %lt3A_124 = arith.constant 0 : i32
      %lt3A_125 = arith.cmpi slt, %rem3A_121, %lt3A_124 : i32
      %lt3A_126 = arith.constant 0 : i32
      %lt3A_127 = arith.cmpi slt, %select_n3A_120, %lt3A_126 : i32
      %ne3A_128 = arith.xori %lt3A_125, %lt3A_127 : i1
      %and3A_129 = arith.andi %ne3A_128, %ne3A_123 : i1
      %add3A_130 = arith.addi %rem3A_121, %select_n3A_120 : i32
      %select_n3A_131 = arith.select %and3A_129, %add3A_130, %rem3A_121 : i32
      %jit3A_132 = arith.constant 2 : i32
      %eq3A_133 = arith.constant 0 : i32
      %eq3A_134 = arith.cmpi eq, %jit3A_132, %eq3A_133 : i32
      %jit3A_135 = arith.constant 1 : i32
      %select_n3A_136 = arith.select %eq3A_134, %jit3A_135, %jit3A_132 : i32
      %rem3A_137 = arith.remsi %scan3A_67, %select_n3A_136 : i32
      %ne3A_138 = arith.constant 0 : i32
      %ne3A_139 = arith.cmpi ne, %rem3A_137, %ne3A_138 : i32
      %lt3A_140 = arith.constant 0 : i32
      %lt3A_141 = arith.cmpi slt, %rem3A_137, %lt3A_140 : i32
      %lt3A_142 = arith.constant 0 : i32
      %lt3A_143 = arith.cmpi slt, %select_n3A_136, %lt3A_142 : i32
      %ne3A_144 = arith.xori %lt3A_141, %lt3A_143 : i1
      %and3A_145 = arith.andi %ne3A_144, %ne3A_139 : i1
      %add3A_146 = arith.addi %rem3A_137, %select_n3A_136 : i32
      %select_n3A_147 = arith.select %and3A_145, %add3A_146, %rem3A_137 : i32
      %jit3A_148 = arith.constant 2 : i32
      %eq3A_149 = arith.constant 0 : i32
      %eq3A_150 = arith.cmpi eq, %jit3A_148, %eq3A_149 : i32
      %jit3A_151 = arith.constant 1 : i32
      %select_n3A_152 = arith.select %eq3A_150, %jit3A_151, %jit3A_148 : i32
      %rem3A_153 = arith.remsi %scan3A_67, %select_n3A_152 : i32
      %ne3A_154 = arith.constant 0 : i32
      %ne3A_155 = arith.cmpi ne, %rem3A_153, %ne3A_154 : i32
      %lt3A_156 = arith.constant 0 : i32
      %lt3A_157 = arith.cmpi slt, %rem3A_153, %lt3A_156 : i32
      %lt3A_158 = arith.constant 0 : i32
      %lt3A_159 = arith.cmpi slt, %select_n3A_152, %lt3A_158 : i32
      %ne3A_160 = arith.xori %lt3A_157, %lt3A_159 : i1
      %and3A_161 = arith.andi %ne3A_160, %ne3A_155 : i1
      %add3A_162 = arith.addi %rem3A_153, %select_n3A_152 : i32
      %select_n3A_163 = arith.select %and3A_161, %add3A_162, %rem3A_153 : i32
      %dma_wait3A_164 = arith.constant 0 : i32
      %dma_wait3A_165 = arith.constant 0 : i32
      %dma_wait3A_166 = tpu.memref_slice %arg8[%select_n3A_147, %dma_wait3A_164, %dma_wait3A_165] : memref<2x128x128xf32, #tpu.memory_space<vmem>> -> memref<1x128x128xf32, #tpu.memory_space<vmem>>
      %dma_wait3A_167 = tpu.memref_squeeze %dma_wait3A_166 : memref<1x128x128xf32, #tpu.memory_space<vmem>> -> memref<128x128xf32, #tpu.memory_space<vmem>>
      %dma_wait3A_168 = arith.constant 0 : i32
      %dma_wait3A_169 = tpu.memref_slice %arg6[%select_n3A_131, %select_n3A_96, %dma_wait3A_168] : memref<2x8x128xi32, #tpu.memory_space<vmem>> -> memref<1x1x128xi32, #tpu.memory_space<vmem>>
      %dma_wait3A_170 = tpu.memref_squeeze %dma_wait3A_169 : memref<1x1x128xi32, #tpu.memory_space<vmem>> -> memref<128xi32, #tpu.memory_space<vmem>>
      %dma_wait3A_171 = arith.constant 0 : i32
      %dma_wait3A_172 = arith.constant 0 : i32
      %dma_wait3A_173 = tpu.memref_slice %arg2[%dma_wait3A_171, %dma_wait3A_172] : memref<10000x128xf32, #tpu.memory_space<hbm>> -> memref<10000x128xf32, #tpu.memory_space<hbm>>
      %dma_wait3A_174 = tpu.memref_slice %arg10[%select_n3A_163] : memref<2x!tpu.dma_semaphore, #tpu.memory_space<semaphore_mem>> -> memref<1x!tpu.dma_semaphore, #tpu.memory_space<semaphore_mem>>
      %dma_wait3A_175 = tpu.memref_squeeze %dma_wait3A_174 : memref<1x!tpu.dma_semaphore, #tpu.memory_space<semaphore_mem>> -> memref<!tpu.dma_semaphore, #tpu.memory_space<semaphore_mem>>
      tpu.wait_indirect_dma semaphore(%dma_wait3A_175 : memref<!tpu.dma_semaphore, #tpu.memory_space<semaphore_mem>>) src(%dma_wait3A_173 : memref<10000x128xf32, #tpu.memory_space<hbm>>) dst(%dma_wait3A_167 : memref<128x128xf32, #tpu.memory_space<vmem>>)
      %jit3A_176 = arith.constant 2 : i32
      %eq3A_177 = arith.constant 0 : i32
      %eq3A_178 = arith.cmpi eq, %jit3A_176, %eq3A_177 : i32
      %jit3A_179 = arith.constant 1 : i32
      %select_n3A_180 = arith.select %eq3A_178, %jit3A_179, %jit3A_176 : i32
      %rem3A_181 = arith.remsi %scan3A_67, %select_n3A_180 : i32
      %ne3A_182 = arith.constant 0 : i32
      %ne3A_183 = arith.cmpi ne, %rem3A_181, %ne3A_182 : i32
      %lt3A_184 = arith.constant 0 : i32
      %lt3A_185 = arith.cmpi slt, %rem3A_181, %lt3A_184 : i32
      %lt3A_186 = arith.constant 0 : i32
      %lt3A_187 = arith.cmpi slt, %select_n3A_180, %lt3A_186 : i32
      %ne3A_188 = arith.xori %lt3A_185, %lt3A_187 : i1
      %and3A_189 = arith.andi %ne3A_188, %ne3A_183 : i1
      %add3A_190 = arith.addi %rem3A_181, %select_n3A_180 : i32
      %select_n3A_191 = arith.select %and3A_189, %add3A_190, %rem3A_181 : i32
      %jit3A_192 = arith.constant 8 : i32
      %div3A_193 = arith.divsi %scan3A_67, %jit3A_192 : i32
      %sign3A_194 = arith.constant 0 : i32
      %sign3A_195 = arith.cmpi sgt, %scan3A_67, %sign3A_194 : i32
      %sign3A_196 = arith.extui %sign3A_195 : i1 to i32
      %sign3A_197 = arith.constant 0 : i32
      %sign3A_198 = arith.cmpi slt, %scan3A_67, %sign3A_197 : i32
      %sign3A_199 = arith.extui %sign3A_198 : i1 to i32
      %sign3A_200 = arith.subi %sign3A_196, %sign3A_199 : i32
      %sign3A_201 = arith.constant 0 : i32
      %sign3A_202 = arith.cmpi sgt, %jit3A_192, %sign3A_201 : i32
      %sign3A_203 = arith.extui %sign3A_202 : i1 to i32
      %sign3A_204 = arith.constant 0 : i32
      %sign3A_205 = arith.cmpi slt, %jit3A_192, %sign3A_204 : i32
      %sign3A_206 = arith.extui %sign3A_205 : i1 to i32
      %sign3A_207 = arith.subi %sign3A_203, %sign3A_206 : i32
      %ne3A_208 = arith.cmpi ne, %sign3A_200, %sign3A_207 : i32
      %rem3A_209 = arith.remsi %scan3A_67, %jit3A_192 : i32
      %ne3A_210 = arith.constant 0 : i32
      %ne3A_211 = arith.cmpi ne, %rem3A_209, %ne3A_210 : i32
      %and3A_212 = arith.andi %ne3A_208, %ne3A_211 : i1
      %sub3A_213 = arith.constant 1 : i32
      %sub3A_214 = arith.subi %div3A_193, %sub3A_213 : i32
      %select_n3A_215 = arith.select %and3A_212, %sub3A_214, %div3A_193 : i32
      %jit3A_216 = arith.constant 2 : i32
      %eq3A_217 = arith.constant 0 : i32
      %eq3A_218 = arith.cmpi eq, %jit3A_216, %eq3A_217 : i32
      %jit3A_219 = arith.constant 1 : i32
      %select_n3A_220 = arith.select %eq3A_218, %jit3A_219, %jit3A_216 : i32
      %rem3A_221 = arith.remsi %select_n3A_215, %select_n3A_220 : i32
      %ne3A_222 = arith.constant 0 : i32
      %ne3A_223 = arith.cmpi ne, %rem3A_221, %ne3A_222 : i32
      %lt3A_224 = arith.constant 0 : i32
      %lt3A_225 = arith.cmpi slt, %rem3A_221, %lt3A_224 : i32
      %lt3A_226 = arith.constant 0 : i32
      %lt3A_227 = arith.cmpi slt, %select_n3A_220, %lt3A_226 : i32
      %ne3A_228 = arith.xori %lt3A_225, %lt3A_227 : i1
      %and3A_229 = arith.andi %ne3A_228, %ne3A_223 : i1
      %add3A_230 = arith.addi %rem3A_221, %select_n3A_220 : i32
      %select_n3A_231 = arith.select %and3A_229, %add3A_230, %rem3A_221 : i32
      %jit3A_232 = arith.constant 8 : i32
      %eq3A_233 = arith.constant 0 : i32
      %eq3A_234 = arith.cmpi eq, %jit3A_232, %eq3A_233 : i32
      %jit3A_235 = arith.constant 1 : i32
      %select_n3A_236 = arith.select %eq3A_234, %jit3A_235, %jit3A_232 : i32
      %rem3A_237 = arith.remsi %scan3A_67, %select_n3A_236 : i32
      %ne3A_238 = arith.constant 0 : i32
      %ne3A_239 = arith.cmpi ne, %rem3A_237, %ne3A_238 : i32
      %lt3A_240 = arith.constant 0 : i32
      %lt3A_241 = arith.cmpi slt, %rem3A_237, %lt3A_240 : i32
      %lt3A_242 = arith.constant 0 : i32
      %lt3A_243 = arith.cmpi slt, %select_n3A_236, %lt3A_242 : i32
      %ne3A_244 = arith.xori %lt3A_241, %lt3A_243 : i1
      %and3A_245 = arith.andi %ne3A_244, %ne3A_239 : i1
      %add3A_246 = arith.addi %rem3A_237, %select_n3A_236 : i32
      %select_n3A_247 = arith.select %and3A_245, %add3A_246, %rem3A_237 : i32
      %jit3A_248 = arith.constant 2 : i32
      %eq3A_249 = arith.constant 0 : i32
      %eq3A_250 = arith.cmpi eq, %jit3A_248, %eq3A_249 : i32
      %jit3A_251 = arith.constant 1 : i32
      %select_n3A_252 = arith.select %eq3A_250, %jit3A_251, %jit3A_248 : i32
      %rem3A_253 = arith.remsi %scan3A_67, %select_n3A_252 : i32
      %ne3A_254 = arith.constant 0 : i32
      %ne3A_255 = arith.cmpi ne, %rem3A_253, %ne3A_254 : i32
      %lt3A_256 = arith.constant 0 : i32
      %lt3A_257 = arith.cmpi slt, %rem3A_253, %lt3A_256 : i32
      %lt3A_258 = arith.constant 0 : i32
      %lt3A_259 = arith.cmpi slt, %select_n3A_252, %lt3A_258 : i32
      %ne3A_260 = arith.xori %lt3A_257, %lt3A_259 : i1
      %and3A_261 = arith.andi %ne3A_260, %ne3A_255 : i1
      %add3A_262 = arith.addi %rem3A_253, %select_n3A_252 : i32
      %select_n3A_263 = arith.select %and3A_261, %add3A_262, %rem3A_253 : i32
      %dma_start3A_264 = arith.constant 0 : i32
      %dma_start3A_265 = arith.constant 0 : i32
      %dma_start3A_266 = tpu.memref_slice %arg8[%select_n3A_191, %dma_start3A_264, %dma_start3A_265] : memref<2x128x128xf32, #tpu.memory_space<vmem>> -> memref<1x128x128xf32, #tpu.memory_space<vmem>>
      %dma_start3A_267 = tpu.memref_squeeze %dma_start3A_266 : memref<1x128x128xf32, #tpu.memory_space<vmem>> -> memref<128x128xf32, #tpu.memory_space<vmem>>
      %dma_start3A_268 = arith.constant 0 : i32
      %dma_start3A_269 = tpu.memref_slice %arg7[%select_n3A_231, %select_n3A_247, %dma_start3A_268] : memref<2x8x128xi32, #tpu.memory_space<vmem>> -> memref<1x1x128xi32, #tpu.memory_space<vmem>>
      %dma_start3A_270 = tpu.memref_squeeze %dma_start3A_269 : memref<1x1x128xi32, #tpu.memory_space<vmem>> -> memref<128xi32, #tpu.memory_space<vmem>>
      %dma_start3A_271 = arith.constant 0 : i32
      %dma_start3A_272 = arith.constant 0 : i32
      %dma_start3A_273 = tpu.memref_slice %arg9[%dma_start3A_271, %dma_start3A_272] : memref<10240x128xf32, #tpu.memory_space<vmem_shared>> -> memref<10240x128xf32, #tpu.memory_space<vmem_shared>>
      %dma_start3A_274 = tpu.memref_slice %arg11[%select_n3A_263] : memref<2x!tpu.dma_semaphore, #tpu.memory_space<semaphore_mem>> -> memref<1x!tpu.dma_semaphore, #tpu.memory_space<semaphore_mem>>
      %dma_start3A_275 = tpu.memref_squeeze %dma_start3A_274 : memref<1x!tpu.dma_semaphore, #tpu.memory_space<semaphore_mem>> -> memref<!tpu.dma_semaphore, #tpu.memory_space<semaphore_mem>>
      tpu.enqueue_indirect_dma source(%dma_start3A_267 : memref<128x128xf32, #tpu.memory_space<vmem>>) target(%dma_start3A_273 : memref<10240x128xf32, #tpu.memory_space<vmem_shared>>) offsets(%dma_start3A_270 : memref<128xi32, #tpu.memory_space<vmem>>) semaphore(%dma_start3A_275 : memref<!tpu.dma_semaphore, #tpu.memory_space<semaphore_mem>>) {add = true}
    }
    %scan3A_38 = arith.constant 80 : i32
    %dma_wait3A = arith.constant 1 : i32
    %dma_wait3A_39 = arith.constant 1 : i32
    %dma_wait3A_40 = arith.constant 7 : i32
    %dma_wait3A_41 = arith.constant 1 : i32
    %dma_wait3A_42 = arith.constant 0 : i32
    %dma_wait3A_43 = arith.constant 0 : i32
    %dma_wait3A_44 = tpu.memref_slice %arg8[%dma_wait3A, %dma_wait3A_42, %dma_wait3A_43] : memref<2x128x128xf32, #tpu.memory_space<vmem>> -> memref<1x128x128xf32, #tpu.memory_space<vmem>>
    %dma_wait3A_45 = tpu.memref_squeeze %dma_wait3A_44 : memref<1x128x128xf32, #tpu.memory_space<vmem>> -> memref<128x128xf32, #tpu.memory_space<vmem>>
    %dma_wait3A_46 = arith.constant 0 : i32
    %dma_wait3A_47 = tpu.memref_slice %arg7[%dma_wait3A_39, %dma_wait3A_40, %dma_wait3A_46] : memref<2x8x128xi32, #tpu.memory_space<vmem>> -> memref<1x1x128xi32, #tpu.memory_space<vmem>>
    %dma_wait3A_48 = tpu.memref_squeeze %dma_wait3A_47 : memref<1x1x128xi32, #tpu.memory_space<vmem>> -> memref<128xi32, #tpu.memory_space<vmem>>
    %dma_wait3A_49 = arith.constant 0 : i32
    %dma_wait3A_50 = arith.constant 0 : i32
    %dma_wait3A_51 = tpu.memref_slice %arg9[%dma_wait3A_49, %dma_wait3A_50] : memref<10240x128xf32, #tpu.memory_space<vmem_shared>> -> memref<10240x128xf32, #tpu.memory_space<vmem_shared>>
    %dma_wait3A_52 = tpu.memref_slice %arg11[%dma_wait3A_41] : memref<2x!tpu.dma_semaphore, #tpu.memory_space<semaphore_mem>> -> memref<1x!tpu.dma_semaphore, #tpu.memory_space<semaphore_mem>>
    %dma_wait3A_53 = tpu.memref_squeeze %dma_wait3A_52 : memref<1x!tpu.dma_semaphore, #tpu.memory_space<semaphore_mem>> -> memref<!tpu.dma_semaphore, #tpu.memory_space<semaphore_mem>>
    tpu.wait_indirect_dma semaphore(%dma_wait3A_53 : memref<!tpu.dma_semaphore, #tpu.memory_space<semaphore_mem>>) src(%dma_wait3A_45 : memref<128x128xf32, #tpu.memory_space<vmem>>) dst(%dma_wait3A_51 : memref<10240x128xf32, #tpu.memory_space<vmem_shared>>)
    %barrier3A_54 = arith.constant 0 : index
    tpu.barrier barrier_id(%barrier3A_54)
    %scan3A_55 = arith.constant 0 : i32
    %scan3A_56 = arith.constant 0 : i32
    %scan3A_57 = arith.constant 5 : i32
    %scan3A_58 = arith.addi %scan3A_56, %scan3A_57 : i32
    %scan3A_59 = arith.constant 1 : i32
    scf.for %scan3A_67 = %scan3A_56 to %scan3A_58 step %scan3A_59  : i32 {
      %mul3A = arith.constant 640 : i32
      %mul3A_68 = arith.muli %arg1, %mul3A : i32
      %mul3A_69 = arith.constant 128 : i32
      %mul3A_70 = arith.muli %scan3A_67, %mul3A_69 : i32
      %add3A = arith.addi %mul3A_68, %mul3A_70 : i32
      %dma_start3A_71 = arith.constant 0 : i32
      %dma_start3A_72 = tpu.memref_slice %arg10[%dma_start3A_71] : memref<2x!tpu.dma_semaphore, #tpu.memory_space<semaphore_mem>> -> memref<1x!tpu.dma_semaphore, #tpu.memory_space<semaphore_mem>>
      %dma_start3A_73 = tpu.memref_squeeze %dma_start3A_72 : memref<1x!tpu.dma_semaphore, #tpu.memory_space<semaphore_mem>> -> memref<!tpu.dma_semaphore, #tpu.memory_space<semaphore_mem>>
      %dma_start3A_74 = arith.constant 0 : i32
      %dma_start3A_75 = tpu.memref_slice %arg5[%arg0, %add3A, %dma_start3A_74] : memref<2x10240x128xf32, #tpu.memory_space<hbm>> -> memref<1x128x128xf32, #tpu.memory_space<hbm>>
      %dma_start3A_76 = tpu.memref_squeeze %dma_start3A_75 : memref<1x128x128xf32, #tpu.memory_space<hbm>> -> memref<128x128xf32, #tpu.memory_space<hbm>>
      %dma_start3A_77 = arith.constant 0 : i32
      %dma_start3A_78 = tpu.memref_slice %arg9[%add3A, %dma_start3A_77] : memref<10240x128xf32, #tpu.memory_space<vmem_shared>> -> memref<128x128xf32, #tpu.memory_space<vmem_shared>>
      tpu.enqueue_dma source(%dma_start3A_78 : memref<128x128xf32, #tpu.memory_space<vmem_shared>>) target(%dma_start3A_76 : memref<128x128xf32, #tpu.memory_space<hbm>>) target_semaphore(%dma_start3A_73 : memref<!tpu.dma_semaphore, #tpu.memory_space<semaphore_mem>>)
    }
    %scan3A_60 = arith.constant 5 : i32
    %scan3A_61 = arith.constant 0 : i32
    %scan3A_62 = arith.constant 0 : i32
    %scan3A_63 = arith.constant 5 : i32
    %scan3A_64 = arith.addi %scan3A_62, %scan3A_63 : i32
    %scan3A_65 = arith.constant 1 : i32
    scf.for %scan3A_67 = %scan3A_62 to %scan3A_64 step %scan3A_65  : i32 {
      %mul3A = arith.constant 640 : i32
      %mul3A_68 = arith.muli %arg1, %mul3A : i32
      %mul3A_69 = arith.constant 128 : i32
      %mul3A_70 = arith.muli %scan3A_67, %mul3A_69 : i32
      %add3A = arith.addi %mul3A_68, %mul3A_70 : i32
      %dma_wait3A_71 = arith.constant 0 : i32
      %dma_wait3A_72 = tpu.memref_slice %arg10[%dma_wait3A_71] : memref<2x!tpu.dma_semaphore, #tpu.memory_space<semaphore_mem>> -> memref<1x!tpu.dma_semaphore, #tpu.memory_space<semaphore_mem>>
      %dma_wait3A_73 = tpu.memref_squeeze %dma_wait3A_72 : memref<1x!tpu.dma_semaphore, #tpu.memory_space<semaphore_mem>> -> memref<!tpu.dma_semaphore, #tpu.memory_space<semaphore_mem>>
      %dma_wait3A_74 = arith.constant 0 : i32
      %dma_wait3A_75 = tpu.memref_slice %arg5[%arg0, %add3A, %dma_wait3A_74] : memref<2x10240x128xf32, #tpu.memory_space<hbm>> -> memref<1x128x128xf32, #tpu.memory_space<hbm>>
      %dma_wait3A_76 = tpu.memref_squeeze %dma_wait3A_75 : memref<1x128x128xf32, #tpu.memory_space<hbm>> -> memref<128x128xf32, #tpu.memory_space<hbm>>
      %dma_wait3A_77 = arith.constant 0 : i32
      %dma_wait3A_78 = tpu.memref_slice %arg9[%add3A, %dma_wait3A_77] : memref<10240x128xf32, #tpu.memory_space<vmem_shared>> -> memref<128x128xf32, #tpu.memory_space<vmem_shared>>
      tpu.wait_dma2 semaphore(%dma_wait3A_73 : memref<!tpu.dma_semaphore, #tpu.memory_space<semaphore_mem>>) src(%dma_wait3A_78 : memref<128x128xf32, #tpu.memory_space<vmem_shared>>) dst(%dma_wait3A_76 : memref<128x128xf32, #tpu.memory_space<hbm>>)
    }
    %scan3A_66 = arith.constant 5 : i32
    return
  }
}

module attributes {stable_mosaic.version = 14 : i64} {
  func.func @body(%arg0: i32, %arg1: memref<1000x128xf32, #tpu.memory_space<vmem>>, %arg2: memref<128x128xf32, #tpu.memory_space<vmem>>, %arg3: memref<1000x128xf32, #tpu.memory_space<vmem>>) attributes {dimension_semantics = [#tpu.dimension_semantics<arbitrary>], iteration_bounds = array<i64: 10>, scalar_prefetch = 0 : i64, scratch_operands = 0 : i64, tpu.core_type = #tpu.core_type<tc>, window_params = [{transform_indices = @transform_0, window_bounds = array<i64: 1000, 128>}, {pipeline_mode = #tpu.pipeline_mode<synchronous>, transform_indices = @transform_1, window_bounds = array<i64: 128, 128>}, {transform_indices = @transform_2, window_bounds = array<i64: 1000, 128>}]} {
    %get3A = arith.constant 0 : index
    %get3A_0 = arith.constant 0 : index
    %get3A_1 = vector.load %arg1[%get3A, %get3A_0] : memref<1000x128xf32, #tpu.memory_space<vmem>>, vector<1000x128xf32>
    %get3A_2 = arith.constant 0 : index
    %get3A_3 = arith.constant 0 : index
    %get3A_4 = vector.load %arg2[%get3A_2, %get3A_3] : memref<128x128xf32, #tpu.memory_space<vmem>>, vector<128x128xf32>
    %dot_general3A = arith.constant dense<0.000000e+00> : vector<1000x128xf32>
    %dot_general3A_5 = tpu.matmul %get3A_1, %get3A_4, %dot_general3A {dimension_numbers = #tpu.dot_dimension_numbers<[1], [0], [0], [1], [0, 0, 1, 1], [], []>, transpose_lhs_hint = false} : vector<1000x128xf32>, vector<128x128xf32>, vector<1000x128xf32> -> vector<1000x128xf32>
    %swap3A = arith.constant 0 : index
    %swap3A_6 = arith.constant 0 : index
    %swap3A_7 = vector.load %arg3[%swap3A, %swap3A_6] : memref<1000x128xf32, #tpu.memory_space<vmem>>, vector<1000x128xf32>
    tpu.vector_store %arg3[%swap3A, %swap3A_6], %dot_general3A_5 {strides = array<i32>} : memref<1000x128xf32, #tpu.memory_space<vmem>>, vector<1000x128xf32>,
    return
  }
  func.func @transform_0(%arg0: i32) -> (i32, i32) {
    %c0_i32 = arith.constant 0 : i32
    %c0_i32_0 = arith.constant 0 : i32
    return %arg0, %c0_i32 : i32, i32
  }
  func.func @transform_1(%arg0: i32) -> (i32, i32) {
    %c0_i32 = arith.constant 0 : i32
    %c0_i32_0 = arith.constant 0 : i32
    %c0_i32_1 = arith.constant 0 : i32
    return %c0_i32, %c0_i32_0 : i32, i32
  }
  func.func @transform_2(%arg0: i32) -> (i32, i32) {
    %c0_i32 = arith.constant 0 : i32
    %c0_i32_0 = arith.constant 0 : i32
    return %arg0, %c0_i32 : i32, i32
  }
}

module attributes {stable_mosaic.version = 14 : i64} {
  func.func @body(%arg0: memref<2x10240xf32, #tpu.memory_space<vmem>>, %arg1: memref<10000x128xf32, #tpu.memory_space<vmem>>, %arg2: memref<10000x128xf32, #tpu.memory_space<vmem>>, %arg3: memref<10000x1xf32, #tpu.memory_space<vmem>>) attributes {dimension_semantics = [], scalar_prefetch = 0 : i64, scratch_operands = 0 : i64, tpu.core_type = #tpu.core_type<tc>} {
    %get3A = arith.constant 0 : index
    %get3A_0 = arith.constant 0 : index
    %get3A_1 = vector.load %arg0[%get3A, %get3A_0] : memref<2x10240xf32, #tpu.memory_space<vmem>>, vector<2x10240xf32>
    %reduce_sum3A = arith.constant dense<0.000000e+00> : vector<10240xf32>
    %reduce_sum3A_2 = vector.multi_reduction <add>, %get3A_1, %reduce_sum3A [0] : vector<2x10240xf32> to vector<10240xf32>
    %broadcast_in_dim3A = vector.shape_cast %reduce_sum3A_2 : vector<10240xf32> to vector<1x10240xf32>
    %add3A = arith.constant 1.000000e+00 : f32
    %add3A_3 = vector.broadcast %add3A : f32 to vector<1x10240xf32>
    %add3A_4 = arith.addf %add3A_3, %broadcast_in_dim3A : vector<1x10240xf32>
    %rsqrt3A = math.rsqrt %add3A_4 : vector<1x10240xf32>
    %transpose3A = tpu.transpose %rsqrt3A, [1, 0] : vector<1x10240xf32> -> vector<10240x1xf32>
    %slice3A = vector.extract_strided_slice %transpose3A {offsets = [0, 0], sizes = [10000, 1], strides = [1, 1]} : vector<10240x1xf32> to vector<10000x1xf32>
    %swap3A = arith.constant 0 : index
    %swap3A_5 = arith.constant 0 : index
    %swap3A_6 = vector.load %arg3[%swap3A, %swap3A_5] : memref<10000x1xf32, #tpu.memory_space<vmem>>, vector<10000x1xf32>
    tpu.vector_store %arg3[%swap3A, %swap3A_5], %slice3A {strides = array<i32>} : memref<10000x1xf32, #tpu.memory_space<vmem>>, vector<10000x1xf32>,
    %get3A_7 = arith.constant 0 : index
    %get3A_8 = arith.constant 0 : index
    %get3A_9 = vector.load %arg1[%get3A_7, %get3A_8] : memref<10000x128xf32, #tpu.memory_space<vmem>>, vector<10000x128xf32>
    %mul3A = vector.broadcast %slice3A : vector<10000x1xf32> to vector<10000x128xf32>
    %mul3A_10 = arith.mulf %get3A_9, %mul3A : vector<10000x128xf32>
    %swap3A_11 = arith.constant 0 : index
    %swap3A_12 = arith.constant 0 : index
    %swap3A_13 = vector.load %arg2[%swap3A_11, %swap3A_12] : memref<10000x128xf32, #tpu.memory_space<vmem>>, vector<10000x128xf32>
    tpu.vector_store %arg2[%swap3A_11, %swap3A_12], %mul3A_10 {strides = array<i32>} : memref<10000x128xf32, #tpu.memory_space<vmem>>, vector<10000x128xf32>,
    return
  }
}

module attributes {stable_mosaic.version = 14 : i64} {
  func.func @body(%arg0: i32, %arg1: memref<2x1000x128xf32, #tpu.memory_space<vmem>>, %arg2: memref<1000x128xf32, #tpu.memory_space<vmem>>, %arg3: memref<1000x1xf32, #tpu.memory_space<vmem>>, %arg4: memref<1x128xf32, #tpu.memory_space<vmem>>, %arg5: memref<128x128xf32, #tpu.memory_space<vmem>>, %arg6: memref<1000x128xf32, #tpu.memory_space<vmem>>) attributes {dimension_semantics = [#tpu.dimension_semantics<arbitrary>], iteration_bounds = array<i64: 10>, scalar_prefetch = 0 : i64, scratch_operands = 0 : i64, tpu.core_type = #tpu.core_type<tc>, window_params = [{transform_indices = @transform_0, window_bounds = array<i64: 2, 1000, 128>}, {transform_indices = @transform_1, window_bounds = array<i64: 1000, 128>}, {transform_indices = @transform_2, window_bounds = array<i64: 1000, 1>}, {pipeline_mode = #tpu.pipeline_mode<synchronous>, transform_indices = @transform_3, window_bounds = array<i64: 1, 128>}, {pipeline_mode = #tpu.pipeline_mode<synchronous>, transform_indices = @transform_4, window_bounds = array<i64: 128, 128>}, {transform_indices = @transform_5, window_bounds = array<i64: 1000, 128>}]} {
    %get3A = arith.constant 0 : index
    %get3A_0 = arith.constant 0 : index
    %get3A_1 = arith.constant 0 : index
    %get3A_2 = vector.load %arg1[%get3A, %get3A_0, %get3A_1] : memref<2x1000x128xf32, #tpu.memory_space<vmem>>, vector<1x1000x128xf32>
    %get3A_3 = vector.shape_cast %get3A_2 : vector<1x1000x128xf32> to vector<1000x128xf32>
    %get3A_4 = arith.constant 1 : index
    %get3A_5 = arith.constant 0 : index
    %get3A_6 = arith.constant 0 : index
    %get3A_7 = vector.load %arg1[%get3A_4, %get3A_5, %get3A_6] : memref<2x1000x128xf32, #tpu.memory_space<vmem>>, vector<1x1000x128xf32>
    %get3A_8 = vector.shape_cast %get3A_7 : vector<1x1000x128xf32> to vector<1000x128xf32>
    %add3A = arith.addf %get3A_3, %get3A_8 : vector<1000x128xf32>
    %get3A_9 = arith.constant 0 : index
    %get3A_10 = arith.constant 0 : index
    %get3A_11 = vector.load %arg2[%get3A_9, %get3A_10] : memref<1000x128xf32, #tpu.memory_space<vmem>>, vector<1000x128xf32>
    %add3A_12 = arith.addf %add3A, %get3A_11 : vector<1000x128xf32>
    %get3A_13 = arith.constant 0 : index
    %get3A_14 = arith.constant 0 : index
    %get3A_15 = vector.load %arg3[%get3A_13, %get3A_14] : memref<1000x1xf32, #tpu.memory_space<vmem>>, vector<1000x1xf32>
    %mul3A = vector.broadcast %get3A_15 : vector<1000x1xf32> to vector<1000x128xf32>
    %mul3A_16 = arith.mulf %add3A_12, %mul3A : vector<1000x128xf32>
    %get3A_17 = arith.constant 0 : index
    %get3A_18 = arith.constant 0 : index
    %get3A_19 = vector.load %arg4[%get3A_17, %get3A_18] : memref<1x128xf32, #tpu.memory_space<vmem>>, vector<1x128xf32>
    %add3A_20 = vector.broadcast %get3A_19 : vector<1x128xf32> to vector<1000x128xf32>
    %add3A_21 = arith.addf %mul3A_16, %add3A_20 : vector<1000x128xf32>
    %max3A = arith.constant 0.000000e+00 : f32
    %max3A_22 = vector.broadcast %max3A : f32 to vector<1000x128xf32>
    %max3A_23 = arith.maximumf %add3A_21, %max3A_22 : vector<1000x128xf32>
    %get3A_24 = arith.constant 0 : index
    %get3A_25 = arith.constant 0 : index
    %get3A_26 = vector.load %arg5[%get3A_24, %get3A_25] : memref<128x128xf32, #tpu.memory_space<vmem>>, vector<128x128xf32>
    %dot_general3A = arith.constant dense<0.000000e+00> : vector<1000x128xf32>
    %dot_general3A_27 = tpu.matmul %max3A_23, %get3A_26, %dot_general3A {dimension_numbers = #tpu.dot_dimension_numbers<[1], [0], [0], [1], [0, 0, 1, 1], [], []>, transpose_lhs_hint = false} : vector<1000x128xf32>, vector<128x128xf32>, vector<1000x128xf32> -> vector<1000x128xf32>
    %get3A_28 = arith.constant 0 : index
    %get3A_29 = arith.constant 0 : index
    %get3A_30 = vector.load %arg3[%get3A_28, %get3A_29] : memref<1000x1xf32, #tpu.memory_space<vmem>>, vector<1000x1xf32>
    %mul3A_31 = vector.broadcast %get3A_30 : vector<1000x1xf32> to vector<1000x128xf32>
    %mul3A_32 = arith.mulf %dot_general3A_27, %mul3A_31 : vector<1000x128xf32>
    %swap3A = arith.constant 0 : index
    %swap3A_33 = arith.constant 0 : index
    %swap3A_34 = vector.load %arg6[%swap3A, %swap3A_33] : memref<1000x128xf32, #tpu.memory_space<vmem>>, vector<1000x128xf32>
    tpu.vector_store %arg6[%swap3A, %swap3A_33], %mul3A_32 {strides = array<i32>} : memref<1000x128xf32, #tpu.memory_space<vmem>>, vector<1000x128xf32>,
    return
  }
  func.func @transform_0(%arg0: i32) -> (i32, i32, i32) {
    %c0_i32 = arith.constant 0 : i32
    %c0_i32_0 = arith.constant 0 : i32
    %c0_i32_1 = arith.constant 0 : i32
    return %c0_i32, %arg0, %c0_i32_0 : i32, i32, i32
  }
  func.func @transform_1(%arg0: i32) -> (i32, i32) {
    %c0_i32 = arith.constant 0 : i32
    %c0_i32_0 = arith.constant 0 : i32
    return %arg0, %c0_i32 : i32, i32
  }
  func.func @transform_2(%arg0: i32) -> (i32, i32) {
    %c0_i32 = arith.constant 0 : i32
    %c0_i32_0 = arith.constant 0 : i32
    return %arg0, %c0_i32 : i32, i32
  }
  func.func @transform_3(%arg0: i32) -> (i32, i32) {
    %c0_i32 = arith.constant 0 : i32
    %c0_i32_0 = arith.constant 0 : i32
    %c0_i32_1 = arith.constant 0 : i32
    return %c0_i32, %c0_i32_0 : i32, i32
  }
  func.func @transform_4(%arg0: i32) -> (i32, i32) {
    %c0_i32 = arith.constant 0 : i32
    %c0_i32_0 = arith.constant 0 : i32
    %c0_i32_1 = arith.constant 0 : i32
    return %c0_i32, %c0_i32_0 : i32, i32
  }
  func.func @transform_5(%arg0: i32) -> (i32, i32) {
    %c0_i32 = arith.constant 0 : i32
    %c0_i32_0 = arith.constant 0 : i32
    return %arg0, %c0_i32 : i32, i32
  }
}

module attributes {stable_mosaic.version = 14 : i64} {
  func.func @body(%arg0: i32, %arg1: memref<2x1000x128xf32, #tpu.memory_space<vmem>>, %arg2: memref<1000x128xf32, #tpu.memory_space<vmem>>, %arg3: memref<1000x1xf32, #tpu.memory_space<vmem>>, %arg4: memref<1x128xf32, #tpu.memory_space<vmem>>, %arg5: memref<128x128xf32, #tpu.memory_space<vmem>>, %arg6: memref<1x128xf32, #tpu.memory_space<vmem>>, %arg7: memref<1x128xf32, #tpu.memory_space<vmem>>, %arg8: memref<1x128xf32, #tpu.memory_space<vmem>>) attributes {dimension_semantics = [#tpu.dimension_semantics<arbitrary>], iteration_bounds = array<i64: 10>, scalar_prefetch = 0 : i64, scratch_operands = 1 : i64, tpu.core_type = #tpu.core_type<tc>, window_params = [{transform_indices = @transform_0, window_bounds = array<i64: 2, 1000, 128>}, {transform_indices = @transform_1, window_bounds = array<i64: 1000, 128>}, {transform_indices = @transform_2, window_bounds = array<i64: 1000, 1>}, {pipeline_mode = #tpu.pipeline_mode<synchronous>, transform_indices = @transform_3, window_bounds = array<i64: 1, 128>}, {pipeline_mode = #tpu.pipeline_mode<synchronous>, transform_indices = @transform_4, window_bounds = array<i64: 128, 128>}, {pipeline_mode = #tpu.pipeline_mode<synchronous>, transform_indices = @transform_5, window_bounds = array<i64: 1, 128>}, {pipeline_mode = #tpu.pipeline_mode<synchronous>, transform_indices = @transform_6, window_bounds = array<i64: 1, 128>}]} {
    %eq3A = arith.constant 0 : i32
    %eq3A_0 = arith.cmpi eq, %arg0, %eq3A : i32
    %convert_element_type3A = arith.extui %eq3A_0 : i1 to i32
    %cond3A = arith.constant 0 : i32
    %cond3A_1 = arith.cmpi ne, %convert_element_type3A, %cond3A : i32
    scf.if %cond3A_1 {
      %broadcast_in_dim3A_38 = arith.constant 0.000000e+00 : f32
      %broadcast_in_dim3A_39 = vector.broadcast %broadcast_in_dim3A_38 : f32 to vector<1x128xf32>
      %swap3A_40 = arith.constant 0 : index
      %swap3A_41 = arith.constant 0 : index
      %swap3A_42 = vector.load %arg8[%swap3A_40, %swap3A_41] : memref<1x128xf32, #tpu.memory_space<vmem>>, vector<1x128xf32>
      tpu.vector_store %arg8[%swap3A_40, %swap3A_41], %broadcast_in_dim3A_39 {strides = array<i32>} : memref<1x128xf32, #tpu.memory_space<vmem>>, vector<1x128xf32>,
    } else {
    }
    %get3A = arith.constant 0 : index
    %get3A_2 = arith.constant 0 : index
    %get3A_3 = arith.constant 0 : index
    %get3A_4 = vector.load %arg1[%get3A, %get3A_2, %get3A_3] : memref<2x1000x128xf32, #tpu.memory_space<vmem>>, vector<1x1000x128xf32>
    %get3A_5 = vector.shape_cast %get3A_4 : vector<1x1000x128xf32> to vector<1000x128xf32>
    %get3A_6 = arith.constant 1 : index
    %get3A_7 = arith.constant 0 : index
    %get3A_8 = arith.constant 0 : index
    %get3A_9 = vector.load %arg1[%get3A_6, %get3A_7, %get3A_8] : memref<2x1000x128xf32, #tpu.memory_space<vmem>>, vector<1x1000x128xf32>
    %get3A_10 = vector.shape_cast %get3A_9 : vector<1x1000x128xf32> to vector<1000x128xf32>
    %add3A = arith.addf %get3A_5, %get3A_10 : vector<1000x128xf32>
    %get3A_11 = arith.constant 0 : index
    %get3A_12 = arith.constant 0 : index
    %get3A_13 = vector.load %arg2[%get3A_11, %get3A_12] : memref<1000x128xf32, #tpu.memory_space<vmem>>, vector<1000x128xf32>
    %add3A_14 = arith.addf %add3A, %get3A_13 : vector<1000x128xf32>
    %get3A_15 = arith.constant 0 : index
    %get3A_16 = arith.constant 0 : index
    %get3A_17 = vector.load %arg3[%get3A_15, %get3A_16] : memref<1000x1xf32, #tpu.memory_space<vmem>>, vector<1000x1xf32>
    %mul3A = vector.broadcast %get3A_17 : vector<1000x1xf32> to vector<1000x128xf32>
    %mul3A_18 = arith.mulf %add3A_14, %mul3A : vector<1000x128xf32>
    %get3A_19 = arith.constant 0 : index
    %get3A_20 = arith.constant 0 : index
    %get3A_21 = vector.load %arg4[%get3A_19, %get3A_20] : memref<1x128xf32, #tpu.memory_space<vmem>>, vector<1x128xf32>
    %add3A_22 = vector.broadcast %get3A_21 : vector<1x128xf32> to vector<1000x128xf32>
    %add3A_23 = arith.addf %mul3A_18, %add3A_22 : vector<1000x128xf32>
    %max3A = arith.constant 0.000000e+00 : f32
    %max3A_24 = vector.broadcast %max3A : f32 to vector<1000x128xf32>
    %max3A_25 = arith.maximumf %add3A_23, %max3A_24 : vector<1000x128xf32>
    %get3A_26 = arith.constant 0 : index
    %get3A_27 = arith.constant 0 : index
    %get3A_28 = vector.load %arg8[%get3A_26, %get3A_27] : memref<1x128xf32, #tpu.memory_space<vmem>>, vector<1x128xf32>
    %reduce_sum3A = arith.constant dense<0.000000e+00> : vector<128xf32>
    %reduce_sum3A_29 = vector.multi_reduction <add>, %max3A_25, %reduce_sum3A [0] : vector<1000x128xf32> to vector<128xf32>
    %broadcast_in_dim3A = vector.shape_cast %reduce_sum3A_29 : vector<128xf32> to vector<1x128xf32>
    %add3A_30 = arith.addf %get3A_28, %broadcast_in_dim3A : vector<1x128xf32>
    %swap3A = arith.constant 0 : index
    %swap3A_31 = arith.constant 0 : index
    %swap3A_32 = vector.load %arg8[%swap3A, %swap3A_31] : memref<1x128xf32, #tpu.memory_space<vmem>>, vector<1x128xf32>
    tpu.vector_store %arg8[%swap3A, %swap3A_31], %add3A_30 {strides = array<i32>} : memref<1x128xf32, #tpu.memory_space<vmem>>, vector<1x128xf32>,
    %eq3A_33 = arith.constant 9 : i32
    %eq3A_34 = arith.cmpi eq, %arg0, %eq3A_33 : i32
    %convert_element_type3A_35 = arith.extui %eq3A_34 : i1 to i32
    %cond3A_36 = arith.constant 0 : i32
    %cond3A_37 = arith.cmpi ne, %convert_element_type3A_35, %cond3A_36 : i32
    scf.if %cond3A_37 {
      %get3A_38 = arith.constant 0 : index
      %get3A_39 = arith.constant 0 : index
      %get3A_40 = vector.load %arg8[%get3A_38, %get3A_39] : memref<1x128xf32, #tpu.memory_space<vmem>>, vector<1x128xf32>
      %mul3A_41 = arith.constant 9.99999974E-5 : f32
      %mul3A_42 = vector.broadcast %mul3A_41 : f32 to vector<1x128xf32>
      %mul3A_43 = arith.mulf %get3A_40, %mul3A_42 : vector<1x128xf32>
      %get3A_44 = arith.constant 0 : index
      %get3A_45 = arith.constant 0 : index
      %get3A_46 = vector.load %arg5[%get3A_44, %get3A_45] : memref<128x128xf32, #tpu.memory_space<vmem>>, vector<128x128xf32>
      %dot_general3A = arith.constant dense<0.000000e+00> : vector<1x128xf32>
      %dot_general3A_47 = tpu.matmul %mul3A_43, %get3A_46, %dot_general3A {dimension_numbers = #tpu.dot_dimension_numbers<[1], [0], [0], [1], [0, 0, 1, 1], [], []>, transpose_lhs_hint = false} : vector<1x128xf32>, vector<128x128xf32>, vector<1x128xf32> -> vector<1x128xf32>
      %get3A_48 = arith.constant 0 : index
      %get3A_49 = arith.constant 0 : index
      %get3A_50 = vector.load %arg6[%get3A_48, %get3A_49] : memref<1x128xf32, #tpu.memory_space<vmem>>, vector<1x128xf32>
      %add3A_51 = arith.addf %dot_general3A_47, %get3A_50 : vector<1x128xf32>
      %swap3A_52 = arith.constant 0 : index
      %swap3A_53 = arith.constant 0 : index
      %swap3A_54 = vector.load %arg7[%swap3A_52, %swap3A_53] : memref<1x128xf32, #tpu.memory_space<vmem>>, vector<1x128xf32>
      tpu.vector_store %arg7[%swap3A_52, %swap3A_53], %add3A_51 {strides = array<i32>} : memref<1x128xf32, #tpu.memory_space<vmem>>, vector<1x128xf32>,
    } else {
    }
    return
  }
  func.func @transform_0(%arg0: i32) -> (i32, i32, i32) {
    %c0_i32 = arith.constant 0 : i32
    %c0_i32_0 = arith.constant 0 : i32
    %c0_i32_1 = arith.constant 0 : i32
    return %c0_i32, %arg0, %c0_i32_0 : i32, i32, i32
  }
  func.func @transform_1(%arg0: i32) -> (i32, i32) {
    %c0_i32 = arith.constant 0 : i32
    %c0_i32_0 = arith.constant 0 : i32
    return %arg0, %c0_i32 : i32, i32
  }
  func.func @transform_2(%arg0: i32) -> (i32, i32) {
    %c0_i32 = arith.constant 0 : i32
    %c0_i32_0 = arith.constant 0 : i32
    return %arg0, %c0_i32 : i32, i32
  }
  func.func @transform_3(%arg0: i32) -> (i32, i32) {
    %c0_i32 = arith.constant 0 : i32
    %c0_i32_0 = arith.constant 0 : i32
    %c0_i32_1 = arith.constant 0 : i32
    return %c0_i32, %c0_i32_0 : i32, i32
  }
  func.func @transform_4(%arg0: i32) -> (i32, i32) {
    %c0_i32 = arith.constant 0 : i32
    %c0_i32_0 = arith.constant 0 : i32
    %c0_i32_1 = arith.constant 0 : i32
    return %c0_i32, %c0_i32_0 : i32, i32
  }
  func.func @transform_5(%arg0: i32) -> (i32, i32) {
    %c0_i32 = arith.constant 0 : i32
    %c0_i32_0 = arith.constant 0 : i32
    %c0_i32_1 = arith.constant 0 : i32
    return %c0_i32, %c0_i32_0 : i32, i32
  }
  func.func @transform_6(%arg0: i32) -> (i32, i32) {
    %c0_i32 = arith.constant 0 : i32
    %c0_i32_0 = arith.constant 0 : i32
    %c0_i32_1 = arith.constant 0 : i32
    return %c0_i32, %c0_i32_0 : i32, i32
  }
}

</mosaic_0001>

<sc_bundles>
// kernel: kernel.12.cloned.1.call-start
scs
__scs_entry_jumppad:
0x0: {  	(pc) =	sbr.rel $0x88, $3  }
0x1: {  	(tag) =	ssettag $0x0;
	lr =	simm.s32 $0x1  }
0x2: {  	[smem:$0x3F99] =	sst lr;
	_ =	strace $0xD0000000  }
0x3: {  	_ = 	snop  }
0x4: {  	_ = 	snop  }
0x5: {  	_ = 	snop  }
0x6: {  	_ = 	snop  }
0x7: {  	_ = 	snop  }
__scs_overlays_trampoline_lowered:
0x8: {  	[smem:$0x3FA8] =	sst s0  }
0x9: {  	[smem:$0x3FA9] =	sst s1  }
0xa: {  	[smem:$0x3FAA] =	sst s2  }
0xb: {  	[smem:$0x3FAB] =	sst s3  }
0xc: {  	[smem:$0x3FAC] =	sst s4  }
0xd: {  	[smem:$0x3FAD] =	sst s5  }
0xe: {  	[smem:$0x3FAE] =	sst s6  }
0xf: {  	[smem:$0x3FAF] =	sst s7  }
0x10: {  	[smem:$0x3FB0] =	sst s8  }
0x11: {  	[smem:$0x3FB1] =	sst s9;
	s0 =	simm.s32 @!p0 $0x0  }
0x12: {  	s1 =	sld [smem:$0x3F97];
	s0 =	simm.s32 @p0 $0x1  }
0x13: {  	[smem:$0x3FB2] =	sst s0;
	s0 =	simm.s32 @!p1 $0x0  }
0x14: {  	s2 =	sld [smem:$0x3F96];
	s0 =	simm.s32 @p1 $0x1  }
0x15: {  	[smem:$0x3FB3] =	sst s0;
	s0 =	simm.s32 @!p2 $0x0  }
0x16: {  	s3 =	sld [smem:$0x3FDB];
	s0 =	simm.s32 @p2 $0x1  }
0x17: {  	s4 =	simm.s32 $0x1BF5;
	[smem:$0x3FB5] =	sst s0  }
0x18: {  	s0 =	sld [smem:$0x3F98];
	_ =	swait.ge [sflag:s4], $0x0  }
0x19: {  	s7 =	sld [smem:$0x3F99]  }
0x1a: {  	s8 =	sadd.s32 $0xFFFFE003, lr  }
0x1b: {  	s9 =	sadd.s32 $0xFFFFFEF7, lr;
	s5 =	simm.s32 $0xFFFFFFFF;
	p2 =	slt.u32 s8, $0xFFFFF086  }
0x1c: {  	p1 =	slt.u32 s9, $0xF7A;
	s5 =	simm.s32 @!p2 $0x0  }
0x1d: {  	s5 =	simm.s32 @p1 $0x1;
	p0 =	seq.s32 s7, s2  }
0x1e: {  	s7 =	smul.u32 @!p0 $0xF7A, s2;
	p2 =	seq.s32 @!p0 s5, $0x0  }
0x1f: {  	s9 =	smul.u32 $0xF7A, s1;
	s8 =	simm.s32 @!p0 $0x1BF5;
	p2 =	por !p2, p0  }
0x20: {  	[sflag:s8] =	ssyncset.s32 @!p0 $0xFFFFF086;
	s6 =	sadd.s32 @!p0 s3, s7;
	s7 =	simm.s32 @!p0 $0x108  }
0x21: {  	s3 =	sadd.s32 s3, s9;
	s6 =	sadd.s32 @!p0 $0x88, s6;
	s7 =	simm.s32 @p2 $0x1082  }
0x22: {  	[simem:s7], [sflag:s8] =	dma.local @!p0 [hbm:s6], $0xF7A  }
0x23: {  	s9 =	sor.u32 $0xD0000000, s2;
	s6 =	simm.s32 $0x108;
	_ =	swait.ge @!p0 [sflag:s8], $0x0  }
0x24: {  	s3 =	sadd.s32 $0x88, s3;
	s6 =	simm.s32 @!p1 $0x1082;
	[sflag:s4] =	ssyncset.s32 $0xFFFFF086  }
0x25: {  	[simem:s6], [sflag:s4] =	dma.local [hbm:s3], $0xF7A  }
0x26: {  	[smem:$0x3F99] =	sst s1;
	(tag) =	ssettag s2;
	_ =	strace s9  }
0x27: {  	s1 =	sld [smem:$0x3FA9]  }
0x28: {  	s2 =	sld [smem:$0x3FAA]  }
0x29: {  	s4 =	sld [smem:$0x3FAC]  }
0x2a: {  	p0 =	seq.s32 s5, $0x0;
	s5 =	sld [smem:$0x3FAD]  }
0x2b: {  	s6 =	sld [smem:$0x3FAE]  }
0x2c: {  	s7 =	sld [smem:$0x3FAF]  }
0x2d: {  	s3 =	simm.s32 $0x108;
	s8 =	sld [smem:$0x3FB0]  }
0x2e: {  	s3 =	simm.s32 @!p0 $0x1082;
	s9 =	sld [smem:$0x3FB1]  }
0x2f: {  	lr =	sadd.s32 s0, s3;
	s0 =	sld [smem:$0x3FA8]  }
0x30: {  	s3 =	sld [smem:$0x3FAB]  }
0x31: {  	[smem:$0x3FB4] =	sst s10  }
0x32: {  	s10 =	sld [smem:$0x3FB2];
	_ =	sdelay $0x3  }
0x33: {  	p0 =	seq.s32 s10, $0x1;
	s10 =	sld [smem:$0x3FB4];
	_ =	sdelay $0x3  }
0x34: {  	[smem:$0x3FB4] =	sst s10  }
0x35: {  	s10 =	sld [smem:$0x3FB3];
	_ =	sdelay $0x3  }
0x36: {  	p1 =	seq.s32 s10, $0x1;
	s10 =	sld [smem:$0x3FB4];
	_ =	sdelay $0x3  }
0x37: {  	[smem:$0x3FB4] =	sst s10  }
0x38: {  	s10 =	sld [smem:$0x3FB5]  }
0x39: {  	_ = 	snop;
	(pc) =	sbr.ind lr, $3  }
0x3a: {  	_ = 	snop  }
0x3b: {  	_ = 	snop  }
0x3c: {  	p2 =	seq.s32 s10, $0x1;
	s10 =	sld [smem:$0x3FB4]  }
0x3d: {  	_ =	shalt  }
0x3e: {  	_ =	shalt  }
0x3f: {  	_ =	shalt  }
0x40: {  	_ =	shalt  }
0x41: {  	_ =	shalt  }
0x42: {  	_ =	shalt  }
0x43: {  	_ =	shalt  }
0x44: {  	_ =	shalt  }
0x45: {  	_ =	shalt  }
0x46: {  	_ =	shalt  }
0x47: {  	_ =	shalt  }
0x48: {  	_ =	shalt  }
0x49: {  	_ =	shalt  }
0x4a: {  	_ =	shalt  }
0x4b: {  	_ =	shalt  }
0x4c: {  	_ =	shalt  }
0x4d: {  	_ =	shalt  }
0x4e: {  	_ =	shalt  }
0x4f: {  	_ =	shalt  }
0x50: {  	_ =	shalt  }
0x51: {  	_ =	shalt  }
0x52: {  	_ =	shalt  }
0x53: {  	_ =	shalt  }
0x54: {  	_ =	shalt  }
0x55: {  	_ =	shalt  }
0x56: {  	_ =	shalt  }
0x57: {  	_ =	shalt  }
0x58: {  	_ =	shalt  }
0x59: {  	_ =	shalt  }
0x5a: {  	_ =	shalt  }
0x5b: {  	_ =	shalt  }
0x5c: {  	_ =	shalt  }
0x5d: {  	_ =	shalt  }
0x5e: {  	_ =	shalt  }
0x5f: {  	_ =	shalt  }
0x60: {  	_ =	shalt  }
0x61: {  	_ =	shalt  }
0x62: {  	_ =	shalt  }
0x63: {  	_ =	shalt  }
0x64: {  	_ =	shalt  }
0x65: {  	_ =	shalt  }
0x66: {  	_ =	shalt  }
0x67: {  	_ =	shalt  }
0x68: {  	_ =	shalt  }
0x69: {  	_ =	shalt  }
0x6a: {  	_ =	shalt  }
0x6b: {  	_ =	shalt  }
0x6c: {  	_ =	shalt  }
0x6d: {  	_ =	shalt  }
0x6e: {  	_ =	shalt  }
0x6f: {  	_ =	shalt  }
0x70: {  	_ =	shalt  }
0x71: {  	_ =	shalt  }
0x72: {  	_ =	shalt  }
0x73: {  	_ =	shalt  }
0x74: {  	_ =	shalt  }
0x75: {  	_ =	shalt  }
0x76: {  	_ =	shalt  }
0x77: {  	_ =	shalt  }
0x78: {  	_ =	shalt  }
0x79: {  	_ =	shalt  }
0x7a: {  	_ =	shalt  }
0x7b: {  	_ =	shalt  }
0x7c: {  	_ =	shalt  }
0x7d: {  	_ =	shalt  }
0x7e: {  	_ =	shalt  }
0x7f: {  	_ =	shalt  }
0x80: {  	_ =	shalt  }
0x81: {  	_ =	shalt  }
0x82: {  	_ =	shalt  }
0x83: {  	_ =	shalt  }
0x84: {  	_ =	shalt  }
0x85: {  	_ =	shalt  }
0x86: {  	_ =	shalt  }
0x87: {  	_ =	shalt  }
.Lfunc_end0:
.L_simem_size_0:
called_computation.1_lowered:
.L_overlay_start_0:
0x88: {  	s2 =	sld [smem:$0x3FD9]  }
0x89: {  	s3 =	sld [smem:$0x3FFE];
	_ =	sdelay $0x1  }
0x8a: {  	s1 =	srdreg.scid  }
0x8b: {  	s0 =	sand.u32 $0x1, s1  }
0x8c: {  	s16 =	sshll.u32 s0, $0xA;
	s2 =	sadd.s32 s3, s2  }
0x8d: {  	s2 =	sadd.s32 s2, s16  }
0x8e: {  	[smem:$0x3FC0] =	sst s2  }
0x8f: {  	_ = 	snop  }
0x90: {  	(tm) =	ssettm $0x1  }
0x91: {  	s17 =	sld [smem:$0x3FFB];
	_ =	sdelay $0x3  }
0x92: {  	_ =	strace s17  }
0x93: {  	s2 =	sld [smem:$0x3FFC];
	_ =	sdelay $0x3  }
0x94: {  	_ =	strace s2  }
0x95: {  	s2 =	sld [smem:$0x3FFD];
	_ =	sdelay $0x3  }
0x96: {  	_ =	strace s2  }
0x97: {  	_ =	strace $0x8FFFFFFF  }
0x98: {  	s18 =	sld [smem:$0x3FDB];
	_ =	sdelay $0x1  }
0x99: {  	s19 =	simm.s32 $_scs_section_size  }
0x9a: {  	s4 =	simm.s32 $_size__tile_overlayer_lowered;
	s5 =	simm.s32 $_tile_overlayer_lowered  }
0x9b: {  	s22 =	simm.s32 $0x1BFF;
	s21 =	sshll.u32 s5, $0x1;
	s2 =	sadd.s32 s19, s18  }
0x9c: {  	s6 =	simm.s32 $0x0;
	s20 =	sshll.u32 s4, $0x1;
	s4 =	sadd.s32 s21, s2  }
0x9d: {  	[timem:s6], [sflag:s22] =	dma.local [hbm:s4], s20  }
0x9e: {  	_ =	swait.ge [sflag:s22], s20  }
0x9f: {  	s3 =	ssub.s32 $0x0, s20;
	[sflag:s22] =	ssyncset.done $0x0  }
0xa0: {  	[sflag:s22] =	ssyncadd.s32 s3;
	_ =	sdelay $0x1  }
0xa1: {  	s23 =	simm.s32 $0x1B8B  }
0xa2: {  	_ =	swait.ge [sflag:s23], $0x1  }
0xa3: {  	[sflag:s23] =	ssyncset.done $0x0  }
0xa4: {  	s25 =	simm.s32 $0x1B8E;
	s24 =	sld [smem:$0x3FFE];
	[sflag:s23] =	ssyncadd.s32 $0xFFFFFFFF  }
0xa5: {  	s26 =	simm.s32 $execute0_lowered;
	[smem:$0x3FD2] =	sst s25  }
0xa6: {  	s4 =	sshll.u32 s26, $0x1;
	_ =	strace $0x80000049;
	[dreg:$0x1] =	wrdreg $0xFFFFFFFF  }
0xa7: {  	s28 =	simm.s32 $_size_execute0_lowered;
	s2 =	sadd.s32 s2, s4;
	[dreg:$0x0] =	wrdreg $0x0  }
0xa8: {  	s4 =	sshll.u32 s28, $0x1;
	[dreg:$0x2] =	wrdreg s2  }
0xa9: {  	[dreg:$0x3] =	wrdreg s4  }
0xaa: {  	[dreg:$0x4] =	wrdreg $0xC0  }
0xab: {  	_ =	task [dreg:s6], $0x5FFFF  }
0xac: {  	[dreg:$0x1] =	wrdreg $0xFFFFFFFF  }
0xad: {  	[dreg:$0x0] =	wrdreg $0x60  }
0xae: {  	[dreg:$0x2] =	wrdreg s24  }
0xaf: {  	[dreg:$0x3] =	wrdreg $0x90000  }
0xb0: {  	[dreg:$0x4] =	wrdreg $0x9  }
0xb1: {  	_ =	task.clear_ibuf [dreg:s6], $0x5FFFF;
	_ =	strace $0x90000049  }
0xb2: {  	s29 =	simm.s32 $0x9;
	_ =	strace $0x8000004B  }
0xb3: {  	_ =	swait.ge [sflag:s29], $0x1  }
0xb4: {  	[sflag:s29] =	ssyncadd.s32 $0xFFFFFFFF  }
0xb5: {  	_ =	strace $0x9000004B  }
0xb6: {  	_ =	sfence  }
0xb7: {  	s30 =	sld [smem:$0x0];
	_ =	sdelay $0x2  }
0xb8: {  	s31 =	sshll.u32 s1, $0xD;
	s1 =	sshrl.u32 s1, $0x2  }
0xb9: {  	s3 =	sand.u32 $0x4000, s31;
	s1 =	sadd.s32 s1, s30  }
0xba: {  	s0 =	sor.u32 s3, s0;
	s1 =	sshll.u32 s1, $0x11  }
0xbb: {  	s0 =	sor.u32 s1, s0  }
0xbc: {  	s0 =	sadd.s32 $0x8F2B, s0  }
0xbd: {  	[sflag:s0] =	ssyncadd.remote.s32 $0x1  }
0xbe: {  	_ =	sfence.sel $0xFFFF  }
0xbf: {  	[dreg:$0x0] =	wrdreg $0xFFFFFFFF;
	(pc) =	sbr.abs _section_cstart, $3  }
0xc0: {  	[dreg:$0x1] =	wrdreg $0xFFFFFFFF  }
0xc1: {  	_ =	task.clear_ibuf [dreg:s6], $0x2FFFF;
	_ =	strace $0x9FFFFFFF  }
0xc2: {  	(tm) =	ssettm $0x7FFFFFFF  }
0xc3: {  	_ =	shalt  }
tec
execute0_lowered:
.L_overlay_start_1:
0x0: {  	(tag) =	ssettag $0x1  }
0x1: {  	s0 =	rddreg [dreg:$0x0]  }
0x2: {  	s2 =	rddreg [dreg:$0x1];
	s3 =	simm.s32 $0x0  }
0x3: {  	s1 =	srdreg.scid;
	s12 =	stileid.u32;
	s28 =	simm.s32 $0x5  }
0x4: {  	s30 =	simm.s32 $0x80;
	s31 =	simm.s32 $0x4;
	s26 =	smul.u32 $0x50000, s12  }
0x5: {  	[smem:$0x7FF] =	sst s3;
	s1 =	sand.u32 $0x1, s1;
	s9 =	smul.u32 $0x2800, s12  }
0x6: {  	s4 =	sadd.s32 $0x16C00, s0;
	s5 =	sadd.s32 $0xCC00, s0;
	s12 =	smul.u32 $0x14000, s12  }
0x7: {  	s6 =	sadd.s32 $0x2C00, s0;
	s7 =	smul.u32 $0x28000, s1;
	s8 =	ssub.s32 $0x2, s1  }
0x8: {  	s0 =	sadd.s32 $0x3DE00, s0;
	s1 =	smul.u32 $0x140000, s1;
	s10 =	sshrl.u32 s8, $0x1  }
0x9: {  	_ =	strace $0x8000004A;
	s3 =	sshrl.u32 s26, $0x2;
	s11 =	ssub.s32 s8, s10  }
0xa: {  	s7 =	sadd.s32 s9, s7;
	s8 =	sadd.s32 s3, s2;
	s20 =	sadd.s32 s1, s12  }
0xb: {  	s29 =	sshrl.u32 s7, $0x3;
	s18 =	smax.u32 s11, $0x1;
	s19 =	sadd.s32 $0x4000, s8  }
0xc: {  	s13 =	sadd.s32 $0x8000, s8;
	s14 =	sadd.s32 $0xC000, s8;
	s15 =	sadd.s32 $0x10000, s8  }
0xd: {  	s9 =	sshrl.u32 s20, $0x3;
	s20 =	sadd.s32 $0xC000, s12;
	[dreg:$0x5] =	wrdreg s18  }
0xe: {  	s10 =	sadd.s32 s5, s29;
	s3 =	sadd.s32 s6, s29;
	[dreg:$0x6] =	wrdreg s19  }
0xf: {  	s18 =	sadd.s32 $0x4000, s12;
	s16 =	sadd.s32 s0, s9;
	[dreg:$0x3] =	wrdreg s10  }
0x10: {  	s19 =	sadd.s32 $0x8000, s12;
	s24 =	sadd.s32 s20, s2;
	[dreg:$0x4] =	wrdreg s3  }
0x11: {  	s17 =	sadd.s32 s1, s18;
	s22 =	sadd.s32 s18, s2;
	s25 =	sadd.s32 s1, s19  }
0x12: {  	s3 =	sadd.s32 $0x10000, s12;
	s23 =	sadd.s32 s19, s2;
	s24 =	sshrl.u32 s24, $0x3  }
0x13: {  	s21 =	sshrl.u32 s17, $0x3;
	s18 =	sshrl.u32 s25, $0x3;
	s29 =	sadd.s32 s3, s2  }
.Ltmp0:
0x14: {  	s22 =	sshrl.u32 s22, $0x3;
	s23 =	sshrl.u32 s23, $0x3;
	(pc) =	sbr.rel .LBB2_1-.Ltmp0, $4  }
0x15: {  	s17 =	sadd.s32 s0, s21;
	s18 =	sadd.s32 s0, s18;
	s21 =	sadd.s32 s1, s20  }
0x16: {  	s1 =	sadd.s32 s1, s3;
	s25 =	sshrl.u32 s29, $0x3;
	s26 =	sshrl.u32 s21, $0x3  }
0x17: {  	s1 =	sshrl.u32 s1, $0x3;
	s21 =	simm.s32 $0x1000;
	s19 =	sadd.s32 s0, s26  }
0x18: {  	v0 =	vimm.f32 $0.0e+00;
	s20 =	sadd.s32 s0, s1;
	s26 =	simm.s32 $0x1;
	s0 =	simm.s32 $0x0  }
.LBB2_8:
0x19: {  	_ =	swait.ge [sflag:s31], $0x4000  }
0x1a: {  	s1 =	stileid.u32;
	[sflag:s31] =	ssyncset.done $0x0  }
0x1b: {  	s1 =	sshll.u32 s1, $0x6;
	[sflag:s31] =	ssyncadd.s32 $0xFFFFC000  }
0x1c: {  	s3 =	sshrl.u32 s8, $0x3;
	s1 =	sor.u32 $0x1C01, s1;
	[bflag:$0x0] =	sbarrier.arrive $0xFFFF  }
0x1d: {  	[hbm:s16], [sflag:s1] =	dma.local [spmem:s3], $0x800  }
0x1e: {  	[hbm:s17], [sflag:s1] =	dma.local [spmem:s22], $0x800  }
0x1f: {  	[hbm:s18], [sflag:s1] =	dma.local [spmem:s23], $0x800  }
0x20: {  	[hbm:s19], [sflag:s1] =	dma.local [spmem:s24], $0x800  }
0x21: {  	[hbm:s20], [sflag:s1] =	dma.local [spmem:s25], $0x800  }
0x22: {  	_ =	swait.ge [sflag:s26], $0x800  }
0x23: {  	[sflag:s26] =	ssyncset.done $0x0  }
0x24: {  	[sflag:s26] =	ssyncadd.s32 $0xFFFFF800  }
0x25: {  	_ =	swait.ge [sflag:s26], $0x800  }
0x26: {  	[sflag:s26] =	ssyncset.done $0x0  }
0x27: {  	[sflag:s26] =	ssyncadd.s32 $0xFFFFF800  }
0x28: {  	_ =	swait.ge [sflag:s26], $0x800  }
0x29: {  	[sflag:s26] =	ssyncset.done $0x0  }
0x2a: {  	[sflag:s26] =	ssyncadd.s32 $0xFFFFF800  }
0x2b: {  	_ =	swait.ge [sflag:s26], $0x800  }
0x2c: {  	[sflag:s26] =	ssyncset.done $0x0  }
0x2d: {  	[sflag:s26] =	ssyncadd.s32 $0xFFFFF800  }
0x2e: {  	_ =	swait.ge [sflag:s26], $0x800  }
0x2f: {  	s0 =	sadd.s32 $0x1, s0;
	s29 =	rddreg [dreg:$0x5]  }
0x30: {  	p0 =	sne.s32 s0, s29  }
.Ltmp1:
0x31: {  	_ = 	snop;
	(pc) =	sbr.rel @!p0 .LBB2_9-.Ltmp1, $3  }
0x32: {  	_ =	sdelay $0x1  }
0x33: {  	[sflag:s26] =	ssyncset.done $0x0  }
0x34: {  	[sflag:s26] =	ssyncadd.s32 $0xFFFFF800  }
.LBB2_1:
0x35: {  	s3 =	simm.s32 $0x0  }
0x36: {  	s1 =	sand.u32 $0xFE00, s3  }
0x37: {  	s3 =	sand.u32 $0x70, s3;
	s9 =	sshrl.u32 s1, $0x2  }
0x38: {  	s1 =	simm.s32 $0x40;
	s9 =	sor.u32 s3, s9;
	s3 =	simm.s32 $0x0  }
.LBB2_2:
0x39: {  	p0 =	sne.s32 s1, $0xFFC0  }
0x3a: {  	[tilespmem:s9+$0x1000] =	vst v0;
	s3 =	sadd.s32 $0x10, s3;
	s9 =	smov.u32 s1;
	s1 =	sadd.s32 $0x40, s1  }
.Ltmp2:
0x3b: {  	(pc) =	sbr.rel @p0 .LBB2_2-.Ltmp2, $4  }
0x3c: {  	_ = 	snop  }
0x3d: {  	s9 =	sand.u32 $0xFE00, s9  }
0x3e: {  	s29 =	sand.u32 $0x70, s3;
	s9 =	sshrl.u32 s9, $0x2  }
0x3f: {  	s9 =	sor.u32 s29, s9  }
0x40: {  	[tilespmem:s9+$0x1000] =	vst v0  }
0x41: {  	[spmem:s8] =	stream.linear.scatter [tilespmem:s21], [sflag:$0x1], $0x4000, $0x38;
	[tilespmem:$0x1D000] =	vst v63  }
0x42: {  	s1 =	rddreg [dreg:$0x6]  }
0x43: {  	[spmem:s1] =	stream.linear.scatter [tilespmem:s21], [sflag:$0x1], $0x4000, $0x38;
	[tilespmem:$0x1D000] =	vst v63  }
0x44: {  	_ = 	snop  }
0x45: {  	[spmem:s13] =	stream.linear.scatter [tilespmem:s21], [sflag:$0x1], $0x4000, $0x38;
	[tilespmem:$0x1D000] =	vst v63  }
0x46: {  	_ = 	snop  }
0x47: {  	[spmem:s14] =	stream.linear.scatter [tilespmem:s21], [sflag:$0x1], $0x4000, $0x38;
	[tilespmem:$0x1D000] =	vst v63  }
0x48: {  	_ = 	snop  }
0x49: {  	[spmem:s15] =	stream.linear.scatter [tilespmem:s21], [sflag:$0x1], $0x4000, $0x38;
	[tilespmem:$0x1D000] =	vst v63  }
0x4a: {  	_ =	swait.ge [sflag:s26], $0x4000  }
0x4b: {  	[sflag:s26] =	ssyncset.done $0x0  }
0x4c: {  	[sflag:s26] =	ssyncadd.s32 $0xFFFFC000  }
0x4d: {  	_ =	swait.ge [sflag:s26], $0x4000  }
0x4e: {  	[sflag:s26] =	ssyncset.done $0x0  }
0x4f: {  	[sflag:s26] =	ssyncadd.s32 $0xFFFFC000  }
0x50: {  	_ =	swait.ge [sflag:s26], $0x4000  }
0x51: {  	[sflag:s26] =	ssyncset.done $0x0  }
0x52: {  	[sflag:s26] =	ssyncadd.s32 $0xFFFFC000  }
0x53: {  	_ =	swait.ge [sflag:s26], $0x4000  }
0x54: {  	[sflag:s26] =	ssyncset.done $0x0  }
0x55: {  	[sflag:s26] =	ssyncadd.s32 $0xFFFFC000  }
0x56: {  	_ =	swait.ge [sflag:s26], $0x4000  }
0x57: {  	[sflag:s26] =	ssyncset.done $0x0  }
0x58: {  	[sflag:s26] =	ssyncadd.s32 $0xFFFFC000  }
0x59: {  	[bflag:$0x0] =	sbarrier.arrive $0xFFFF  }
0x5a: {  	s1 =	simm.s32 $0x0;
	s3 =	rddreg [dreg:$0x3]  }
0x5b: {  	[tilespmem:s1], [sflag:$0x5] =	stream.linear.gather [hbm4b:s3+s1], $0x400, $0x38;
	[tilespmem:$0x1D000] =	vst v63  }
0x5c: {  	_ =	swait.ge [sflag:s28], $0x400  }
0x5d: {  	[sflag:s28] =	ssyncset.done $0x0  }
0x5e: {  	s29 =	simm.s32 $0x800;
	s12 =	rddreg [dreg:$0x4];
	[sflag:s28] =	ssyncadd.s32 $0xFFFFFC00  }
0x5f: {  	[tilespmem:s29], [sflag:$0x5] =	stream.linear.gather [hbm4b:s12+s1], $0x400, $0x38;
	[tilespmem:$0x1D000] =	vst v63  }
.Ltmp3:
0x60: {  	_ = 	snop;
	(pc) =	sbr.rel .LBB2_4-.Ltmp3, $4  }
0x61: {  	_ =	swait.ge [sflag:s28], $0x400  }
0x62: {  	[sflag:s28] =	ssyncset.done $0x0  }
0x63: {  	[sflag:s28] =	ssyncadd.s32 $0xFFFFFC00  }
0x64: {  	[tilespmem:s21], [sflag:$0x1] =	stream.indirect.gather [hbm4b:s4+s30], $0x80, s1, s30, $0xb8;
	[tilespmem:$0x1D000] =	vst v63  }
.LBB2_6:
0x65: {  	s1 =	sadd.s32 @p0 $0x1, s1  }
0x66: {  	s1 =	simm.s32 @!p0 $0x1  }
0x67: {  	s10 =	sand.u32 $0x1, s1  }
0x68: {  	s9 =	simm.s32 @!p0 $0x0;
	s12 =	sshll.u32 s1, $0x7;
	s11 =	sshll.u32 s10, $0xE  }
0x69: {  	s12 =	sand.u32 $0x780, s12;
	s10 =	sadd.s32 $0x1, s10;
	s11 =	sor.u32 $0x1000, s11  }
0x6a: {  	[tilespmem:s11], [sflag:s10] =	stream.indirect.gather [hbm4b:s4+s30], $0x80, s12, s30, $0xb8;
	[tilespmem:$0x1D000] =	vst v63  }
.LBB2_7:
0x6b: {  	s10 =	sshll.u32 s9, $0xE;
	p0 =	slt.u32 s1, $0x50  }
.Ltmp4:
0x6c: {  	s11 =	sadd.s32 $0x1, s9;
	s3 =	sshll.u32 s3, $0xA;
	(pc) =	sbr.rel @!p0 .LBB2_8-.Ltmp4, $4  }
0x6d: {  	s12 =	sshll.u32 s29, $0x7;
	_ =	swait.ge [sflag:s11], $0x4000;
	s3 =	sand.u32 $0x400, s3  }
0x6e: {  	s29 =	sadd.s32 $0x3, s9;
	[sflag:s11] =	ssyncset.done $0x0;
	s3 =	sor.u32 s12, s3  }
0x6f: {  	s10 =	sor.u32 $0x1000, s10;
	[sflag:s11] =	ssyncadd.s32 $0xFFFFC000;
	s3 =	sor.u32 $0x800, s3  }
0x70: {  	[spmem:s2] =	stream.indirect.scatter.add.f32 [tilespmem:s10], [sflag:s29], $0x80, s3, s30, $0xb8;
	[tilespmem:$0x1D000] =	vst v63  }
.LBB2_4:
0x71: {  	s29 =	sand.u32 $0x7, s1;
	p0 =	sgt.u32 s1, $0x47  }
0x72: {  	p1 =	sne.s32 @!p0 s29, $0x0  }
0x73: {  	s3 =	sshrl.u32 s1, $0x3;
	p1 =	por p0, p1  }
0x74: {  	s9 =	sshll.u32 @!p1 s3, $0xA  }
0x75: {  	s9 =	sadd.s32 @!p1 $0x400, s9  }
0x76: {  	s10 =	sadd.s32 @!p1 s7, s9  }
0x77: {  	s10 =	sshrl.u32 @!p1 s10, $0x3  }
0x78: {  	s12 =	simm.s32 @!p1 $0x0;
	s9 =	sand.u32 @!p1 $0x400, s9;
	s11 =	sadd.s32 @!p1 s5, s10  }
0x79: {  	[tilespmem:s9], [sflag:$0x5] =	stream.linear.gather @!p1 [hbm4b:s11+s12], $0x400, $0x38;
	[tilespmem:$0x1D000] =	vst v63  }
0x7a: {  	s11 =	simm.s32 @!p1 $0x5  }
0x7b: {  	_ =	swait.ge @!p1 [sflag:s11], $0x400  }
0x7c: {  	[sflag:s11] =	ssyncset.done @!p1 $0x0  }
0x7d: {  	s10 =	sadd.s32 @!p1 s6, s10;
	s9 =	sor.u32 @!p1 $0x800, s9;
	[sflag:s11] =	ssyncadd.s32 @!p1 $0xFFFFFC00  }
0x7e: {  	[tilespmem:s9], [sflag:$0x5] =	stream.linear.gather @!p1 [hbm4b:s10+s12], $0x400, $0x38;
	[tilespmem:$0x1D000] =	vst v63  }
0x7f: {  	p0 =	seq.s32 @!p1 s1, $0x0;
	_ =	swait.ge @!p1 [sflag:s11], $0x400  }
0x80: {  	p0 =	por p1, !p0;
	[sflag:s11] =	ssyncset.done @!p1 $0x0  }
0x81: {  	[sflag:s11] =	ssyncadd.s32 @!p1 $0xFFFFFC00;
	p1 =	seq.s32 @p0 s1, $0x4F  }
0x82: {  	s9 =	sand.u32 @p0 $0x1, s1;
	p1 =	por !p0, !p1  }
.Ltmp5:
0x83: {  	s10 =	sxor.u32 @p0 $0x1, s9;
	(pc) =	sbr.rel @p1 .LBB2_6-.Ltmp5, $4  }
0x84: {  	s10 =	sadd.s32 @p0 $0x3, s10  }
0x85: {  	_ =	swait.ge @p0 [sflag:s10], $0x4000  }
0x86: {  	[sflag:s10] =	ssyncset.done @p0 $0x0  }
0x87: {  	[sflag:s10] =	ssyncadd.s32 @p0 $0xFFFFC000  }
.Ltmp6:
0x88: {  	(pc) =	sbr.rel .LBB2_7-.Ltmp6, $2  }
0x89: {  	_ =	sdelay $0x2  }
0x8a: {  	s1 =	simm.s32 @p0 $0x50;
	s9 =	simm.s32 @p0 $0x1  }
.LBB2_9:
0x8b: {  	_ =	sfence.sel $0x180000  }
0x8c: {  	[bflag:$0x0] =	sbarrier.arrive $0xFFFF  }
0x8d: {  	_ =	strace $0x9000004A  }
0x8e: {  	s0 =	stileid.u32;
	[bflag:$0x2] =	sbarrier.arrive $0xFFFF  }
0x8f: {  	p0 =	sne.s32 s0, $0x0;
	s0 =	rddreg [dreg:$0x2]  }
0x90: {  	s0 =	sadd.s32 @!p0 $0x100000, s0  }
0x91: {  	[sflag:s0] =	ssyncadd.tile.s32 @!p0 $0x1;
	_ =	shalt  }
.Lfunc_end2:
_tile_overlayer_lowered:
.L_overlay_start_2:
0x92: {  	(tag) =	ssettag $0x2  }
0x93: {  	s0 =	rddreg [dreg:$0x0];
	s2 =	stileid.u32  }
0x94: {  	s1 =	rddreg [dreg:$0x1];
	p0 =	sne.s32 s2, $0x0  }
0x95: {  	s3 =	rddreg [dreg:$0x2];
	[bflag:$0x3] =	sbarrier.arrive $0xFFFF;
	s2 =	simm.s32 @!p0 $0x1C05  }
0x96: {  	[timem:s3], [sflag:s2] =	dma.local @!p0 [hbm:s0], s1  }
0x97: {  	s0 =	simm.s32 @!p0 $0x5  }
0x98: {  	_ =	swait.ge @!p0 [sflag:s0], s1  }
0x99: {  	s1 =	ssub.s32 @!p0 $0x0, s1;
	[sflag:s0] =	ssyncset.done @!p0 $0x0  }
0x9a: {  	[sflag:s0] =	ssyncadd.s32 @!p0 s1  }
0x9b: {  	[bflag:$0x3] =	sbarrier.arrive $0xFFFF  }
0x9c: {  	_ =	shalt  }

// kernel: kernel.15.cloned.1.call-start
scs
__scs_entry_jumppad:
0x0: {  	(pc) =	sbr.rel $0x88, $3  }
0x1: {  	(tag) =	ssettag $0x0;
	lr =	simm.s32 $0x1  }
0x2: {  	[smem:$0x3F99] =	sst lr;
	_ =	strace $0xD0000000  }
0x3: {  	_ = 	snop  }
0x4: {  	_ = 	snop  }
0x5: {  	_ = 	snop  }
0x6: {  	_ = 	snop  }
0x7: {  	_ = 	snop  }
__scs_overlays_trampoline_lowered:
0x8: {  	[smem:$0x3FA8] =	sst s0  }
0x9: {  	[smem:$0x3FA9] =	sst s1  }
0xa: {  	[smem:$0x3FAA] =	sst s2  }
0xb: {  	[smem:$0x3FAB] =	sst s3  }
0xc: {  	[smem:$0x3FAC] =	sst s4  }
0xd: {  	[smem:$0x3FAD] =	sst s5  }
0xe: {  	[smem:$0x3FAE] =	sst s6  }
0xf: {  	[smem:$0x3FAF] =	sst s7  }
0x10: {  	[smem:$0x3FB0] =	sst s8  }
0x11: {  	[smem:$0x3FB1] =	sst s9;
	s0 =	simm.s32 @!p0 $0x0  }
0x12: {  	s1 =	sld [smem:$0x3F97];
	s0 =	simm.s32 @p0 $0x1  }
0x13: {  	[smem:$0x3FB2] =	sst s0;
	s0 =	simm.s32 @!p1 $0x0  }
0x14: {  	s2 =	sld [smem:$0x3F96];
	s0 =	simm.s32 @p1 $0x1  }
0x15: {  	[smem:$0x3FB3] =	sst s0;
	s0 =	simm.s32 @!p2 $0x0  }
0x16: {  	s3 =	sld [smem:$0x3FDB];
	s0 =	simm.s32 @p2 $0x1  }
0x17: {  	s4 =	simm.s32 $0x1BF5;
	[smem:$0x3FB5] =	sst s0  }
0x18: {  	s0 =	sld [smem:$0x3F98];
	_ =	swait.ge [sflag:s4], $0x0  }
0x19: {  	s7 =	sld [smem:$0x3F99]  }
0x1a: {  	s8 =	sadd.s32 $0xFFFFE003, lr  }
0x1b: {  	s9 =	sadd.s32 $0xFFFFFEF7, lr;
	s5 =	simm.s32 $0xFFFFFFFF;
	p2 =	slt.u32 s8, $0xFFFFF086  }
0x1c: {  	p1 =	slt.u32 s9, $0xF7A;
	s5 =	simm.s32 @!p2 $0x0  }
0x1d: {  	s5 =	simm.s32 @p1 $0x1;
	p0 =	seq.s32 s7, s2  }
0x1e: {  	s7 =	smul.u32 @!p0 $0xF7A, s2;
	p2 =	seq.s32 @!p0 s5, $0x0  }
0x1f: {  	s9 =	smul.u32 $0xF7A, s1;
	s8 =	simm.s32 @!p0 $0x1BF5;
	p2 =	por !p2, p0  }
0x20: {  	[sflag:s8] =	ssyncset.s32 @!p0 $0xFFFFF086;
	s6 =	sadd.s32 @!p0 s3, s7;
	s7 =	simm.s32 @!p0 $0x108  }
0x21: {  	s3 =	sadd.s32 s3, s9;
	s6 =	sadd.s32 @!p0 $0x88, s6;
	s7 =	simm.s32 @p2 $0x1082  }
0x22: {  	[simem:s7], [sflag:s8] =	dma.local @!p0 [hbm:s6], $0xF7A  }
0x23: {  	s9 =	sor.u32 $0xD0000000, s2;
	s6 =	simm.s32 $0x108;
	_ =	swait.ge @!p0 [sflag:s8], $0x0  }
0x24: {  	s3 =	sadd.s32 $0x88, s3;
	s6 =	simm.s32 @!p1 $0x1082;
	[sflag:s4] =	ssyncset.s32 $0xFFFFF086  }
0x25: {  	[simem:s6], [sflag:s4] =	dma.local [hbm:s3], $0xF7A  }
0x26: {  	[smem:$0x3F99] =	sst s1;
	(tag) =	ssettag s2;
	_ =	strace s9  }
0x27: {  	s1 =	sld [smem:$0x3FA9]  }
0x28: {  	s2 =	sld [smem:$0x3FAA]  }
0x29: {  	s4 =	sld [smem:$0x3FAC]  }
0x2a: {  	p0 =	seq.s32 s5, $0x0;
	s5 =	sld [smem:$0x3FAD]  }
0x2b: {  	s6 =	sld [smem:$0x3FAE]  }
0x2c: {  	s7 =	sld [smem:$0x3FAF]  }
0x2d: {  	s3 =	simm.s32 $0x108;
	s8 =	sld [smem:$0x3FB0]  }
0x2e: {  	s3 =	simm.s32 @!p0 $0x1082;
	s9 =	sld [smem:$0x3FB1]  }
0x2f: {  	lr =	sadd.s32 s0, s3;
	s0 =	sld [smem:$0x3FA8]  }
0x30: {  	s3 =	sld [smem:$0x3FAB]  }
0x31: {  	[smem:$0x3FB4] =	sst s10  }
0x32: {  	s10 =	sld [smem:$0x3FB2];
	_ =	sdelay $0x3  }
0x33: {  	p0 =	seq.s32 s10, $0x1;
	s10 =	sld [smem:$0x3FB4];
	_ =	sdelay $0x3  }
0x34: {  	[smem:$0x3FB4] =	sst s10  }
0x35: {  	s10 =	sld [smem:$0x3FB3];
	_ =	sdelay $0x3  }
0x36: {  	p1 =	seq.s32 s10, $0x1;
	s10 =	sld [smem:$0x3FB4];
	_ =	sdelay $0x3  }
0x37: {  	[smem:$0x3FB4] =	sst s10  }
0x38: {  	s10 =	sld [smem:$0x3FB5]  }
0x39: {  	_ = 	snop;
	(pc) =	sbr.ind lr, $3  }
0x3a: {  	_ = 	snop  }
0x3b: {  	_ = 	snop  }
0x3c: {  	p2 =	seq.s32 s10, $0x1;
	s10 =	sld [smem:$0x3FB4]  }
0x3d: {  	_ =	shalt  }
0x3e: {  	_ =	shalt  }
0x3f: {  	_ =	shalt  }
0x40: {  	_ =	shalt  }
0x41: {  	_ =	shalt  }
0x42: {  	_ =	shalt  }
0x43: {  	_ =	shalt  }
0x44: {  	_ =	shalt  }
0x45: {  	_ =	shalt  }
0x46: {  	_ =	shalt  }
0x47: {  	_ =	shalt  }
0x48: {  	_ =	shalt  }
0x49: {  	_ =	shalt  }
0x4a: {  	_ =	shalt  }
0x4b: {  	_ =	shalt  }
0x4c: {  	_ =	shalt  }
0x4d: {  	_ =	shalt  }
0x4e: {  	_ =	shalt  }
0x4f: {  	_ =	shalt  }
0x50: {  	_ =	shalt  }
0x51: {  	_ =	shalt  }
0x52: {  	_ =	shalt  }
0x53: {  	_ =	shalt  }
0x54: {  	_ =	shalt  }
0x55: {  	_ =	shalt  }
0x56: {  	_ =	shalt  }
0x57: {  	_ =	shalt  }
0x58: {  	_ =	shalt  }
0x59: {  	_ =	shalt  }
0x5a: {  	_ =	shalt  }
0x5b: {  	_ =	shalt  }
0x5c: {  	_ =	shalt  }
0x5d: {  	_ =	shalt  }
0x5e: {  	_ =	shalt  }
0x5f: {  	_ =	shalt  }
0x60: {  	_ =	shalt  }
0x61: {  	_ =	shalt  }
0x62: {  	_ =	shalt  }
0x63: {  	_ =	shalt  }
0x64: {  	_ =	shalt  }
0x65: {  	_ =	shalt  }
0x66: {  	_ =	shalt  }
0x67: {  	_ =	shalt  }
0x68: {  	_ =	shalt  }
0x69: {  	_ =	shalt  }
0x6a: {  	_ =	shalt  }
0x6b: {  	_ =	shalt  }
0x6c: {  	_ =	shalt  }
0x6d: {  	_ =	shalt  }
0x6e: {  	_ =	shalt  }
0x6f: {  	_ =	shalt  }
0x70: {  	_ =	shalt  }
0x71: {  	_ =	shalt  }
0x72: {  	_ =	shalt  }
0x73: {  	_ =	shalt  }
0x74: {  	_ =	shalt  }
0x75: {  	_ =	shalt  }
0x76: {  	_ =	shalt  }
0x77: {  	_ =	shalt  }
0x78: {  	_ =	shalt  }
0x79: {  	_ =	shalt  }
0x7a: {  	_ =	shalt  }
0x7b: {  	_ =	shalt  }
0x7c: {  	_ =	shalt  }
0x7d: {  	_ =	shalt  }
0x7e: {  	_ =	shalt  }
0x7f: {  	_ =	shalt  }
0x80: {  	_ =	shalt  }
0x81: {  	_ =	shalt  }
0x82: {  	_ =	shalt  }
0x83: {  	_ =	shalt  }
0x84: {  	_ =	shalt  }
0x85: {  	_ =	shalt  }
0x86: {  	_ =	shalt  }
0x87: {  	_ =	shalt  }
.Lfunc_end0:
.L_simem_size_0:
called_computation.2_lowered:
.L_overlay_start_0:
0x88: {  	s2 =	sld [smem:$0x3FD9]  }
0x89: {  	s3 =	sld [smem:$0x3FFE];
	_ =	sdelay $0x1  }
0x8a: {  	s1 =	srdreg.scid  }
0x8b: {  	s0 =	sand.u32 $0x1, s1  }
0x8c: {  	s16 =	sshll.u32 s0, $0xA;
	s2 =	sadd.s32 s3, s2  }
0x8d: {  	s2 =	sadd.s32 s2, s16  }
0x8e: {  	[smem:$0x3FC0] =	sst s2  }
0x8f: {  	_ = 	snop  }
0x90: {  	(tm) =	ssettm $0x1  }
0x91: {  	s17 =	sld [smem:$0x3FFB];
	_ =	sdelay $0x3  }
0x92: {  	_ =	strace s17  }
0x93: {  	s2 =	sld [smem:$0x3FFC];
	_ =	sdelay $0x3  }
0x94: {  	_ =	strace s2  }
0x95: {  	s2 =	sld [smem:$0x3FFD];
	_ =	sdelay $0x3  }
0x96: {  	_ =	strace s2  }
0x97: {  	_ =	strace $0x8FFFFFFF  }
0x98: {  	s18 =	sld [smem:$0x3FDB];
	_ =	sdelay $0x1  }
0x99: {  	s19 =	simm.s32 $_scs_section_size  }
0x9a: {  	s4 =	simm.s32 $_size__tile_overlayer_lowered;
	s5 =	simm.s32 $_tile_overlayer_lowered  }
0x9b: {  	s22 =	simm.s32 $0x1BFF;
	s21 =	sshll.u32 s5, $0x1;
	s2 =	sadd.s32 s19, s18  }
0x9c: {  	s6 =	simm.s32 $0x0;
	s20 =	sshll.u32 s4, $0x1;
	s4 =	sadd.s32 s21, s2  }
0x9d: {  	[timem:s6], [sflag:s22] =	dma.local [hbm:s4], s20  }
0x9e: {  	_ =	swait.ge [sflag:s22], s20  }
0x9f: {  	s3 =	ssub.s32 $0x0, s20;
	[sflag:s22] =	ssyncset.done $0x0  }
0xa0: {  	[sflag:s22] =	ssyncadd.s32 s3;
	_ =	sdelay $0x1  }
0xa1: {  	s23 =	simm.s32 $0x1B8B  }
0xa2: {  	_ =	swait.ge [sflag:s23], $0x1  }
0xa3: {  	[sflag:s23] =	ssyncset.done $0x0  }
0xa4: {  	s25 =	simm.s32 $0x1B8E;
	s24 =	sld [smem:$0x3FFE];
	[sflag:s23] =	ssyncadd.s32 $0xFFFFFFFF  }
0xa5: {  	s26 =	simm.s32 $execute0_lowered;
	[smem:$0x3FD2] =	sst s25  }
0xa6: {  	s4 =	sshll.u32 s26, $0x1;
	_ =	strace $0x8000004C;
	[dreg:$0x1] =	wrdreg $0xFFFFFFFF  }
0xa7: {  	s28 =	simm.s32 $_size_execute0_lowered;
	s2 =	sadd.s32 s2, s4;
	[dreg:$0x0] =	wrdreg $0x0  }
0xa8: {  	s4 =	sshll.u32 s28, $0x1;
	[dreg:$0x2] =	wrdreg s2  }
0xa9: {  	[dreg:$0x3] =	wrdreg s4  }
0xaa: {  	[dreg:$0x4] =	wrdreg $0xC0  }
0xab: {  	_ =	task [dreg:s6], $0x5FFFF  }
0xac: {  	[dreg:$0x1] =	wrdreg $0xFFFFFFFF  }
0xad: {  	[dreg:$0x0] =	wrdreg $0x60  }
0xae: {  	[dreg:$0x2] =	wrdreg s24  }
0xaf: {  	[dreg:$0x3] =	wrdreg $0x90000  }
0xb0: {  	[dreg:$0x4] =	wrdreg $0x9  }
0xb1: {  	_ =	task.clear_ibuf [dreg:s6], $0x5FFFF;
	_ =	strace $0x9000004C  }
0xb2: {  	s29 =	simm.s32 $0x9;
	_ =	strace $0x8000004E  }
0xb3: {  	_ =	swait.ge [sflag:s29], $0x1  }
0xb4: {  	[sflag:s29] =	ssyncadd.s32 $0xFFFFFFFF  }
0xb5: {  	_ =	strace $0x9000004E  }
0xb6: {  	_ =	sfence  }
0xb7: {  	s30 =	sld [smem:$0x0];
	_ =	sdelay $0x2  }
0xb8: {  	s31 =	sshll.u32 s1, $0xD;
	s1 =	sshrl.u32 s1, $0x2  }
0xb9: {  	s3 =	sand.u32 $0x4000, s31;
	s1 =	sadd.s32 s1, s30  }
0xba: {  	s0 =	sor.u32 s3, s0;
	s1 =	sshll.u32 s1, $0x11  }
0xbb: {  	s0 =	sor.u32 s1, s0  }
0xbc: {  	s0 =	sadd.s32 $0x8F2B, s0  }
0xbd: {  	[sflag:s0] =	ssyncadd.remote.s32 $0x1  }
0xbe: {  	_ =	sfence.sel $0xFFFF  }
0xbf: {  	[dreg:$0x0] =	wrdreg $0xFFFFFFFF;
	(pc) =	sbr.abs _section_cstart, $3  }
0xc0: {  	[dreg:$0x1] =	wrdreg $0xFFFFFFFF  }
0xc1: {  	_ =	task.clear_ibuf [dreg:s6], $0x2FFFF;
	_ =	strace $0x9FFFFFFF  }
0xc2: {  	(tm) =	ssettm $0x7FFFFFFF  }
0xc3: {  	_ =	shalt  }
tec
execute0_lowered:
.L_overlay_start_1:
0x0: {  	(tag) =	ssettag $0x1  }
0x1: {  	s0 =	rddreg [dreg:$0x0]  }
0x2: {  	s2 =	rddreg [dreg:$0x1];
	s3 =	simm.s32 $0x0  }
0x3: {  	s1 =	srdreg.scid;
	s12 =	stileid.u32;
	s28 =	simm.s32 $0x5  }
0x4: {  	s30 =	simm.s32 $0x80;
	s31 =	simm.s32 $0x4;
	s26 =	smul.u32 $0x50000, s12  }
0x5: {  	[smem:$0x7FF] =	sst s3;
	s1 =	sand.u32 $0x1, s1;
	s9 =	smul.u32 $0x2800, s12  }
0x6: {  	s4 =	sadd.s32 $0x16C00, s0;
	s5 =	sadd.s32 $0xCC00, s0;
	s12 =	smul.u32 $0x14000, s12  }
0x7: {  	s6 =	sadd.s32 $0x2C00, s0;
	s7 =	smul.u32 $0x28000, s1;
	s8 =	ssub.s32 $0x2, s1  }
0x8: {  	s0 =	sadd.s32 $0x3DE00, s0;
	s1 =	smul.u32 $0x140000, s1;
	s10 =	sshrl.u32 s8, $0x1  }
0x9: {  	_ =	strace $0x8000004D;
	s3 =	sshrl.u32 s26, $0x2;
	s11 =	ssub.s32 s8, s10  }
0xa: {  	s7 =	sadd.s32 s9, s7;
	s8 =	sadd.s32 s3, s2;
	s20 =	sadd.s32 s1, s12  }
0xb: {  	s29 =	sshrl.u32 s7, $0x3;
	s18 =	smax.u32 s11, $0x1;
	s19 =	sadd.s32 $0x4000, s8  }
0xc: {  	s13 =	sadd.s32 $0x8000, s8;
	s14 =	sadd.s32 $0xC000, s8;
	s15 =	sadd.s32 $0x10000, s8  }
0xd: {  	s9 =	sshrl.u32 s20, $0x3;
	s20 =	sadd.s32 $0xC000, s12;
	[dreg:$0x5] =	wrdreg s18  }
0xe: {  	s10 =	sadd.s32 s5, s29;
	s3 =	sadd.s32 s6, s29;
	[dreg:$0x6] =	wrdreg s19  }
0xf: {  	s18 =	sadd.s32 $0x4000, s12;
	s16 =	sadd.s32 s0, s9;
	[dreg:$0x3] =	wrdreg s10  }
0x10: {  	s19 =	sadd.s32 $0x8000, s12;
	s24 =	sadd.s32 s20, s2;
	[dreg:$0x4] =	wrdreg s3  }
0x11: {  	s17 =	sadd.s32 s1, s18;
	s22 =	sadd.s32 s18, s2;
	s25 =	sadd.s32 s1, s19  }
0x12: {  	s3 =	sadd.s32 $0x10000, s12;
	s23 =	sadd.s32 s19, s2;
	s24 =	sshrl.u32 s24, $0x3  }
0x13: {  	s21 =	sshrl.u32 s17, $0x3;
	s18 =	sshrl.u32 s25, $0x3;
	s29 =	sadd.s32 s3, s2  }
.Ltmp0:
0x14: {  	s22 =	sshrl.u32 s22, $0x3;
	s23 =	sshrl.u32 s23, $0x3;
	(pc) =	sbr.rel .LBB2_1-.Ltmp0, $4  }
0x15: {  	s17 =	sadd.s32 s0, s21;
	s18 =	sadd.s32 s0, s18;
	s21 =	sadd.s32 s1, s20  }
0x16: {  	s1 =	sadd.s32 s1, s3;
	s25 =	sshrl.u32 s29, $0x3;
	s26 =	sshrl.u32 s21, $0x3  }
0x17: {  	s1 =	sshrl.u32 s1, $0x3;
	s21 =	simm.s32 $0x1000;
	s19 =	sadd.s32 s0, s26  }
0x18: {  	v0 =	vimm.f32 $0.0e+00;
	s20 =	sadd.s32 s0, s1;
	s26 =	simm.s32 $0x1;
	s0 =	simm.s32 $0x0  }
.LBB2_8:
0x19: {  	_ =	swait.ge [sflag:s31], $0x4000  }
0x1a: {  	s1 =	stileid.u32;
	[sflag:s31] =	ssyncset.done $0x0  }
0x1b: {  	s1 =	sshll.u32 s1, $0x6;
	[sflag:s31] =	ssyncadd.s32 $0xFFFFC000  }
0x1c: {  	s3 =	sshrl.u32 s8, $0x3;
	s1 =	sor.u32 $0x1C01, s1;
	[bflag:$0x0] =	sbarrier.arrive $0xFFFF  }
0x1d: {  	[hbm:s16], [sflag:s1] =	dma.local [spmem:s3], $0x800  }
0x1e: {  	[hbm:s17], [sflag:s1] =	dma.local [spmem:s22], $0x800  }
0x1f: {  	[hbm:s18], [sflag:s1] =	dma.local [spmem:s23], $0x800  }
0x20: {  	[hbm:s19], [sflag:s1] =	dma.local [spmem:s24], $0x800  }
0x21: {  	[hbm:s20], [sflag:s1] =	dma.local [spmem:s25], $0x800  }
0x22: {  	_ =	swait.ge [sflag:s26], $0x800  }
0x23: {  	[sflag:s26] =	ssyncset.done $0x0  }
0x24: {  	[sflag:s26] =	ssyncadd.s32 $0xFFFFF800  }
0x25: {  	_ =	swait.ge [sflag:s26], $0x800  }
0x26: {  	[sflag:s26] =	ssyncset.done $0x0  }
0x27: {  	[sflag:s26] =	ssyncadd.s32 $0xFFFFF800  }
0x28: {  	_ =	swait.ge [sflag:s26], $0x800  }
0x29: {  	[sflag:s26] =	ssyncset.done $0x0  }
0x2a: {  	[sflag:s26] =	ssyncadd.s32 $0xFFFFF800  }
0x2b: {  	_ =	swait.ge [sflag:s26], $0x800  }
0x2c: {  	[sflag:s26] =	ssyncset.done $0x0  }
0x2d: {  	[sflag:s26] =	ssyncadd.s32 $0xFFFFF800  }
0x2e: {  	_ =	swait.ge [sflag:s26], $0x800  }
0x2f: {  	s0 =	sadd.s32 $0x1, s0;
	s29 =	rddreg [dreg:$0x5]  }
0x30: {  	p0 =	sne.s32 s0, s29  }
.Ltmp1:
0x31: {  	_ = 	snop;
	(pc) =	sbr.rel @!p0 .LBB2_9-.Ltmp1, $3  }
0x32: {  	_ =	sdelay $0x1  }
0x33: {  	[sflag:s26] =	ssyncset.done $0x0  }
0x34: {  	[sflag:s26] =	ssyncadd.s32 $0xFFFFF800  }
.LBB2_1:
0x35: {  	s3 =	simm.s32 $0x0  }
0x36: {  	s1 =	sand.u32 $0xFE00, s3  }
0x37: {  	s3 =	sand.u32 $0x70, s3;
	s9 =	sshrl.u32 s1, $0x2  }
0x38: {  	s1 =	simm.s32 $0x40;
	s9 =	sor.u32 s3, s9;
	s3 =	simm.s32 $0x0  }
.LBB2_2:
0x39: {  	p0 =	sne.s32 s1, $0xFFC0  }
0x3a: {  	[tilespmem:s9+$0x1000] =	vst v0;
	s3 =	sadd.s32 $0x10, s3;
	s9 =	smov.u32 s1;
	s1 =	sadd.s32 $0x40, s1  }
.Ltmp2:
0x3b: {  	(pc) =	sbr.rel @p0 .LBB2_2-.Ltmp2, $4  }
0x3c: {  	_ = 	snop  }
0x3d: {  	s9 =	sand.u32 $0xFE00, s9  }
0x3e: {  	s29 =	sand.u32 $0x70, s3;
	s9 =	sshrl.u32 s9, $0x2  }
0x3f: {  	s9 =	sor.u32 s29, s9  }
0x40: {  	[tilespmem:s9+$0x1000] =	vst v0  }
0x41: {  	[spmem:s8] =	stream.linear.scatter [tilespmem:s21], [sflag:$0x1], $0x4000, $0x38;
	[tilespmem:$0x1D000] =	vst v63  }
0x42: {  	s1 =	rddreg [dreg:$0x6]  }
0x43: {  	[spmem:s1] =	stream.linear.scatter [tilespmem:s21], [sflag:$0x1], $0x4000, $0x38;
	[tilespmem:$0x1D000] =	vst v63  }
0x44: {  	_ = 	snop  }
0x45: {  	[spmem:s13] =	stream.linear.scatter [tilespmem:s21], [sflag:$0x1], $0x4000, $0x38;
	[tilespmem:$0x1D000] =	vst v63  }
0x46: {  	_ = 	snop  }
0x47: {  	[spmem:s14] =	stream.linear.scatter [tilespmem:s21], [sflag:$0x1], $0x4000, $0x38;
	[tilespmem:$0x1D000] =	vst v63  }
0x48: {  	_ = 	snop  }
0x49: {  	[spmem:s15] =	stream.linear.scatter [tilespmem:s21], [sflag:$0x1], $0x4000, $0x38;
	[tilespmem:$0x1D000] =	vst v63  }
0x4a: {  	_ =	swait.ge [sflag:s26], $0x4000  }
0x4b: {  	[sflag:s26] =	ssyncset.done $0x0  }
0x4c: {  	[sflag:s26] =	ssyncadd.s32 $0xFFFFC000  }
0x4d: {  	_ =	swait.ge [sflag:s26], $0x4000  }
0x4e: {  	[sflag:s26] =	ssyncset.done $0x0  }
0x4f: {  	[sflag:s26] =	ssyncadd.s32 $0xFFFFC000  }
0x50: {  	_ =	swait.ge [sflag:s26], $0x4000  }
0x51: {  	[sflag:s26] =	ssyncset.done $0x0  }
0x52: {  	[sflag:s26] =	ssyncadd.s32 $0xFFFFC000  }
0x53: {  	_ =	swait.ge [sflag:s26], $0x4000  }
0x54: {  	[sflag:s26] =	ssyncset.done $0x0  }
0x55: {  	[sflag:s26] =	ssyncadd.s32 $0xFFFFC000  }
0x56: {  	_ =	swait.ge [sflag:s26], $0x4000  }
0x57: {  	[sflag:s26] =	ssyncset.done $0x0  }
0x58: {  	[sflag:s26] =	ssyncadd.s32 $0xFFFFC000  }
0x59: {  	[bflag:$0x0] =	sbarrier.arrive $0xFFFF  }
0x5a: {  	s1 =	simm.s32 $0x0;
	s3 =	rddreg [dreg:$0x3]  }
0x5b: {  	[tilespmem:s1], [sflag:$0x5] =	stream.linear.gather [hbm4b:s3+s1], $0x400, $0x38;
	[tilespmem:$0x1D000] =	vst v63  }
0x5c: {  	_ =	swait.ge [sflag:s28], $0x400  }
0x5d: {  	[sflag:s28] =	ssyncset.done $0x0  }
0x5e: {  	s29 =	simm.s32 $0x800;
	s12 =	rddreg [dreg:$0x4];
	[sflag:s28] =	ssyncadd.s32 $0xFFFFFC00  }
0x5f: {  	[tilespmem:s29], [sflag:$0x5] =	stream.linear.gather [hbm4b:s12+s1], $0x400, $0x38;
	[tilespmem:$0x1D000] =	vst v63  }
.Ltmp3:
0x60: {  	_ = 	snop;
	(pc) =	sbr.rel .LBB2_4-.Ltmp3, $4  }
0x61: {  	_ =	swait.ge [sflag:s28], $0x400  }
0x62: {  	[sflag:s28] =	ssyncset.done $0x0  }
0x63: {  	[sflag:s28] =	ssyncadd.s32 $0xFFFFFC00  }
0x64: {  	[tilespmem:s21], [sflag:$0x1] =	stream.indirect.gather [hbm4b:s4+s30], $0x80, s1, s30, $0xb8;
	[tilespmem:$0x1D000] =	vst v63  }
.LBB2_6:
0x65: {  	s1 =	sadd.s32 @p0 $0x1, s1  }
0x66: {  	s1 =	simm.s32 @!p0 $0x1  }
0x67: {  	s10 =	sand.u32 $0x1, s1  }
0x68: {  	s9 =	simm.s32 @!p0 $0x0;
	s12 =	sshll.u32 s1, $0x7;
	s11 =	sshll.u32 s10, $0xE  }
0x69: {  	s12 =	sand.u32 $0x780, s12;
	s10 =	sadd.s32 $0x1, s10;
	s11 =	sor.u32 $0x1000, s11  }
0x6a: {  	[tilespmem:s11], [sflag:s10] =	stream.indirect.gather [hbm4b:s4+s30], $0x80, s12, s30, $0xb8;
	[tilespmem:$0x1D000] =	vst v63  }
.LBB2_7:
0x6b: {  	s10 =	sshll.u32 s9, $0xE;
	p0 =	slt.u32 s1, $0x50  }
.Ltmp4:
0x6c: {  	s11 =	sadd.s32 $0x1, s9;
	s3 =	sshll.u32 s3, $0xA;
	(pc) =	sbr.rel @!p0 .LBB2_8-.Ltmp4, $4  }
0x6d: {  	s12 =	sshll.u32 s29, $0x7;
	_ =	swait.ge [sflag:s11], $0x4000;
	s3 =	sand.u32 $0x400, s3  }
0x6e: {  	s29 =	sadd.s32 $0x3, s9;
	[sflag:s11] =	ssyncset.done $0x0;
	s3 =	sor.u32 s12, s3  }
0x6f: {  	s10 =	sor.u32 $0x1000, s10;
	[sflag:s11] =	ssyncadd.s32 $0xFFFFC000;
	s3 =	sor.u32 $0x800, s3  }
0x70: {  	[spmem:s2] =	stream.indirect.scatter.add.f32 [tilespmem:s10], [sflag:s29], $0x80, s3, s30, $0xb8;
	[tilespmem:$0x1D000] =	vst v63  }
.LBB2_4:
0x71: {  	s29 =	sand.u32 $0x7, s1;
	p0 =	sgt.u32 s1, $0x47  }
0x72: {  	p1 =	sne.s32 @!p0 s29, $0x0  }
0x73: {  	s3 =	sshrl.u32 s1, $0x3;
	p1 =	por p0, p1  }
0x74: {  	s9 =	sshll.u32 @!p1 s3, $0xA  }
0x75: {  	s9 =	sadd.s32 @!p1 $0x400, s9  }
0x76: {  	s10 =	sadd.s32 @!p1 s7, s9  }
0x77: {  	s10 =	sshrl.u32 @!p1 s10, $0x3  }
0x78: {  	s12 =	simm.s32 @!p1 $0x0;
	s9 =	sand.u32 @!p1 $0x400, s9;
	s11 =	sadd.s32 @!p1 s5, s10  }
0x79: {  	[tilespmem:s9], [sflag:$0x5] =	stream.linear.gather @!p1 [hbm4b:s11+s12], $0x400, $0x38;
	[tilespmem:$0x1D000] =	vst v63  }
0x7a: {  	s11 =	simm.s32 @!p1 $0x5  }
0x7b: {  	_ =	swait.ge @!p1 [sflag:s11], $0x400  }
0x7c: {  	[sflag:s11] =	ssyncset.done @!p1 $0x0  }
0x7d: {  	s10 =	sadd.s32 @!p1 s6, s10;
	s9 =	sor.u32 @!p1 $0x800, s9;
	[sflag:s11] =	ssyncadd.s32 @!p1 $0xFFFFFC00  }
0x7e: {  	[tilespmem:s9], [sflag:$0x5] =	stream.linear.gather @!p1 [hbm4b:s10+s12], $0x400, $0x38;
	[tilespmem:$0x1D000] =	vst v63  }
0x7f: {  	p0 =	seq.s32 @!p1 s1, $0x0;
	_ =	swait.ge @!p1 [sflag:s11], $0x400  }
0x80: {  	p0 =	por p1, !p0;
	[sflag:s11] =	ssyncset.done @!p1 $0x0  }
0x81: {  	[sflag:s11] =	ssyncadd.s32 @!p1 $0xFFFFFC00;
	p1 =	seq.s32 @p0 s1, $0x4F  }
0x82: {  	s9 =	sand.u32 @p0 $0x1, s1;
	p1 =	por !p0, !p1  }
.Ltmp5:
0x83: {  	s10 =	sxor.u32 @p0 $0x1, s9;
	(pc) =	sbr.rel @p1 .LBB2_6-.Ltmp5, $4  }
0x84: {  	s10 =	sadd.s32 @p0 $0x3, s10  }
0x85: {  	_ =	swait.ge @p0 [sflag:s10], $0x4000  }
0x86: {  	[sflag:s10] =	ssyncset.done @p0 $0x0  }
0x87: {  	[sflag:s10] =	ssyncadd.s32 @p0 $0xFFFFC000  }
.Ltmp6:
0x88: {  	(pc) =	sbr.rel .LBB2_7-.Ltmp6, $2  }
0x89: {  	_ =	sdelay $0x2  }
0x8a: {  	s1 =	simm.s32 @p0 $0x50;
	s9 =	simm.s32 @p0 $0x1  }
.LBB2_9:
0x8b: {  	_ =	sfence.sel $0x180000  }
0x8c: {  	[bflag:$0x0] =	sbarrier.arrive $0xFFFF  }
0x8d: {  	_ =	strace $0x9000004D  }
0x8e: {  	s0 =	stileid.u32;
	[bflag:$0x2] =	sbarrier.arrive $0xFFFF  }
0x8f: {  	p0 =	sne.s32 s0, $0x0;
	s0 =	rddreg [dreg:$0x2]  }
0x90: {  	s0 =	sadd.s32 @!p0 $0x100000, s0  }
0x91: {  	[sflag:s0] =	ssyncadd.tile.s32 @!p0 $0x1;
	_ =	shalt  }
.Lfunc_end2:
_tile_overlayer_lowered:
.L_overlay_start_2:
0x92: {  	(tag) =	ssettag $0x2  }
0x93: {  	s0 =	rddreg [dreg:$0x0];
	s2 =	stileid.u32  }
0x94: {  	s1 =	rddreg [dreg:$0x1];
	p0 =	sne.s32 s2, $0x0  }
0x95: {  	s3 =	rddreg [dreg:$0x2];
	[bflag:$0x3] =	sbarrier.arrive $0xFFFF;
	s2 =	simm.s32 @!p0 $0x1C05  }
0x96: {  	[timem:s3], [sflag:s2] =	dma.local @!p0 [hbm:s0], s1  }
0x97: {  	s0 =	simm.s32 @!p0 $0x5  }
0x98: {  	_ =	swait.ge @!p0 [sflag:s0], s1  }
0x99: {  	s1 =	ssub.s32 @!p0 $0x0, s1;
	[sflag:s0] =	ssyncset.done @!p0 $0x0  }
0x9a: {  	[sflag:s0] =	ssyncadd.s32 @!p0 s1  }
0x9b: {  	[bflag:$0x3] =	sbarrier.arrive $0xFFFF  }
0x9c: {  	_ =	shalt  }

// kernel: kernel.9.cloned.1.call-start
scs
__scs_entry_jumppad:
0x0: {  	(pc) =	sbr.rel $0x88, $3  }
0x1: {  	(tag) =	ssettag $0x0;
	lr =	simm.s32 $0x1  }
0x2: {  	[smem:$0x3F99] =	sst lr;
	_ =	strace $0xD0000000  }
0x3: {  	_ = 	snop  }
0x4: {  	_ = 	snop  }
0x5: {  	_ = 	snop  }
0x6: {  	_ = 	snop  }
0x7: {  	_ = 	snop  }
__scs_overlays_trampoline_lowered:
0x8: {  	[smem:$0x3FA8] =	sst s0  }
0x9: {  	[smem:$0x3FA9] =	sst s1  }
0xa: {  	[smem:$0x3FAA] =	sst s2  }
0xb: {  	[smem:$0x3FAB] =	sst s3  }
0xc: {  	[smem:$0x3FAC] =	sst s4  }
0xd: {  	[smem:$0x3FAD] =	sst s5  }
0xe: {  	[smem:$0x3FAE] =	sst s6  }
0xf: {  	[smem:$0x3FAF] =	sst s7  }
0x10: {  	[smem:$0x3FB0] =	sst s8  }
0x11: {  	[smem:$0x3FB1] =	sst s9;
	s0 =	simm.s32 @!p0 $0x0  }
0x12: {  	s1 =	sld [smem:$0x3F97];
	s0 =	simm.s32 @p0 $0x1  }
0x13: {  	[smem:$0x3FB2] =	sst s0;
	s0 =	simm.s32 @!p1 $0x0  }
0x14: {  	s2 =	sld [smem:$0x3F96];
	s0 =	simm.s32 @p1 $0x1  }
0x15: {  	[smem:$0x3FB3] =	sst s0;
	s0 =	simm.s32 @!p2 $0x0  }
0x16: {  	s3 =	sld [smem:$0x3FDB];
	s0 =	simm.s32 @p2 $0x1  }
0x17: {  	s4 =	simm.s32 $0x1BF5;
	[smem:$0x3FB5] =	sst s0  }
0x18: {  	s0 =	sld [smem:$0x3F98];
	_ =	swait.ge [sflag:s4], $0x0  }
0x19: {  	s7 =	sld [smem:$0x3F99]  }
0x1a: {  	s8 =	sadd.s32 $0xFFFFE003, lr  }
0x1b: {  	s9 =	sadd.s32 $0xFFFFFEF7, lr;
	s5 =	simm.s32 $0xFFFFFFFF;
	p2 =	slt.u32 s8, $0xFFFFF086  }
0x1c: {  	p1 =	slt.u32 s9, $0xF7A;
	s5 =	simm.s32 @!p2 $0x0  }
0x1d: {  	s5 =	simm.s32 @p1 $0x1;
	p0 =	seq.s32 s7, s2  }
0x1e: {  	s7 =	smul.u32 @!p0 $0xF7A, s2;
	p2 =	seq.s32 @!p0 s5, $0x0  }
0x1f: {  	s9 =	smul.u32 $0xF7A, s1;
	s8 =	simm.s32 @!p0 $0x1BF5;
	p2 =	por !p2, p0  }
0x20: {  	[sflag:s8] =	ssyncset.s32 @!p0 $0xFFFFF086;
	s6 =	sadd.s32 @!p0 s3, s7;
	s7 =	simm.s32 @!p0 $0x108  }
0x21: {  	s3 =	sadd.s32 s3, s9;
	s6 =	sadd.s32 @!p0 $0x88, s6;
	s7 =	simm.s32 @p2 $0x1082  }
0x22: {  	[simem:s7], [sflag:s8] =	dma.local @!p0 [hbm:s6], $0xF7A  }
0x23: {  	s9 =	sor.u32 $0xD0000000, s2;
	s6 =	simm.s32 $0x108;
	_ =	swait.ge @!p0 [sflag:s8], $0x0  }
0x24: {  	s3 =	sadd.s32 $0x88, s3;
	s6 =	simm.s32 @!p1 $0x1082;
	[sflag:s4] =	ssyncset.s32 $0xFFFFF086  }
0x25: {  	[simem:s6], [sflag:s4] =	dma.local [hbm:s3], $0xF7A  }
0x26: {  	[smem:$0x3F99] =	sst s1;
	(tag) =	ssettag s2;
	_ =	strace s9  }
0x27: {  	s1 =	sld [smem:$0x3FA9]  }
0x28: {  	s2 =	sld [smem:$0x3FAA]  }
0x29: {  	s4 =	sld [smem:$0x3FAC]  }
0x2a: {  	p0 =	seq.s32 s5, $0x0;
	s5 =	sld [smem:$0x3FAD]  }
0x2b: {  	s6 =	sld [smem:$0x3FAE]  }
0x2c: {  	s7 =	sld [smem:$0x3FAF]  }
0x2d: {  	s3 =	simm.s32 $0x108;
	s8 =	sld [smem:$0x3FB0]  }
0x2e: {  	s3 =	simm.s32 @!p0 $0x1082;
	s9 =	sld [smem:$0x3FB1]  }
0x2f: {  	lr =	sadd.s32 s0, s3;
	s0 =	sld [smem:$0x3FA8]  }
0x30: {  	s3 =	sld [smem:$0x3FAB]  }
0x31: {  	[smem:$0x3FB4] =	sst s10  }
0x32: {  	s10 =	sld [smem:$0x3FB2];
	_ =	sdelay $0x3  }
0x33: {  	p0 =	seq.s32 s10, $0x1;
	s10 =	sld [smem:$0x3FB4];
	_ =	sdelay $0x3  }
0x34: {  	[smem:$0x3FB4] =	sst s10  }
0x35: {  	s10 =	sld [smem:$0x3FB3];
	_ =	sdelay $0x3  }
0x36: {  	p1 =	seq.s32 s10, $0x1;
	s10 =	sld [smem:$0x3FB4];
	_ =	sdelay $0x3  }
0x37: {  	[smem:$0x3FB4] =	sst s10  }
0x38: {  	s10 =	sld [smem:$0x3FB5]  }
0x39: {  	_ = 	snop;
	(pc) =	sbr.ind lr, $3  }
0x3a: {  	_ = 	snop  }
0x3b: {  	_ = 	snop  }
0x3c: {  	p2 =	seq.s32 s10, $0x1;
	s10 =	sld [smem:$0x3FB4]  }
0x3d: {  	_ =	shalt  }
0x3e: {  	_ =	shalt  }
0x3f: {  	_ =	shalt  }
0x40: {  	_ =	shalt  }
0x41: {  	_ =	shalt  }
0x42: {  	_ =	shalt  }
0x43: {  	_ =	shalt  }
0x44: {  	_ =	shalt  }
0x45: {  	_ =	shalt  }
0x46: {  	_ =	shalt  }
0x47: {  	_ =	shalt  }
0x48: {  	_ =	shalt  }
0x49: {  	_ =	shalt  }
0x4a: {  	_ =	shalt  }
0x4b: {  	_ =	shalt  }
0x4c: {  	_ =	shalt  }
0x4d: {  	_ =	shalt  }
0x4e: {  	_ =	shalt  }
0x4f: {  	_ =	shalt  }
0x50: {  	_ =	shalt  }
0x51: {  	_ =	shalt  }
0x52: {  	_ =	shalt  }
0x53: {  	_ =	shalt  }
0x54: {  	_ =	shalt  }
0x55: {  	_ =	shalt  }
0x56: {  	_ =	shalt  }
0x57: {  	_ =	shalt  }
0x58: {  	_ =	shalt  }
0x59: {  	_ =	shalt  }
0x5a: {  	_ =	shalt  }
0x5b: {  	_ =	shalt  }
0x5c: {  	_ =	shalt  }
0x5d: {  	_ =	shalt  }
0x5e: {  	_ =	shalt  }
0x5f: {  	_ =	shalt  }
0x60: {  	_ =	shalt  }
0x61: {  	_ =	shalt  }
0x62: {  	_ =	shalt  }
0x63: {  	_ =	shalt  }
0x64: {  	_ =	shalt  }
0x65: {  	_ =	shalt  }
0x66: {  	_ =	shalt  }
0x67: {  	_ =	shalt  }
0x68: {  	_ =	shalt  }
0x69: {  	_ =	shalt  }
0x6a: {  	_ =	shalt  }
0x6b: {  	_ =	shalt  }
0x6c: {  	_ =	shalt  }
0x6d: {  	_ =	shalt  }
0x6e: {  	_ =	shalt  }
0x6f: {  	_ =	shalt  }
0x70: {  	_ =	shalt  }
0x71: {  	_ =	shalt  }
0x72: {  	_ =	shalt  }
0x73: {  	_ =	shalt  }
0x74: {  	_ =	shalt  }
0x75: {  	_ =	shalt  }
0x76: {  	_ =	shalt  }
0x77: {  	_ =	shalt  }
0x78: {  	_ =	shalt  }
0x79: {  	_ =	shalt  }
0x7a: {  	_ =	shalt  }
0x7b: {  	_ =	shalt  }
0x7c: {  	_ =	shalt  }
0x7d: {  	_ =	shalt  }
0x7e: {  	_ =	shalt  }
0x7f: {  	_ =	shalt  }
0x80: {  	_ =	shalt  }
0x81: {  	_ =	shalt  }
0x82: {  	_ =	shalt  }
0x83: {  	_ =	shalt  }
0x84: {  	_ =	shalt  }
0x85: {  	_ =	shalt  }
0x86: {  	_ =	shalt  }
0x87: {  	_ =	shalt  }
.Lfunc_end0:
.L_simem_size_0:
called_computation_lowered:
.L_overlay_start_0:
0x88: {  	s2 =	sld [smem:$0x3FD9]  }
0x89: {  	s3 =	sld [smem:$0x3FFE];
	_ =	sdelay $0x1  }
0x8a: {  	s1 =	srdreg.scid  }
0x8b: {  	s0 =	sand.u32 $0x1, s1  }
0x8c: {  	s16 =	sshll.u32 s0, $0xA;
	s2 =	sadd.s32 s3, s2  }
0x8d: {  	s2 =	sadd.s32 s2, s16  }
0x8e: {  	[smem:$0x3FC0] =	sst s2  }
0x8f: {  	_ = 	snop  }
0x90: {  	(tm) =	ssettm $0x1  }
0x91: {  	s17 =	sld [smem:$0x3FFB];
	_ =	sdelay $0x3  }
0x92: {  	_ =	strace s17  }
0x93: {  	s2 =	sld [smem:$0x3FFC];
	_ =	sdelay $0x3  }
0x94: {  	_ =	strace s2  }
0x95: {  	s2 =	sld [smem:$0x3FFD];
	_ =	sdelay $0x3  }
0x96: {  	_ =	strace s2  }
0x97: {  	_ =	strace $0x8FFFFFFF  }
0x98: {  	s18 =	sld [smem:$0x3FDB];
	_ =	sdelay $0x1  }
0x99: {  	s19 =	simm.s32 $_scs_section_size  }
0x9a: {  	s4 =	simm.s32 $_size__tile_overlayer_lowered;
	s5 =	simm.s32 $_tile_overlayer_lowered  }
0x9b: {  	s22 =	simm.s32 $0x1BFF;
	s21 =	sshll.u32 s5, $0x1;
	s2 =	sadd.s32 s19, s18  }
0x9c: {  	s6 =	simm.s32 $0x0;
	s20 =	sshll.u32 s4, $0x1;
	s4 =	sadd.s32 s21, s2  }
0x9d: {  	[timem:s6], [sflag:s22] =	dma.local [hbm:s4], s20  }
0x9e: {  	_ =	swait.ge [sflag:s22], s20  }
0x9f: {  	s3 =	ssub.s32 $0x0, s20;
	[sflag:s22] =	ssyncset.done $0x0  }
0xa0: {  	[sflag:s22] =	ssyncadd.s32 s3;
	_ =	sdelay $0x1  }
0xa1: {  	s23 =	simm.s32 $0x1B8B  }
0xa2: {  	_ =	swait.ge [sflag:s23], $0x1  }
0xa3: {  	[sflag:s23] =	ssyncset.done $0x0  }
0xa4: {  	s25 =	simm.s32 $0x1B8E;
	s24 =	sld [smem:$0x3FFE];
	[sflag:s23] =	ssyncadd.s32 $0xFFFFFFFF  }
0xa5: {  	s26 =	simm.s32 $execute0_lowered;
	[smem:$0x3FD2] =	sst s25  }
0xa6: {  	s4 =	sshll.u32 s26, $0x1;
	_ =	strace $0x80000046;
	[dreg:$0x1] =	wrdreg $0xFFFFFFFF  }
0xa7: {  	s28 =	simm.s32 $_size_execute0_lowered;
	s2 =	sadd.s32 s2, s4;
	[dreg:$0x0] =	wrdreg $0x0  }
0xa8: {  	s4 =	sshll.u32 s28, $0x1;
	[dreg:$0x2] =	wrdreg s2  }
0xa9: {  	[dreg:$0x3] =	wrdreg s4  }
0xaa: {  	[dreg:$0x4] =	wrdreg $0xC0  }
0xab: {  	_ =	task [dreg:s6], $0x5FFFF  }
0xac: {  	[dreg:$0x1] =	wrdreg $0xFFFFFFFF  }
0xad: {  	[dreg:$0x0] =	wrdreg $0x60  }
0xae: {  	[dreg:$0x2] =	wrdreg s24  }
0xaf: {  	[dreg:$0x3] =	wrdreg $0x7000  }
0xb0: {  	[dreg:$0x4] =	wrdreg $0x9  }
0xb1: {  	_ =	task.clear_ibuf [dreg:s6], $0x5FFFF;
	_ =	strace $0x90000046  }
0xb2: {  	s29 =	simm.s32 $0x9;
	_ =	strace $0x80000048  }
0xb3: {  	_ =	swait.ge [sflag:s29], $0x1  }
0xb4: {  	[sflag:s29] =	ssyncadd.s32 $0xFFFFFFFF  }
0xb5: {  	_ =	strace $0x90000048  }
0xb6: {  	_ =	sfence  }
0xb7: {  	s30 =	sld [smem:$0x0];
	_ =	sdelay $0x2  }
0xb8: {  	s31 =	sshll.u32 s1, $0xD;
	s1 =	sshrl.u32 s1, $0x2  }
0xb9: {  	s3 =	sand.u32 $0x4000, s31;
	s1 =	sadd.s32 s1, s30  }
0xba: {  	s0 =	sor.u32 s3, s0;
	s1 =	sshll.u32 s1, $0x11  }
0xbb: {  	s0 =	sor.u32 s1, s0  }
0xbc: {  	s0 =	sadd.s32 $0x8F2B, s0  }
0xbd: {  	[sflag:s0] =	ssyncadd.remote.s32 $0x1  }
0xbe: {  	_ =	sfence.sel $0xFFFF  }
0xbf: {  	[dreg:$0x0] =	wrdreg $0xFFFFFFFF;
	(pc) =	sbr.abs _section_cstart, $3  }
0xc0: {  	[dreg:$0x1] =	wrdreg $0xFFFFFFFF  }
0xc1: {  	_ =	task.clear_ibuf [dreg:s6], $0x2FFFF;
	_ =	strace $0x9FFFFFFF  }
0xc2: {  	(tm) =	ssettm $0x7FFFFFFF  }
0xc3: {  	_ =	shalt  }
tec
execute0_lowered:
.L_overlay_start_1:
0x0: {  	(tag) =	ssettag $0x1  }
0x1: {  	s4 =	rddreg [dreg:$0x0]  }
0x2: {  	s0 =	srdreg.scid;
	s2 =	rddreg [dreg:$0x1]  }
0x3: {  	s1 =	rddreg [dreg:$0x2];
	s5 =	sand.u32 $0x1, s0  }
0x4: {  	s0 =	stileid.u32;
	s6 =	smul.u32 $0x28000, s5  }
0x5: {  	s3 =	simm.s32 $0x0;
	s11 =	simm.s32 $0x400;
	s7 =	smul.u32 $0x2800, s0  }
0x6: {  	s14 =	simm.s32 $0x0;
	[smem:$0x7FF] =	sst s3;
	s8 =	smul.u32 $0x280, s0  }
0x7: {  	s9 =	smul.u32 $0x2800, s5;
	s5 =	ssub.s32 $0x2, s5;
	s12 =	sshll.u32 s0, $0x6  }
0x8: {  	_ =	strace $0x80000047;
	s29 =	sshrl.u32 s5, $0x1;
	s12 =	sor.u32 $0x1C01, s12  }
0x9: {  	s6 =	sadd.s32 s7, s6;
	s28 =	sadd.s32 s8, s9;
	s31 =	ssub.s32 s5, s29  }
0xa: {  	s9 =	simm.s32 $0x1;
	s6 =	sshrl.u32 s6, $0x3;
	s7 =	sshrl.u32 s28, $0x3  }
0xb: {  	s10 =	sadd.s32 s6, s4;
	s30 =	sadd.s32 s7, s4;
	s4 =	sadd.s32 s8, s2  }
0xc: {  	s6 =	smax.u32 s31, $0x1;
	s8 =	simm.s32 $0x480;
	s5 =	sadd.s32 $0x16C00, s30  }
0xd: {  	v0 =	vimm.f32 $1.000000000e+00;
	v1 =	vimm.f32 $0.0e+00;
	s7 =	sadd.s32 $0x2C00, s10;
	s10 =	simm.s32 $0x80;
	s13 =	sshrl.u32 s4, $0x3  }
.LBB2_1:
0xe: {  	[tilespmem:$0x400] =	vst v0  }
0xf: {  	[tilespmem:$0x410] =	vst v0  }
0x10: {  	[tilespmem:$0x420] =	vst v0  }
0x11: {  	[tilespmem:$0x430] =	vst v0  }
0x12: {  	[tilespmem:$0x440] =	vst v0  }
0x13: {  	[tilespmem:$0x450] =	vst v0  }
0x14: {  	[tilespmem:$0x460] =	vst v0  }
0x15: {  	[tilespmem:$0x470] =	vst v0  }
0x16: {  	[tilespmem:$0x480] =	vst v1  }
0x17: {  	[tilespmem:$0x490] =	vst v1  }
0x18: {  	[tilespmem:$0x4A0] =	vst v1  }
0x19: {  	[tilespmem:$0x4B0] =	vst v1  }
0x1a: {  	[tilespmem:$0x4C0] =	vst v1  }
0x1b: {  	[tilespmem:$0x4D0] =	vst v1  }
0x1c: {  	[tilespmem:$0x4E0] =	vst v1  }
0x1d: {  	[tilespmem:$0x4F0] =	vst v1  }
0x1e: {  	[tilespmem:$0x500] =	vst v1  }
0x1f: {  	[tilespmem:$0x510] =	vst v1  }
0x20: {  	[tilespmem:$0x520] =	vst v1  }
0x21: {  	[tilespmem:$0x530] =	vst v1  }
0x22: {  	[tilespmem:$0x540] =	vst v1  }
0x23: {  	[tilespmem:$0x550] =	vst v1  }
0x24: {  	[tilespmem:$0x560] =	vst v1  }
0x25: {  	[tilespmem:$0x570] =	vst v1  }
0x26: {  	[tilespmem:$0x580] =	vst v1  }
0x27: {  	[tilespmem:$0x590] =	vst v1  }
0x28: {  	[tilespmem:$0x5A0] =	vst v1  }
0x29: {  	[tilespmem:$0x5B0] =	vst v1  }
0x2a: {  	[tilespmem:$0x5C0] =	vst v1  }
0x2b: {  	[tilespmem:$0x5D0] =	vst v1  }
0x2c: {  	[tilespmem:$0x5E0] =	vst v1  }
0x2d: {  	[tilespmem:$0x5F0] =	vst v1  }
0x2e: {  	[tilespmem:$0x600] =	vst v1  }
0x2f: {  	[tilespmem:$0x610] =	vst v1  }
0x30: {  	[tilespmem:$0x620] =	vst v1  }
0x31: {  	[tilespmem:$0x630] =	vst v1  }
0x32: {  	[tilespmem:$0x640] =	vst v1  }
0x33: {  	[tilespmem:$0x650] =	vst v1  }
0x34: {  	[tilespmem:$0x660] =	vst v1  }
0x35: {  	[tilespmem:$0x670] =	vst v1  }
0x36: {  	[tilespmem:$0x680] =	vst v1  }
0x37: {  	[tilespmem:$0x690] =	vst v1  }
0x38: {  	[tilespmem:$0x6A0] =	vst v1  }
0x39: {  	[tilespmem:$0x6B0] =	vst v1  }
0x3a: {  	[tilespmem:$0x6C0] =	vst v1  }
0x3b: {  	[tilespmem:$0x6D0] =	vst v1  }
0x3c: {  	[tilespmem:$0x6E0] =	vst v1  }
0x3d: {  	[tilespmem:$0x6F0] =	vst v1  }
0x3e: {  	[spmem:s4] =	stream.linear.scatter [tilespmem:s8], [sflag:$0x1], $0x280, $0x38;
	[tilespmem:$0x980] =	vst v63  }
0x3f: {  	_ =	swait.ge [sflag:s9], $0x280  }
0x40: {  	s15 =	sand.u32 $0x7, s3;
	[sflag:s9] =	ssyncset.done $0x0  }
0x41: {  	p0 =	sne.s32 s15, $0x0;
	[sflag:s9] =	ssyncadd.s32 $0xFFFFFD80  }
0x42: {  	s16 =	simm.s32 @!p0 $0x0;
	s17 =	simm.s32 @!p0 $0x1;
	[bflag:$0x0] =	sbarrier.arrive $0xFFFF  }
0x43: {  	[tilespmem:s16], [sflag:$0x1] =	stream.linear.gather @!p0 [hbm4b:s7+s16], $0x400, $0x38;
	[tilespmem:$0x980] =	vst v63  }
0x44: {  	_ =	swait.ge @!p0 [sflag:s17], $0x400  }
0x45: {  	[sflag:s17] =	ssyncset.done @!p0 $0x0  }
0x46: {  	s18 =	simm.s32 $0x1;
	s15 =	sshll.u32 s15, $0x7;
	[sflag:s17] =	ssyncadd.s32 @!p0 $0xFFFFFC00  }
0x47: {  	[spmem:s2] =	stream.indirect.scatter.add.f32 [tilespmem:s11], [sflag:$0x1], $0x1, s15, s10, $0xb8;
	[tilespmem:$0x980] =	vst v63  }
0x48: {  	s16 =	simm.s32 $0x2;
	s15 =	sand.u32 $0x7, s18;
	_ =	swait.ge [sflag:s9], $0x80  }
0x49: {  	s17 =	sadd.s32 $0x10, s7;
	p0 =	sne.s32 s15, $0x0;
	[sflag:s9] =	ssyncset.done $0x0  }
.LBB2_2:
0x4a: {  	s18 =	simm.s32 @!p0 $0x0;
	s19 =	simm.s32 @!p0 $0x1;
	[sflag:s9] =	ssyncadd.s32 $0xFFFFFF80  }
0x4b: {  	[tilespmem:s18], [sflag:$0x1] =	stream.linear.gather @!p0 [hbm4b:s17+s18], $0x400, $0x38;
	[tilespmem:$0x980] =	vst v63  }
0x4c: {  	s18 =	smov.u32 s16;
	s16 =	sadd.s32 $0x1, s16  }
0x4d: {  	_ =	swait.ge @!p0 [sflag:s19], $0x400;
	p1 =	sne.s32 s16, $0x50  }
.Ltmp0:
0x4e: {  	[sflag:s19] =	ssyncset.done @!p0 $0x0;
	(pc) =	sbr.rel @p1 .LBB2_2-.Ltmp0, $4  }
0x4f: {  	s15 =	sshll.u32 s15, $0x7;
	[sflag:s19] =	ssyncadd.s32 @!p0 $0xFFFFFC00  }
0x50: {  	[spmem:s2] =	stream.indirect.scatter.add.f32 [tilespmem:s11], [sflag:$0x1], $0x1, s15, s10, $0xb8;
	[tilespmem:$0x980] =	vst v63  }
0x51: {  	s15 =	sand.u32 $0x7, s18;
	_ =	swait.ge [sflag:s9], $0x80  }
0x52: {  	s17 =	sadd.s32 $0x10, s17;
	p0 =	sne.s32 s15, $0x0;
	[sflag:s9] =	ssyncset.done $0x0  }
0x53: {  	s16 =	simm.s32 @!p0 $0x0;
	s18 =	simm.s32 @!p0 $0x1;
	[sflag:s9] =	ssyncadd.s32 $0xFFFFFF80  }
0x54: {  	[tilespmem:s16], [sflag:$0x1] =	stream.linear.gather @!p0 [hbm4b:s17+s16], $0x400, $0x38;
	[tilespmem:$0x980] =	vst v63  }
0x55: {  	_ =	swait.ge @!p0 [sflag:s18], $0x400  }
0x56: {  	[sflag:s18] =	ssyncset.done @!p0 $0x0  }
0x57: {  	s15 =	sshll.u32 s15, $0x7;
	[sflag:s18] =	ssyncadd.s32 @!p0 $0xFFFFFC00  }
0x58: {  	[spmem:s2] =	stream.indirect.scatter.add.f32 [tilespmem:s11], [sflag:$0x1], $0x1, s15, s10, $0xb8;
	[tilespmem:$0x980] =	vst v63  }
0x59: {  	_ =	swait.ge [sflag:s9], $0x80  }
0x5a: {  	s14 =	sadd.s32 $0x1, s14;
	[sflag:s9] =	ssyncset.done $0x0  }
0x5b: {  	p0 =	sne.s32 s14, s6;
	[sflag:s9] =	ssyncadd.s32 $0xFFFFFF80  }
.Ltmp1:
0x5c: {  	[bflag:$0x0] =	sbarrier.arrive $0xFFFF;
	(pc) =	sbr.rel @p0 .LBB2_1-.Ltmp1, $4  }
0x5d: {  	[hbm:s5], [sflag:s12] =	dma.local [spmem:s13], $0x50  }
0x5e: {  	_ =	swait.ge [sflag:s9], $0x50  }
0x5f: {  	[sflag:s9] =	ssyncset.done $0x0  }
0x60: {  	[sflag:s9] =	ssyncadd.s32 $0xFFFFFFB0  }
0x61: {  	_ =	sfence.sel $0x180000  }
0x62: {  	[bflag:$0x0] =	sbarrier.arrive $0xFFFF  }
0x63: {  	p0 =	sne.s32 s0, $0x0;
	_ =	strace $0x90000047  }
0x64: {  	s0 =	sadd.s32 @!p0 $0x100000, s1;
	[bflag:$0x2] =	sbarrier.arrive $0xFFFF  }
0x65: {  	[sflag:s0] =	ssyncadd.tile.s32 @!p0 $0x1;
	_ =	shalt  }
.Lfunc_end2:
_tile_overlayer_lowered:
.L_overlay_start_2:
0x66: {  	(tag) =	ssettag $0x2  }
0x67: {  	s0 =	rddreg [dreg:$0x0];
	s2 =	stileid.u32  }
0x68: {  	s1 =	rddreg [dreg:$0x1];
	p0 =	sne.s32 s2, $0x0  }
0x69: {  	s3 =	rddreg [dreg:$0x2];
	[bflag:$0x3] =	sbarrier.arrive $0xFFFF;
	s2 =	simm.s32 @!p0 $0x1C01  }
0x6a: {  	[timem:s3], [sflag:s2] =	dma.local @!p0 [hbm:s0], s1  }
0x6b: {  	s0 =	simm.s32 @!p0 $0x1  }
0x6c: {  	_ =	swait.ge @!p0 [sflag:s0], s1  }
0x6d: {  	s1 =	ssub.s32 @!p0 $0x0, s1;
	[sflag:s0] =	ssyncset.done @!p0 $0x0  }
0x6e: {  	[sflag:s0] =	ssyncadd.s32 @!p0 s1  }
0x6f: {  	[bflag:$0x3] =	sbarrier.arrive $0xFFFF  }
0x70: {  	_ =	shalt  }

</sc_bundles>
